<compile_context>
chip_gen: v7x
topology: tpu7x:2x2x1
jax: 0.10.2.dev20260603
libtpu: 0.0.44.dev20260713+nightly
codegen_flags: <defaults>
</compile_context>

<pallas_src>
import functools

import jax
import jax.numpy as jnp
from jax import lax
from jax.experimental import pallas as pl
from jax.experimental.pallas import tpu as pltpu
from jax.experimental.pallas import tpu_sc as plsc

N = 10000
E = 320000
D = 128
DE = 16
NC, NS = 2, 16
NW = NC * NS
NPAD = 10240
EPAD = 327680
G = 128
GPW = EPAD // NW // G
ROWS_PER_TILE = NPAD // NS

_mesh = functools.partial(
    plsc.VectorSubcoreMesh, core_axis_name="c", subcore_axis_name="s")

f32 = jnp.float32
i32 = jnp.int32


def _worker_id():
    return lax.axis_index("s") * NC + lax.axis_index("c")



@functools.partial(
    pl.kernel, mesh=_mesh(),
    out_type=jax.ShapeDtypeStruct((NC, NPAD), f32),
    scratch_types=[
        pltpu.VMEM((ROWS_PER_TILE,), f32),
        pltpu.VMEM((G,), f32),
        pltpu.VMEM((GPW, G), i32),
        pltpu.VMEM_SHARED((NPAD,), f32),
    ],
)
def _sc_degree(dst2d_hbm, out_hbm, zb, ones_v, didx, sdeg):
    c = lax.axis_index("c")
    sid = lax.axis_index("s")
    wid = _worker_id()

    def _init(i, _):
        zb[pl.ds(i * 16, 16)] = jnp.zeros((16,), f32)
        ones_v[pl.ds((i % 8) * 16, 16)] = jnp.full((16,), 1.0, f32)
        return _
    lax.fori_loop(0, ROWS_PER_TILE // 16, _init, None)

    pltpu.sync_copy(zb, sdeg.at[pl.ds(sid * ROWS_PER_TILE, ROWS_PER_TILE)])
    pltpu.sync_copy(dst2d_hbm.at[pl.ds(wid * GPW, GPW)], didx)
    plsc.subcore_barrier()

    def _scat(g, _):
        pltpu.sync_copy(ones_v, sdeg.at[didx.at[g]], add=True)
        return _
    lax.fori_loop(0, GPW, _scat, None)
    plsc.subcore_barrier()

    pltpu.sync_copy(sdeg.at[pl.ds(sid * ROWS_PER_TILE, ROWS_PER_TILE)], zb)
    pltpu.sync_copy(zb, out_hbm.at[c, pl.ds(sid * ROWS_PER_TILE, ROWS_PER_TILE)])



@functools.partial(
    pl.kernel, mesh=_mesh(),
    out_type=jax.ShapeDtypeStruct((NC, NPAD, D), f32),
    scratch_types=[
        pltpu.VMEM((G, D), f32),
        pltpu.VMEM((G, D), f32),
        pltpu.VMEM((GPW * G,), i32),
        pltpu.VMEM((1, G), i32),
        pltpu.VMEM((1, G), i32),
        pltpu.VMEM_SHARED((NPAD, D), f32),
        pltpu.SemaphoreType.DMA,
        pltpu.SemaphoreType.DMA,
        pltpu.SemaphoreType.DMA,
        pltpu.SemaphoreType.DMA,
        pltpu.SemaphoreType.DMA,
        pltpu.SemaphoreType.DMA,
    ],
)
def _sc_scatter(y_hbm, src_hbm, dst2d_hbm, out_hbm, rows0, rows1,
                sidx, didx0, didx1, sacc, sem0, sem1, dsem0, dsem1,
                ssem0, ssem1):
    c = lax.axis_index("c")
    sid = lax.axis_index("s")
    wid = _worker_id()

    def _zrow(i, _):
        for j in range(D // 16):
            rows0[i, pl.ds(j * 16, 16)] = jnp.zeros((16,), f32)
        return _
    lax.fori_loop(0, G, _zrow, None)

    def _zacc(t, _):
        pltpu.sync_copy(rows0, sacc.at[pl.ds(sid * ROWS_PER_TILE + t * G, G)])
        return _
    lax.fori_loop(0, ROWS_PER_TILE // G, _zacc, None)

    pltpu.sync_copy(src_hbm.at[pl.ds(wid * (GPW * G), GPW * G)], sidx)
    plsc.subcore_barrier()

    rows = (rows0, rows1)
    sems = (sem0, sem1)
    didx = (didx0, didx1)
    dsems = (dsem0, dsem1)

    def _issue(g, b):
        pltpu.async_copy(y_hbm.at[sidx.at[pl.ds(g * G, G)]], rows[b], sems[b])
        pltpu.async_copy(dst2d_hbm.at[pl.ds(wid * GPW + g, 1)], didx[b],
                         dsems[b])

    _issue(0, 0)

    ssems = (ssem0, ssem1)

    def _pair(p, _):
        for b in range(2):
            g = p * 2 + b

            @pl.when(g >= 1)
            def _():
                pltpu.make_async_copy(
                    rows[1 - b], sacc.at[didx[1 - b].at[0]],
                    ssems[1 - b]).wait()

            @pl.when(g + 1 < GPW)
            def _():
                _issue(g + 1, 1 - b)
            pltpu.make_async_copy(y_hbm.at[sidx.at[pl.ds(g * G, G)]],
                                  rows[b], sems[b]).wait()
            pltpu.make_async_copy(dst2d_hbm.at[pl.ds(wid * GPW + g, 1)],
                                  didx[b], dsems[b]).wait()
            pltpu.async_copy(rows[b], sacc.at[didx[b].at[0]], ssems[b],
                             add=True)
        return _
    lax.fori_loop(0, GPW // 2, _pair, None)
    pltpu.make_async_copy(rows[1], sacc.at[didx[1].at[0]], ssems[1]).wait()
    plsc.subcore_barrier()

    def _wb(t, _):
        base = sid * ROWS_PER_TILE + t * G
        pltpu.sync_copy(sacc.at[pl.ds(base, G)], rows0)
        pltpu.sync_copy(rows0, out_hbm.at[c, pl.ds(base, G)])
        return _
    lax.fori_loop(0, ROWS_PER_TILE // G, _wb, None)



EPW = E // NW
HGRP = (EPW + G - 1) // G


@functools.partial(
    pl.kernel, mesh=_mesh(),
    out_type=jax.ShapeDtypeStruct((E * DE,), f32),
    scratch_types=[
        pltpu.VMEM((EPW,), i32),
        pltpu.VMEM((EPW,), i32),
        pltpu.VMEM((G, D), f32),
        pltpu.VMEM((G, D), f32),
        pltpu.VMEM((G, D), f32),
        pltpu.VMEM((G, D), f32),
        pltpu.VMEM((G * DE,), f32),
        pltpu.SemaphoreType.DMA,
        pltpu.SemaphoreType.DMA,
        pltpu.SemaphoreType.DMA,
        pltpu.SemaphoreType.DMA,
    ],
)
def _sc_head(tab_hbm, src_hbm, dst_hbm, out_hbm, sidx, didx,
             abuf0, abuf1, bbuf0, bbuf1, ob, sa0, sa1, sb0, sb1):
    wid = _worker_id()

    pltpu.sync_copy(src_hbm.at[pl.ds(wid * EPW, EPW)], sidx)
    pltpu.sync_copy(dst_hbm.at[pl.ds(wid * EPW, EPW)], didx)

    abufs, bbufs = (abuf0, abuf1), (bbuf0, bbuf1)
    sas, sbs = (sa0, sa1), (sb0, sb1)

    def _gather(g, b):
        off = lax.min(g * G, EPW - G)
        pltpu.async_copy(tab_hbm.at[sidx.at[pl.ds(off, G)]], abufs[b], sas[b])
        pltpu.async_copy(tab_hbm.at[didx.at[pl.ds(off, G)]], bbufs[b], sbs[b])

    _gather(0, 0)

    def _odd(g, b):
        off = lax.min(g * G, EPW - G)

        @pl.when(g + 1 < HGRP)
        def _():
            _gather(g + 1, 1 - b)
        pltpu.make_async_copy(tab_hbm.at[sidx.at[pl.ds(off, G)]],
                              abufs[b], sas[b]).wait()
        pltpu.make_async_copy(tab_hbm.at[didx.at[pl.ds(off, G)]],
                              bbufs[b], sbs[b]).wait()

        ab, bb = abufs[b], bbufs[b]

        def _add(j, _2):
            ob[pl.ds(j * DE, DE)] = ab[j, pl.ds(0, DE)] + bb[j, pl.ds(DE, DE)]
            return _2
        lax.fori_loop(0, G, _add, None)
        base = wid * EPW + off
        pltpu.sync_copy(ob, out_hbm.at[pl.ds(base * DE, G * DE)])

    def _pair(p, _):
        _odd(p * 2, 0)
        _odd(p * 2 + 1, 1)
        return _
    lax.fori_loop(0, HGRP // 2, _pair, None)
    _odd(HGRP - 1, (HGRP - 1) % 2)



BLK = 512
GRID = NPAD // BLK


def _tca_body(xp_ref, w1_ref, xw_ref):
    xw_ref[...] = jnp.dot(xp_ref[...], w1_ref[...], preferred_element_type=f32)


def _tca(xp, w1):
    return pl.pallas_call(
        _tca_body,
        grid=(GRID,),
        in_specs=[
            pl.BlockSpec((BLK, D), lambda i: (i, 0)),
            pl.BlockSpec((D, D), lambda i: (0, 0)),
        ],
        out_specs=pl.BlockSpec((BLK, D), lambda i: (i, 0)),
        out_shape=jax.ShapeDtypeStruct((NPAD, D), f32),
    )(xp, w1)


def _tcb_body(xw_ref, degp_ref, dinv_ref, y1_ref):
    deg = 1.0 + degp_ref[0, :] + degp_ref[1, :]
    dinv = lax.rsqrt(deg)
    dinv_ref[...] = dinv
    y1_ref[...] = xw_ref[...] * dinv[:, None]


def _tcb(xw, degp):
    return pl.pallas_call(
        _tcb_body,
        grid=(GRID,),
        in_specs=[
            pl.BlockSpec((BLK, D), lambda i: (i, 0)),
            pl.BlockSpec((NC, BLK), lambda i: (0, i)),
        ],
        out_specs=[
            pl.BlockSpec((BLK,), lambda i: (i,)),
            pl.BlockSpec((BLK, D), lambda i: (i, 0)),
        ],
        out_shape=[
            jax.ShapeDtypeStruct((NPAD,), f32),
            jax.ShapeDtypeStruct((NPAD, D), f32),
        ],
    )(xw, degp)


def _tc2_body(y_ref, acc_ref, dinv_ref, b_ref, w_ref, y2_ref):
    i = pl.program_id(0)
    dinv = dinv_ref[...]
    h = (acc_ref[0] + acc_ref[1] + y_ref[...]) * dinv[:, None] + b_ref[...][None, :]
    h = jnp.maximum(h, 0.0)
    rows = lax.broadcasted_iota(i32, (BLK, 1), 0) + i * BLK
    h = jnp.where(rows < N, h, 0.0)
    y2_ref[...] = jnp.dot(h, w_ref[...], preferred_element_type=f32) * dinv[:, None]


def _tc2(y1, acc, dinv, b, w):
    return pl.pallas_call(
        _tc2_body,
        grid=(GRID,),
        in_specs=[
            pl.BlockSpec((BLK, D), lambda i: (i, 0)),
            pl.BlockSpec((NC, BLK, D), lambda i: (0, i, 0)),
            pl.BlockSpec((BLK,), lambda i: (i,)),
            pl.BlockSpec((D,), lambda i: (0,)),
            pl.BlockSpec((D, D), lambda i: (0, 0)),
        ],
        out_specs=pl.BlockSpec((BLK, D), lambda i: (i, 0)),
        out_shape=jax.ShapeDtypeStruct((NPAD, D), f32),
    )(y1, acc, dinv, b, w)


def _tc3_body(y_ref, acc_ref, dinv_ref, b_ref, wc_ref, bc_ref, tab_ref):
    i = pl.program_id(0)
    dinv = dinv_ref[...]
    h = (acc_ref[0] + acc_ref[1] + y_ref[...]) * dinv[:, None] + b_ref[...][None, :]
    h = jnp.maximum(h, 0.0)
    rows = lax.broadcasted_iota(i32, (BLK, 1), 0) + i * BLK
    h = jnp.where(rows < N, h, 0.0)
    hw = jnp.dot(h, wc_ref[...], preferred_element_type=f32) + bc_ref[...][None, :]
    tab_ref[...] = jnp.concatenate(
        [hw, jnp.zeros((BLK, D - 2 * DE), f32)], axis=1)


def _tc3(y2, acc, dinv, b, wc, bc):
    return pl.pallas_call(
        _tc3_body,
        grid=(GRID,),
        in_specs=[
            pl.BlockSpec((BLK, D), lambda i: (i, 0)),
            pl.BlockSpec((NC, BLK, D), lambda i: (0, i, 0)),
            pl.BlockSpec((BLK,), lambda i: (i,)),
            pl.BlockSpec((D,), lambda i: (0,)),
            pl.BlockSpec((D, 2 * DE), lambda i: (0, 0)),
            pl.BlockSpec((2 * DE,), lambda i: (0,)),
        ],
        out_specs=pl.BlockSpec((BLK, D), lambda i: (i, 0)),
        out_shape=jax.ShapeDtypeStruct((NPAD, D), f32),
    )(y2, acc, dinv, b, wc, bc)



def kernel(x, edge_index, edge_attr, W1, b1, W2, b2, Wl, bl):
    del edge_attr
    ei = edge_index.astype(i32)
    src, dst = ei[0], ei[1]
    pad = jnp.full((EPAD - E,), N, dtype=i32)
    srcp = jnp.concatenate([src, pad])
    dst2d = jnp.concatenate([dst, pad]).reshape(EPAD // G, G)
    xp = jnp.pad(x, ((0, NPAD - N), (0, 0)))

    degp = _sc_degree(dst2d)
    xw1 = _tca(xp, W1)
    dinv, y1 = _tcb(xw1, degp)
    acc1 = _sc_scatter(y1, srcp, dst2d)
    y2 = _tc2(y1, acc1, dinv, b1, W2)
    acc2 = _sc_scatter(y2, srcp, dst2d)
    wc = jnp.concatenate([Wl[:D], Wl[D:]], axis=1)
    bc = jnp.concatenate([bl, jnp.zeros((DE,), f32)])
    tab = _tc3(y2, acc2, dinv, b2, wc, bc)
    out_flat = _sc_head(tab, src, dst)
    return out_flat.reshape(E, DE)

# --- scband reference (transcript-rebuilt; emitter-appended) ---
"""Pipeline reference for scband-edge-reg-gnn-32615981646453 (READ-ONLY COPY).

The authoritative reference and input builder live on the scoring server;
editing this copy changes nothing except your own understanding.
"""

import jax, jax.numpy as jnp
import numpy as np

N_NODES = 10000
N_EDGES = 320000
D_IN = 128
D_HID = 128
D_EDGE = 16


def gcn_conv(x, src, dst, W, b, num_nodes):
    # GCNConv with added self-loops and symmetric normalization (PyG semantics)
    loop = jnp.arange(num_nodes, dtype=src.dtype)
    s = jnp.concatenate([src, loop])
    d = jnp.concatenate([dst, loop])
    deg = jnp.zeros((num_nodes,), dtype=x.dtype).at[d].add(1.0)
    dinv = jnp.where(deg > 0, deg ** -0.5, 0.0)
    norm = dinv[s] * dinv[d]
    xw = x @ W
    msg = xw[s] * norm[:, None]
    out = jnp.zeros((num_nodes, W.shape[1]), dtype=x.dtype).at[d].add(msg)
    return out + b


def setup_inputs(seed: int = 0) -> dict:
    key = jax.random.key(seed)
    ks = jax.random.split(key, 9)
    x = jax.random.normal(ks[0], (N_NODES, D_IN), dtype=jnp.float32)
    edge_index = jax.random.randint(ks[1], (2, N_EDGES), 0, N_NODES, dtype=jnp.int64)
    edge_attr = jax.random.normal(ks[2], (N_EDGES, D_EDGE), dtype=jnp.float32)
    W1 = jax.random.normal(ks[3], (D_IN, D_HID), dtype=jnp.float32) * (1.0 / np.sqrt(D_IN))
    b1 = jnp.zeros((D_HID,), dtype=jnp.float32)
    W2 = jax.random.normal(ks[4], (D_HID, D_HID), dtype=jnp.float32) * (1.0 / np.sqrt(D_HID))
    b2 = jnp.zeros((D_HID,), dtype=jnp.float32)
    Wl = jax.random.normal(ks[5], (2 * D_HID, D_EDGE), dtype=jnp.float32) * (1.0 / np.sqrt(2 * D_HID))
    bl = jnp.zeros((D_EDGE,), dtype=jnp.float32)
    return {"x": x, "edge_index": edge_index, "edge_attr": edge_attr,
            "W1": W1, "b1": b1, "W2": W2, "b2": b2, "Wl": Wl, "bl": bl}


def reference(x, edge_index, edge_attr, W1, b1, W2, b2, Wl, bl):
    src, dst = edge_index[0], edge_index[1]
    h = jax.nn.relu(gcn_conv(x, src, dst, W1, b1, N_NODES))
    # dropout p=0.5 is identity in eval mode
    h = jax.nn.relu(gcn_conv(h, src, dst, W2, b2, N_NODES))
    x_i = jnp.take(h, src, axis=0)
    x_j = jnp.take(h, dst, axis=0)
    out = jnp.concatenate([x_i, x_j], axis=-1) @ Wl + bl
    return out

if __name__ == "__main__":
    import jax
    _d = setup_inputs()
    print(jax.jit(kernel)(*tuple(_d.values())))

</pallas_src>

<mosaic_0001>
#map = affine_map<(d0, d1) -> (0, 0)>
#map1 = affine_map<(d0, d1) -> (0)>
#map2 = affine_map<(d0, d1) -> (0, 0, 0)>
module attributes {stable_mosaic.version = 14 : i64} {
  func.func @_sc_scatter(%arg0: i32, %arg1: i32, %arg2: memref<10240x128xf32, #tpu.memory_space<hbm>>, %arg3: memref<327680xi32, #tpu.memory_space<hbm>>, %arg4: memref<2560x128xi32, #tpu.memory_space<hbm>>, %arg5: memref<2x10240x128xf32, #tpu.memory_space<hbm>>, %arg6: memref<128x128xf32, #tpu.memory_space<vmem>>, %arg7: memref<128x128xf32, #tpu.memory_space<vmem>>, %arg8: memref<10240xi32, #tpu.memory_space<vmem>>, %arg9: memref<1x128xi32, #tpu.memory_space<vmem>>, %arg10: memref<1x128xi32, #tpu.memory_space<vmem>>, %arg11: memref<10240x128xf32, #tpu.memory_space<vmem_shared>>, %arg12: memref<!tpu.dma_semaphore, #tpu.memory_space<semaphore_mem>>, %arg13: memref<!tpu.dma_semaphore, #tpu.memory_space<semaphore_mem>>, %arg14: memref<!tpu.dma_semaphore, #tpu.memory_space<semaphore_mem>>, %arg15: memref<!tpu.dma_semaphore, #tpu.memory_space<semaphore_mem>>, %arg16: memref<!tpu.dma_semaphore, #tpu.memory_space<semaphore_mem>>, %arg17: memref<!tpu.dma_semaphore, #tpu.memory_space<semaphore_mem>>) attributes {dimension_semantics = [#tpu.dimension_semantics<core_parallel>, #tpu.dimension_semantics<subcore_parallel>], iteration_bounds = array<i64: 2, 16>, scalar_prefetch = 0 : i64, scratch_operands = 12 : i64, tpu.core_type = #tpu.core_type<sc_vector_subcore>, window_params = [{transform_indices = #map}, {transform_indices = #map1}, {transform_indices = #map}, {transform_indices = #map2}]} {
    %mul3A = arith.constant 2 : i32
    %mul3A_0 = arith.muli %arg1, %mul3A : i32
    %add3A = arith.addi %mul3A_0, %arg0 : i32
    %scan3A = arith.constant 0 : i32
    %scan3A_1 = arith.constant 128 : i32
    %scan3A_2 = arith.addi %scan3A, %scan3A_1 : i32
    %scan3A_3 = arith.constant 1 : i32
    scf.for %scan3A_41 = %scan3A to %scan3A_2 step %scan3A_3  : i32 {
      %broadcast_in_dim3A = arith.constant 0.000000e+00 : f32
      %broadcast_in_dim3A_42 = vector.broadcast %broadcast_in_dim3A : f32 to vector<16xf32>
      %swap3A = arith.index_cast %scan3A_41 : i32 to index
      %swap3A_43 = arith.constant 0 : index
      %swap3A_44 = tpu.vector_load %arg6[%swap3A, %swap3A_43] {strides = array<i32>} : memref<128x128xf32, #tpu.memory_space<vmem>>, vector<1x16xf32>,
      %swap3A_45 = vector.shape_cast %swap3A_44 : vector<1x16xf32> to vector<16xf32>
      %swap3A_46 = vector.shape_cast %broadcast_in_dim3A_42 : vector<16xf32> to vector<1x16xf32>
      tpu.vector_store %arg6[%swap3A, %swap3A_43], %swap3A_46 {strides = array<i32>} : memref<128x128xf32, #tpu.memory_space<vmem>>, vector<1x16xf32>,
      %broadcast_in_dim3A_47 = arith.constant 0.000000e+00 : f32
      %broadcast_in_dim3A_48 = vector.broadcast %broadcast_in_dim3A_47 : f32 to vector<16xf32>
      %swap3A_49 = arith.index_cast %scan3A_41 : i32 to index
      %swap3A_50 = arith.constant 16 : index
      %swap3A_51 = tpu.vector_load %arg6[%swap3A_49, %swap3A_50] {strides = array<i32>} : memref<128x128xf32, #tpu.memory_space<vmem>>, vector<1x16xf32>,
      %swap3A_52 = vector.shape_cast %swap3A_51 : vector<1x16xf32> to vector<16xf32>
      %swap3A_53 = vector.shape_cast %broadcast_in_dim3A_48 : vector<16xf32> to vector<1x16xf32>
      tpu.vector_store %arg6[%swap3A_49, %swap3A_50], %swap3A_53 {strides = array<i32>} : memref<128x128xf32, #tpu.memory_space<vmem>>, vector<1x16xf32>,
      %broadcast_in_dim3A_54 = arith.constant 0.000000e+00 : f32
      %broadcast_in_dim3A_55 = vector.broadcast %broadcast_in_dim3A_54 : f32 to vector<16xf32>
      %swap3A_56 = arith.index_cast %scan3A_41 : i32 to index
      %swap3A_57 = arith.constant 32 : index
      %swap3A_58 = tpu.vector_load %arg6[%swap3A_56, %swap3A_57] {strides = array<i32>} : memref<128x128xf32, #tpu.memory_space<vmem>>, vector<1x16xf32>,
      %swap3A_59 = vector.shape_cast %swap3A_58 : vector<1x16xf32> to vector<16xf32>
      %swap3A_60 = vector.shape_cast %broadcast_in_dim3A_55 : vector<16xf32> to vector<1x16xf32>
      tpu.vector_store %arg6[%swap3A_56, %swap3A_57], %swap3A_60 {strides = array<i32>} : memref<128x128xf32, #tpu.memory_space<vmem>>, vector<1x16xf32>,
      %broadcast_in_dim3A_61 = arith.constant 0.000000e+00 : f32
      %broadcast_in_dim3A_62 = vector.broadcast %broadcast_in_dim3A_61 : f32 to vector<16xf32>
      %swap3A_63 = arith.index_cast %scan3A_41 : i32 to index
      %swap3A_64 = arith.constant 48 : index
      %swap3A_65 = tpu.vector_load %arg6[%swap3A_63, %swap3A_64] {strides = array<i32>} : memref<128x128xf32, #tpu.memory_space<vmem>>, vector<1x16xf32>,
      %swap3A_66 = vector.shape_cast %swap3A_65 : vector<1x16xf32> to vector<16xf32>
      %swap3A_67 = vector.shape_cast %broadcast_in_dim3A_62 : vector<16xf32> to vector<1x16xf32>
      tpu.vector_store %arg6[%swap3A_63, %swap3A_64], %swap3A_67 {strides = array<i32>} : memref<128x128xf32, #tpu.memory_space<vmem>>, vector<1x16xf32>,
      %broadcast_in_dim3A_68 = arith.constant 0.000000e+00 : f32
      %broadcast_in_dim3A_69 = vector.broadcast %broadcast_in_dim3A_68 : f32 to vector<16xf32>
      %swap3A_70 = arith.index_cast %scan3A_41 : i32 to index
      %swap3A_71 = arith.constant 64 : index
      %swap3A_72 = tpu.vector_load %arg6[%swap3A_70, %swap3A_71] {strides = array<i32>} : memref<128x128xf32, #tpu.memory_space<vmem>>, vector<1x16xf32>,
      %swap3A_73 = vector.shape_cast %swap3A_72 : vector<1x16xf32> to vector<16xf32>
      %swap3A_74 = vector.shape_cast %broadcast_in_dim3A_69 : vector<16xf32> to vector<1x16xf32>
      tpu.vector_store %arg6[%swap3A_70, %swap3A_71], %swap3A_74 {strides = array<i32>} : memref<128x128xf32, #tpu.memory_space<vmem>>, vector<1x16xf32>,
      %broadcast_in_dim3A_75 = arith.constant 0.000000e+00 : f32
      %broadcast_in_dim3A_76 = vector.broadcast %broadcast_in_dim3A_75 : f32 to vector<16xf32>
      %swap3A_77 = arith.index_cast %scan3A_41 : i32 to index
      %swap3A_78 = arith.constant 80 : index
      %swap3A_79 = tpu.vector_load %arg6[%swap3A_77, %swap3A_78] {strides = array<i32>} : memref<128x128xf32, #tpu.memory_space<vmem>>, vector<1x16xf32>,
      %swap3A_80 = vector.shape_cast %swap3A_79 : vector<1x16xf32> to vector<16xf32>
      %swap3A_81 = vector.shape_cast %broadcast_in_dim3A_76 : vector<16xf32> to vector<1x16xf32>
      tpu.vector_store %arg6[%swap3A_77, %swap3A_78], %swap3A_81 {strides = array<i32>} : memref<128x128xf32, #tpu.memory_space<vmem>>, vector<1x16xf32>,
      %broadcast_in_dim3A_82 = arith.constant 0.000000e+00 : f32
      %broadcast_in_dim3A_83 = vector.broadcast %broadcast_in_dim3A_82 : f32 to vector<16xf32>
      %swap3A_84 = arith.index_cast %scan3A_41 : i32 to index
      %swap3A_85 = arith.constant 96 : index
      %swap3A_86 = tpu.vector_load %arg6[%swap3A_84, %swap3A_85] {strides = array<i32>} : memref<128x128xf32, #tpu.memory_space<vmem>>, vector<1x16xf32>,
      %swap3A_87 = vector.shape_cast %swap3A_86 : vector<1x16xf32> to vector<16xf32>
      %swap3A_88 = vector.shape_cast %broadcast_in_dim3A_83 : vector<16xf32> to vector<1x16xf32>
      tpu.vector_store %arg6[%swap3A_84, %swap3A_85], %swap3A_88 {strides = array<i32>} : memref<128x128xf32, #tpu.memory_space<vmem>>, vector<1x16xf32>,
      %broadcast_in_dim3A_89 = arith.constant 0.000000e+00 : f32
      %broadcast_in_dim3A_90 = vector.broadcast %broadcast_in_dim3A_89 : f32 to vector<16xf32>
      %swap3A_91 = arith.index_cast %scan3A_41 : i32 to index
      %swap3A_92 = arith.constant 112 : index
      %swap3A_93 = tpu.vector_load %arg6[%swap3A_91, %swap3A_92] {strides = array<i32>} : memref<128x128xf32, #tpu.memory_space<vmem>>, vector<1x16xf32>,
      %swap3A_94 = vector.shape_cast %swap3A_93 : vector<1x16xf32> to vector<16xf32>
      %swap3A_95 = vector.shape_cast %broadcast_in_dim3A_90 : vector<16xf32> to vector<1x16xf32>
      tpu.vector_store %arg6[%swap3A_91, %swap3A_92], %swap3A_95 {strides = array<i32>} : memref<128x128xf32, #tpu.memory_space<vmem>>, vector<1x16xf32>,
    }
    %scan3A_4 = arith.constant 128 : i32
    %scan3A_5 = arith.constant 0 : i32
    %scan3A_6 = arith.constant 5 : i32
    %scan3A_7 = arith.addi %scan3A_5, %scan3A_6 : i32
    %scan3A_8 = arith.constant 1 : i32
    scf.for %scan3A_41 = %scan3A_5 to %scan3A_7 step %scan3A_8  : i32 {
      %mul3A_42 = arith.constant 640 : i32
      %mul3A_43 = arith.muli %arg1, %mul3A_42 : i32
      %mul3A_44 = arith.constant 128 : i32
      %mul3A_45 = arith.muli %scan3A_41, %mul3A_44 : i32
      %add3A_46 = arith.addi %mul3A_43, %mul3A_45 : i32
      "tpu.region"() ({
        %run_scoped3A = tpu.sem_alloc : memref<!tpu.dma_semaphore, #tpu.memory_space<semaphore_mem>>
        %dma_start3A_47 = arith.constant 0 : i32
        %dma_start3A_48 = tpu.memref_slice %arg11[%add3A_46, %dma_start3A_47] : memref<10240x128xf32, #tpu.memory_space<vmem_shared>> -> memref<128x128xf32, #tpu.memory_space<vmem_shared>>
        %dma_start3A_49 = arith.constant 0 : i32
        %dma_start3A_50 = tpu.memref_slice %arg11[%add3A_46, %dma_start3A_49] : memref<10240x128xf32, #tpu.memory_space<vmem_shared>> -> memref<128x128xf32, #tpu.memory_space<vmem_shared>>
        tpu.enqueue_dma source(%arg6 : memref<128x128xf32, #tpu.memory_space<vmem>>) target(%dma_start3A_50 : memref<128x128xf32, #tpu.memory_space<vmem_shared>>) target_semaphore(%run_scoped3A : memref<!tpu.dma_semaphore, #tpu.memory_space<semaphore_mem>>)
        %dma_wait3A_51 = arith.constant 0 : i32
        %dma_wait3A_52 = tpu.memref_slice %arg11[%add3A_46, %dma_wait3A_51] : memref<10240x128xf32, #tpu.memory_space<vmem_shared>> -> memref<128x128xf32, #tpu.memory_space<vmem_shared>>
        %dma_wait3A_53 = arith.constant 0 : i32
        %dma_wait3A_54 = tpu.memref_slice %arg11[%add3A_46, %dma_wait3A_53] : memref<10240x128xf32, #tpu.memory_space<vmem_shared>> -> memref<128x128xf32, #tpu.memory_space<vmem_shared>>
        tpu.wait_dma2 semaphore(%run_scoped3A : memref<!tpu.dma_semaphore, #tpu.memory_space<semaphore_mem>>) src(%arg6 : memref<128x128xf32, #tpu.memory_space<vmem>>) dst(%dma_wait3A_54 : memref<128x128xf32, #tpu.memory_space<vmem_shared>>)
        tpu.yield
      }) : () -> ()
    }
    %scan3A_9 = arith.constant 5 : i32
    %mul3A_10 = arith.constant 10240 : i32
    %mul3A_11 = arith.muli %add3A, %mul3A_10 : i32
    "tpu.region"() ({
      %run_scoped3A = tpu.sem_alloc : memref<!tpu.dma_semaphore, #tpu.memory_space<semaphore_mem>>
      %dma_start3A_41 = tpu.memref_slice %arg3[%mul3A_11] : memref<327680xi32, #tpu.memory_space<hbm>> -> memref<10240xi32, #tpu.memory_space<hbm>>
      %dma_start3A_42 = tpu.memref_slice %arg3[%mul3A_11] : memref<327680xi32, #tpu.memory_space<hbm>> -> memref<10240xi32, #tpu.memory_space<hbm>>
      tpu.enqueue_dma source(%dma_start3A_42 : memref<10240xi32, #tpu.memory_space<hbm>>) target(%arg8 : memref<10240xi32, #tpu.memory_space<vmem>>) target_semaphore(%run_scoped3A : memref<!tpu.dma_semaphore, #tpu.memory_space<semaphore_mem>>)
      %dma_wait3A_43 = tpu.memref_slice %arg3[%mul3A_11] : memref<327680xi32, #tpu.memory_space<hbm>> -> memref<10240xi32, #tpu.memory_space<hbm>>
      %dma_wait3A_44 = tpu.memref_slice %arg3[%mul3A_11] : memref<327680xi32, #tpu.memory_space<hbm>> -> memref<10240xi32, #tpu.memory_space<hbm>>
      tpu.wait_dma2 semaphore(%run_scoped3A : memref<!tpu.dma_semaphore, #tpu.memory_space<semaphore_mem>>) src(%dma_wait3A_44 : memref<10240xi32, #tpu.memory_space<hbm>>) dst(%arg8 : memref<10240xi32, #tpu.memory_space<vmem>>)
      tpu.yield
    }) : () -> ()
    %barrier3A = arith.constant 0 : index
    tpu.barrier barrier_id(%barrier3A)
    %dma_start3A = arith.constant 0 : i32
    %dma_start3A_12 = tpu.memref_slice %arg8[%dma_start3A] : memref<10240xi32, #tpu.memory_space<vmem>> -> memref<128xi32, #tpu.memory_space<vmem>>
    %dma_start3A_13 = arith.constant 0 : i32
    %dma_start3A_14 = arith.constant 0 : i32
    %dma_start3A_15 = tpu.memref_slice %arg2[%dma_start3A_13, %dma_start3A_14] : memref<10240x128xf32, #tpu.memory_space<hbm>> -> memref<10240x128xf32, #tpu.memory_space<hbm>>
    tpu.enqueue_indirect_dma source(%dma_start3A_15 : memref<10240x128xf32, #tpu.memory_space<hbm>>) target(%arg6 : memref<128x128xf32, #tpu.memory_space<vmem>>) offsets(%dma_start3A_12 : memref<128xi32, #tpu.memory_space<vmem>>) semaphore(%arg12 : memref<!tpu.dma_semaphore, #tpu.memory_space<semaphore_mem>>)
    %mul3A_16 = arith.constant 80 : i32
    %mul3A_17 = arith.muli %add3A, %mul3A_16 : i32
    %add3A_18 = arith.constant 0 : i32
    %add3A_19 = arith.addi %mul3A_17, %add3A_18 : i32
    %dma_start3A_20 = arith.constant 0 : i32
    %dma_start3A_21 = tpu.memref_slice %arg4[%add3A_19, %dma_start3A_20] : memref<2560x128xi32, #tpu.memory_space<hbm>> -> memref<1x128xi32, #tpu.memory_space<hbm>>
    %dma_start3A_22 = arith.constant 0 : i32
    %dma_start3A_23 = tpu.memref_slice %arg4[%add3A_19, %dma_start3A_22] : memref<2560x128xi32, #tpu.memory_space<hbm>> -> memref<1x128xi32, #tpu.memory_space<hbm>>
    tpu.enqueue_dma source(%dma_start3A_23 : memref<1x128xi32, #tpu.memory_space<hbm>>) target(%arg9 : memref<1x128xi32, #tpu.memory_space<vmem>>) target_semaphore(%arg14 : memref<!tpu.dma_semaphore, #tpu.memory_space<semaphore_mem>>)
    %scan3A_24 = arith.constant 0 : i32
    %scan3A_25 = arith.constant 40 : i32
    %scan3A_26 = arith.addi %scan3A_24, %scan3A_25 : i32
    %scan3A_27 = arith.constant 1 : i32
    scf.for %scan3A_41 = %scan3A_24 to %scan3A_26 step %scan3A_27  : i32 {
      %mul3A_42 = arith.constant 2 : i32
      %mul3A_43 = arith.muli %scan3A_41, %mul3A_42 : i32
      %add3A_44 = arith.constant 0 : i32
      %add3A_45 = arith.addi %mul3A_43, %add3A_44 : i32
      %ge3A = arith.constant 1 : i32
      %ge3A_46 = arith.cmpi sge, %add3A_45, %ge3A : i32
      %convert_element_type3A = arith.extui %ge3A_46 : i1 to i32
      %cond3A = arith.constant 0 : i32
      %cond3A_47 = arith.cmpi ne, %convert_element_type3A, %cond3A : i32
      scf.if %cond3A_47 {
        %dma_wait3A_110 = arith.constant 0 : i32
        %dma_wait3A_111 = arith.constant 0 : i32
        %dma_wait3A_112 = tpu.memref_slice %arg10[%dma_wait3A_110, %dma_wait3A_111] : memref<1x128xi32, #tpu.memory_space<vmem>> -> memref<1x128xi32, #tpu.memory_space<vmem>>
        %dma_wait3A_113 = tpu.memref_squeeze %dma_wait3A_112 : memref<1x128xi32, #tpu.memory_space<vmem>> -> memref<128xi32, #tpu.memory_space<vmem>>
        %dma_wait3A_114 = arith.constant 0 : i32
        %dma_wait3A_115 = arith.constant 0 : i32
        %dma_wait3A_116 = tpu.memref_slice %arg11[%dma_wait3A_114, %dma_wait3A_115] : memref<10240x128xf32, #tpu.memory_space<vmem_shared>> -> memref<10240x128xf32, #tpu.memory_space<vmem_shared>>
        tpu.wait_indirect_dma semaphore(%arg17 : memref<!tpu.dma_semaphore, #tpu.memory_space<semaphore_mem>>) src(%arg7 : memref<128x128xf32, #tpu.memory_space<vmem>>) dst(%dma_wait3A_116 : memref<10240x128xf32, #tpu.memory_space<vmem_shared>>)
      } else {
      }
      %add3A_48 = arith.constant 1 : i32
      %add3A_49 = arith.addi %add3A_45, %add3A_48 : i32
      %lt3A = arith.constant 80 : i32
      %lt3A_50 = arith.cmpi slt, %add3A_49, %lt3A : i32
      %convert_element_type3A_51 = arith.extui %lt3A_50 : i1 to i32
      %cond3A_52 = arith.constant 0 : i32
      %cond3A_53 = arith.cmpi ne, %convert_element_type3A_51, %cond3A_52 : i32
      scf.if %cond3A_53 {
        %add3A_110 = arith.constant 1 : i32
        %add3A_111 = arith.addi %add3A_45, %add3A_110 : i32
        %mul3A_112 = arith.constant 128 : i32
        %mul3A_113 = arith.muli %add3A_111, %mul3A_112 : i32
        %dma_start3A_114 = tpu.memref_slice %arg8[%mul3A_113] : memref<10240xi32, #tpu.memory_space<vmem>> -> memref<128xi32, #tpu.memory_space<vmem>>
        %dma_start3A_115 = arith.constant 0 : i32
        %dma_start3A_116 = arith.constant 0 : i32
        %dma_start3A_117 = tpu.memref_slice %arg2[%dma_start3A_115, %dma_start3A_116] : memref<10240x128xf32, #tpu.memory_space<hbm>> -> memref<10240x128xf32, #tpu.memory_space<hbm>>
        tpu.enqueue_indirect_dma source(%dma_start3A_117 : memref<10240x128xf32, #tpu.memory_space<hbm>>) target(%arg7 : memref<128x128xf32, #tpu.memory_space<vmem>>) offsets(%dma_start3A_114 : memref<128xi32, #tpu.memory_space<vmem>>) semaphore(%arg13 : memref<!tpu.dma_semaphore, #tpu.memory_space<semaphore_mem>>)
        %mul3A_118 = arith.constant 80 : i32
        %mul3A_119 = arith.muli %add3A, %mul3A_118 : i32
        %add3A_120 = arith.addi %mul3A_119, %add3A_111 : i32
        %dma_start3A_121 = arith.constant 0 : i32
        %dma_start3A_122 = tpu.memref_slice %arg4[%add3A_120, %dma_start3A_121] : memref<2560x128xi32, #tpu.memory_space<hbm>> -> memref<1x128xi32, #tpu.memory_space<hbm>>
        %dma_start3A_123 = arith.constant 0 : i32
        %dma_start3A_124 = tpu.memref_slice %arg4[%add3A_120, %dma_start3A_123] : memref<2560x128xi32, #tpu.memory_space<hbm>> -> memref<1x128xi32, #tpu.memory_space<hbm>>
        tpu.enqueue_dma source(%dma_start3A_124 : memref<1x128xi32, #tpu.memory_space<hbm>>) target(%arg10 : memref<1x128xi32, #tpu.memory_space<vmem>>) target_semaphore(%arg15 : memref<!tpu.dma_semaphore, #tpu.memory_space<semaphore_mem>>)
      } else {
      }
      %mul3A_54 = arith.constant 128 : i32
      %mul3A_55 = arith.muli %add3A_45, %mul3A_54 : i32
      %dma_wait3A_56 = tpu.memref_slice %arg8[%mul3A_55] : memref<10240xi32, #tpu.memory_space<vmem>> -> memref<128xi32, #tpu.memory_space<vmem>>
      %dma_wait3A_57 = arith.constant 0 : i32
      %dma_wait3A_58 = arith.constant 0 : i32
      %dma_wait3A_59 = tpu.memref_slice %arg2[%dma_wait3A_57, %dma_wait3A_58] : memref<10240x128xf32, #tpu.memory_space<hbm>> -> memref<10240x128xf32, #tpu.memory_space<hbm>>
      tpu.wait_indirect_dma semaphore(%arg12 : memref<!tpu.dma_semaphore, #tpu.memory_space<semaphore_mem>>) src(%dma_wait3A_59 : memref<10240x128xf32, #tpu.memory_space<hbm>>) dst(%arg6 : memref<128x128xf32, #tpu.memory_space<vmem>>)
      %mul3A_60 = arith.constant 80 : i32
      %mul3A_61 = arith.muli %add3A, %mul3A_60 : i32
      %add3A_62 = arith.addi %mul3A_61, %add3A_45 : i32
      %dma_wait3A_63 = arith.constant 0 : i32
      %dma_wait3A_64 = tpu.memref_slice %arg4[%add3A_62, %dma_wait3A_63] : memref<2560x128xi32, #tpu.memory_space<hbm>> -> memref<1x128xi32, #tpu.memory_space<hbm>>
      %dma_wait3A_65 = arith.constant 0 : i32
      %dma_wait3A_66 = tpu.memref_slice %arg4[%add3A_62, %dma_wait3A_65] : memref<2560x128xi32, #tpu.memory_space<hbm>> -> memref<1x128xi32, #tpu.memory_space<hbm>>
      tpu.wait_dma2 semaphore(%arg14 : memref<!tpu.dma_semaphore, #tpu.memory_space<semaphore_mem>>) src(%dma_wait3A_66 : memref<1x128xi32, #tpu.memory_space<hbm>>) dst(%arg9 : memref<1x128xi32, #tpu.memory_space<vmem>>)
      %dma_start3A_67 = arith.constant 0 : i32
      %dma_start3A_68 = arith.constant 0 : i32
      %dma_start3A_69 = tpu.memref_slice %arg9[%dma_start3A_67, %dma_start3A_68] : memref<1x128xi32, #tpu.memory_space<vmem>> -> memref<1x128xi32, #tpu.memory_space<vmem>>
      %dma_start3A_70 = tpu.memref_squeeze %dma_start3A_69 : memref<1x128xi32, #tpu.memory_space<vmem>> -> memref<128xi32, #tpu.memory_space<vmem>>
      %dma_start3A_71 = arith.constant 0 : i32
      %dma_start3A_72 = arith.constant 0 : i32
      %dma_start3A_73 = tpu.memref_slice %arg11[%dma_start3A_71, %dma_start3A_72] : memref<10240x128xf32, #tpu.memory_space<vmem_shared>> -> memref<10240x128xf32, #tpu.memory_space<vmem_shared>>
      tpu.enqueue_indirect_dma source(%arg6 : memref<128x128xf32, #tpu.memory_space<vmem>>) target(%dma_start3A_73 : memref<10240x128xf32, #tpu.memory_space<vmem_shared>>) offsets(%dma_start3A_70 : memref<128xi32, #tpu.memory_space<vmem>>) semaphore(%arg16 : memref<!tpu.dma_semaphore, #tpu.memory_space<semaphore_mem>>) {add = true}
      %mul3A_74 = arith.constant 2 : i32
      %mul3A_75 = arith.muli %scan3A_41, %mul3A_74 : i32
      %add3A_76 = arith.constant 1 : i32
      %add3A_77 = arith.addi %mul3A_75, %add3A_76 : i32
      %ge3A_78 = arith.constant 1 : i32
      %ge3A_79 = arith.cmpi sge, %add3A_77, %ge3A_78 : i32
      %convert_element_type3A_80 = arith.extui %ge3A_79 : i1 to i32
      %cond3A_81 = arith.constant 0 : i32
      %cond3A_82 = arith.cmpi ne, %convert_element_type3A_80, %cond3A_81 : i32
      scf.if %cond3A_82 {
        %dma_wait3A_110 = arith.constant 0 : i32
        %dma_wait3A_111 = arith.constant 0 : i32
        %dma_wait3A_112 = tpu.memref_slice %arg9[%dma_wait3A_110, %dma_wait3A_111] : memref<1x128xi32, #tpu.memory_space<vmem>> -> memref<1x128xi32, #tpu.memory_space<vmem>>
        %dma_wait3A_113 = tpu.memref_squeeze %dma_wait3A_112 : memref<1x128xi32, #tpu.memory_space<vmem>> -> memref<128xi32, #tpu.memory_space<vmem>>
        %dma_wait3A_114 = arith.constant 0 : i32
        %dma_wait3A_115 = arith.constant 0 : i32
        %dma_wait3A_116 = tpu.memref_slice %arg11[%dma_wait3A_114, %dma_wait3A_115] : memref<10240x128xf32, #tpu.memory_space<vmem_shared>> -> memref<10240x128xf32, #tpu.memory_space<vmem_shared>>
        tpu.wait_indirect_dma semaphore(%arg16 : memref<!tpu.dma_semaphore, #tpu.memory_space<semaphore_mem>>) src(%arg6 : memref<128x128xf32, #tpu.memory_space<vmem>>) dst(%dma_wait3A_116 : memref<10240x128xf32, #tpu.memory_space<vmem_shared>>)
      } else {
      }
      %add3A_83 = arith.constant 1 : i32
      %add3A_84 = arith.addi %add3A_77, %add3A_83 : i32
      %lt3A_85 = arith.constant 80 : i32
      %lt3A_86 = arith.cmpi slt, %add3A_84, %lt3A_85 : i32
      %convert_element_type3A_87 = arith.extui %lt3A_86 : i1 to i32
      %cond3A_88 = arith.constant 0 : i32
      %cond3A_89 = arith.cmpi ne, %convert_element_type3A_87, %cond3A_88 : i32
      scf.if %cond3A_89 {
        %add3A_110 = arith.constant 1 : i32
        %add3A_111 = arith.addi %add3A_77, %add3A_110 : i32
        %mul3A_112 = arith.constant 128 : i32
        %mul3A_113 = arith.muli %add3A_111, %mul3A_112 : i32
        %dma_start3A_114 = tpu.memref_slice %arg8[%mul3A_113] : memref<10240xi32, #tpu.memory_space<vmem>> -> memref<128xi32, #tpu.memory_space<vmem>>
        %dma_start3A_115 = arith.constant 0 : i32
        %dma_start3A_116 = arith.constant 0 : i32
        %dma_start3A_117 = tpu.memref_slice %arg2[%dma_start3A_115, %dma_start3A_116] : memref<10240x128xf32, #tpu.memory_space<hbm>> -> memref<10240x128xf32, #tpu.memory_space<hbm>>
        tpu.enqueue_indirect_dma source(%dma_start3A_117 : memref<10240x128xf32, #tpu.memory_space<hbm>>) target(%arg6 : memref<128x128xf32, #tpu.memory_space<vmem>>) offsets(%dma_start3A_114 : memref<128xi32, #tpu.memory_space<vmem>>) semaphore(%arg12 : memref<!tpu.dma_semaphore, #tpu.memory_space<semaphore_mem>>)
        %mul3A_118 = arith.constant 80 : i32
        %mul3A_119 = arith.muli %add3A, %mul3A_118 : i32
        %add3A_120 = arith.addi %mul3A_119, %add3A_111 : i32
        %dma_start3A_121 = arith.constant 0 : i32
        %dma_start3A_122 = tpu.memref_slice %arg4[%add3A_120, %dma_start3A_121] : memref<2560x128xi32, #tpu.memory_space<hbm>> -> memref<1x128xi32, #tpu.memory_space<hbm>>
        %dma_start3A_123 = arith.constant 0 : i32
        %dma_start3A_124 = tpu.memref_slice %arg4[%add3A_120, %dma_start3A_123] : memref<2560x128xi32, #tpu.memory_space<hbm>> -> memref<1x128xi32, #tpu.memory_space<hbm>>
        tpu.enqueue_dma source(%dma_start3A_124 : memref<1x128xi32, #tpu.memory_space<hbm>>) target(%arg9 : memref<1x128xi32, #tpu.memory_space<vmem>>) target_semaphore(%arg14 : memref<!tpu.dma_semaphore, #tpu.memory_space<semaphore_mem>>)
      } else {
      }
      %mul3A_90 = arith.constant 128 : i32
      %mul3A_91 = arith.muli %add3A_77, %mul3A_90 : i32
      %dma_wait3A_92 = tpu.memref_slice %arg8[%mul3A_91] : memref<10240xi32, #tpu.memory_space<vmem>> -> memref<128xi32, #tpu.memory_space<vmem>>
      %dma_wait3A_93 = arith.constant 0 : i32
      %dma_wait3A_94 = arith.constant 0 : i32
      %dma_wait3A_95 = tpu.memref_slice %arg2[%dma_wait3A_93, %dma_wait3A_94] : memref<10240x128xf32, #tpu.memory_space<hbm>> -> memref<10240x128xf32, #tpu.memory_space<hbm>>
      tpu.wait_indirect_dma semaphore(%arg13 : memref<!tpu.dma_semaphore, #tpu.memory_space<semaphore_mem>>) src(%dma_wait3A_95 : memref<10240x128xf32, #tpu.memory_space<hbm>>) dst(%arg7 : memref<128x128xf32, #tpu.memory_space<vmem>>)
      %mul3A_96 = arith.constant 80 : i32
      %mul3A_97 = arith.muli %add3A, %mul3A_96 : i32
      %add3A_98 = arith.addi %mul3A_97, %add3A_77 : i32
      %dma_wait3A_99 = arith.constant 0 : i32
      %dma_wait3A_100 = tpu.memref_slice %arg4[%add3A_98, %dma_wait3A_99] : memref<2560x128xi32, #tpu.memory_space<hbm>> -> memref<1x128xi32, #tpu.memory_space<hbm>>
      %dma_wait3A_101 = arith.constant 0 : i32
      %dma_wait3A_102 = tpu.memref_slice %arg4[%add3A_98, %dma_wait3A_101] : memref<2560x128xi32, #tpu.memory_space<hbm>> -> memref<1x128xi32, #tpu.memory_space<hbm>>
      tpu.wait_dma2 semaphore(%arg15 : memref<!tpu.dma_semaphore, #tpu.memory_space<semaphore_mem>>) src(%dma_wait3A_102 : memref<1x128xi32, #tpu.memory_space<hbm>>) dst(%arg10 : memref<1x128xi32, #tpu.memory_space<vmem>>)
      %dma_start3A_103 = arith.constant 0 : i32
      %dma_start3A_104 = arith.constant 0 : i32
      %dma_start3A_105 = tpu.memref_slice %arg10[%dma_start3A_103, %dma_start3A_104] : memref<1x128xi32, #tpu.memory_space<vmem>> -> memref<1x128xi32, #tpu.memory_space<vmem>>
      %dma_start3A_106 = tpu.memref_squeeze %dma_start3A_105 : memref<1x128xi32, #tpu.memory_space<vmem>> -> memref<128xi32, #tpu.memory_space<vmem>>
      %dma_start3A_107 = arith.constant 0 : i32
      %dma_start3A_108 = arith.constant 0 : i32
      %dma_start3A_109 = tpu.memref_slice %arg11[%dma_start3A_107, %dma_start3A_108] : memref<10240x128xf32, #tpu.memory_space<vmem_shared>> -> memref<10240x128xf32, #tpu.memory_space<vmem_shared>>
      tpu.enqueue_indirect_dma source(%arg7 : memref<128x128xf32, #tpu.memory_space<vmem>>) target(%dma_start3A_109 : memref<10240x128xf32, #tpu.memory_space<vmem_shared>>) offsets(%dma_start3A_106 : memref<128xi32, #tpu.memory_space<vmem>>) semaphore(%arg17 : memref<!tpu.dma_semaphore, #tpu.memory_space<semaphore_mem>>) {add = true}
    }
    %scan3A_28 = arith.constant 40 : i32
    %dma_wait3A = arith.constant 0 : i32
    %dma_wait3A_29 = arith.constant 0 : i32
    %dma_wait3A_30 = tpu.memref_slice %arg10[%dma_wait3A, %dma_wait3A_29] : memref<1x128xi32, #tpu.memory_space<vmem>> -> memref<1x128xi32, #tpu.memory_space<vmem>>
    %dma_wait3A_31 = tpu.memref_squeeze %dma_wait3A_30 : memref<1x128xi32, #tpu.memory_space<vmem>> -> memref<128xi32, #tpu.memory_space<vmem>>
    %dma_wait3A_32 = arith.constant 0 : i32
    %dma_wait3A_33 = arith.constant 0 : i32
    %dma_wait3A_34 = tpu.memref_slice %arg11[%dma_wait3A_32, %dma_wait3A_33] : memref<10240x128xf32, #tpu.memory_space<vmem_shared>> -> memref<10240x128xf32, #tpu.memory_space<vmem_shared>>
    tpu.wait_indirect_dma semaphore(%arg17 : memref<!tpu.dma_semaphore, #tpu.memory_space<semaphore_mem>>) src(%arg7 : memref<128x128xf32, #tpu.memory_space<vmem>>) dst(%dma_wait3A_34 : memref<10240x128xf32, #tpu.memory_space<vmem_shared>>)
    %barrier3A_35 = arith.constant 0 : index
    tpu.barrier barrier_id(%barrier3A_35)
    %scan3A_36 = arith.constant 0 : i32
    %scan3A_37 = arith.constant 5 : i32
    %scan3A_38 = arith.addi %scan3A_36, %scan3A_37 : i32
    %scan3A_39 = arith.constant 1 : i32
    scf.for %scan3A_41 = %scan3A_36 to %scan3A_38 step %scan3A_39  : i32 {
      %mul3A_42 = arith.constant 640 : i32
      %mul3A_43 = arith.muli %arg1, %mul3A_42 : i32
      %mul3A_44 = arith.constant 128 : i32
      %mul3A_45 = arith.muli %scan3A_41, %mul3A_44 : i32
      %add3A_46 = arith.addi %mul3A_43, %mul3A_45 : i32
      "tpu.region"() ({
        %run_scoped3A = tpu.sem_alloc : memref<!tpu.dma_semaphore, #tpu.memory_space<semaphore_mem>>
        %dma_start3A_47 = arith.constant 0 : i32
        %dma_start3A_48 = tpu.memref_slice %arg11[%add3A_46, %dma_start3A_47] : memref<10240x128xf32, #tpu.memory_space<vmem_shared>> -> memref<128x128xf32, #tpu.memory_space<vmem_shared>>
        %dma_start3A_49 = arith.constant 0 : i32
        %dma_start3A_50 = tpu.memref_slice %arg11[%add3A_46, %dma_start3A_49] : memref<10240x128xf32, #tpu.memory_space<vmem_shared>> -> memref<128x128xf32, #tpu.memory_space<vmem_shared>>
        tpu.enqueue_dma source(%dma_start3A_50 : memref<128x128xf32, #tpu.memory_space<vmem_shared>>) target(%arg6 : memref<128x128xf32, #tpu.memory_space<vmem>>) target_semaphore(%run_scoped3A : memref<!tpu.dma_semaphore, #tpu.memory_space<semaphore_mem>>)
        %dma_wait3A_51 = arith.constant 0 : i32
        %dma_wait3A_52 = tpu.memref_slice %arg11[%add3A_46, %dma_wait3A_51] : memref<10240x128xf32, #tpu.memory_space<vmem_shared>> -> memref<128x128xf32, #tpu.memory_space<vmem_shared>>
        %dma_wait3A_53 = arith.constant 0 : i32
        %dma_wait3A_54 = tpu.memref_slice %arg11[%add3A_46, %dma_wait3A_53] : memref<10240x128xf32, #tpu.memory_space<vmem_shared>> -> memref<128x128xf32, #tpu.memory_space<vmem_shared>>
        tpu.wait_dma2 semaphore(%run_scoped3A : memref<!tpu.dma_semaphore, #tpu.memory_space<semaphore_mem>>) src(%dma_wait3A_54 : memref<128x128xf32, #tpu.memory_space<vmem_shared>>) dst(%arg6 : memref<128x128xf32, #tpu.memory_space<vmem>>)
        tpu.yield
      }) : () -> ()
      "tpu.region"() ({
        %run_scoped3A = tpu.sem_alloc : memref<!tpu.dma_semaphore, #tpu.memory_space<semaphore_mem>>
        %dma_start3A_47 = arith.constant 0 : i32
        %dma_start3A_48 = tpu.memref_slice %arg5[%arg0, %add3A_46, %dma_start3A_47] : memref<2x10240x128xf32, #tpu.memory_space<hbm>> -> memref<1x128x128xf32, #tpu.memory_space<hbm>>
        %dma_start3A_49 = tpu.memref_squeeze %dma_start3A_48 : memref<1x128x128xf32, #tpu.memory_space<hbm>> -> memref<128x128xf32, #tpu.memory_space<hbm>>
        %dma_start3A_50 = arith.constant 0 : i32
        %dma_start3A_51 = tpu.memref_slice %arg5[%arg0, %add3A_46, %dma_start3A_50] : memref<2x10240x128xf32, #tpu.memory_space<hbm>> -> memref<1x128x128xf32, #tpu.memory_space<hbm>>
        %dma_start3A_52 = tpu.memref_squeeze %dma_start3A_51 : memref<1x128x128xf32, #tpu.memory_space<hbm>> -> memref<128x128xf32, #tpu.memory_space<hbm>>
        tpu.enqueue_dma source(%arg6 : memref<128x128xf32, #tpu.memory_space<vmem>>) target(%dma_start3A_52 : memref<128x128xf32, #tpu.memory_space<hbm>>) target_semaphore(%run_scoped3A : memref<!tpu.dma_semaphore, #tpu.memory_space<semaphore_mem>>)
        %dma_wait3A_53 = arith.constant 0 : i32
        %dma_wait3A_54 = tpu.memref_slice %arg5[%arg0, %add3A_46, %dma_wait3A_53] : memref<2x10240x128xf32, #tpu.memory_space<hbm>> -> memref<1x128x128xf32, #tpu.memory_space<hbm>>
        %dma_wait3A_55 = tpu.memref_squeeze %dma_wait3A_54 : memref<1x128x128xf32, #tpu.memory_space<hbm>> -> memref<128x128xf32, #tpu.memory_space<hbm>>
        %dma_wait3A_56 = arith.constant 0 : i32
        %dma_wait3A_57 = tpu.memref_slice %arg5[%arg0, %add3A_46, %dma_wait3A_56] : memref<2x10240x128xf32, #tpu.memory_space<hbm>> -> memref<1x128x128xf32, #tpu.memory_space<hbm>>
        %dma_wait3A_58 = tpu.memref_squeeze %dma_wait3A_57 : memref<1x128x128xf32, #tpu.memory_space<hbm>> -> memref<128x128xf32, #tpu.memory_space<hbm>>
        tpu.wait_dma2 semaphore(%run_scoped3A : memref<!tpu.dma_semaphore, #tpu.memory_space<semaphore_mem>>) src(%arg6 : memref<128x128xf32, #tpu.memory_space<vmem>>) dst(%dma_wait3A_58 : memref<128x128xf32, #tpu.memory_space<hbm>>)
        tpu.yield
      }) : () -> ()
    }
    %scan3A_40 = arith.constant 5 : i32
    return
  }
}

#map = affine_map<(d0, d1) -> (0, 0)>
#map1 = affine_map<(d0, d1) -> (0)>
#map2 = affine_map<(d0, d1) -> (0, 0, 0)>
module attributes {stable_mosaic.version = 14 : i64} {
  func.func @_sc_scatter(%arg0: i32, %arg1: i32, %arg2: memref<10240x128xf32, #tpu.memory_space<hbm>>, %arg3: memref<327680xi32, #tpu.memory_space<hbm>>, %arg4: memref<2560x128xi32, #tpu.memory_space<hbm>>, %arg5: memref<2x10240x128xf32, #tpu.memory_space<hbm>>, %arg6: memref<128x128xf32, #tpu.memory_space<vmem>>, %arg7: memref<128x128xf32, #tpu.memory_space<vmem>>, %arg8: memref<10240xi32, #tpu.memory_space<vmem>>, %arg9: memref<1x128xi32, #tpu.memory_space<vmem>>, %arg10: memref<1x128xi32, #tpu.memory_space<vmem>>, %arg11: memref<10240x128xf32, #tpu.memory_space<vmem_shared>>, %arg12: memref<!tpu.dma_semaphore, #tpu.memory_space<semaphore_mem>>, %arg13: memref<!tpu.dma_semaphore, #tpu.memory_space<semaphore_mem>>, %arg14: memref<!tpu.dma_semaphore, #tpu.memory_space<semaphore_mem>>, %arg15: memref<!tpu.dma_semaphore, #tpu.memory_space<semaphore_mem>>, %arg16: memref<!tpu.dma_semaphore, #tpu.memory_space<semaphore_mem>>, %arg17: memref<!tpu.dma_semaphore, #tpu.memory_space<semaphore_mem>>) attributes {dimension_semantics = [#tpu.dimension_semantics<core_parallel>, #tpu.dimension_semantics<subcore_parallel>], iteration_bounds = array<i64: 2, 16>, scalar_prefetch = 0 : i64, scratch_operands = 12 : i64, tpu.core_type = #tpu.core_type<sc_vector_subcore>, window_params = [{transform_indices = #map}, {transform_indices = #map1}, {transform_indices = #map}, {transform_indices = #map2}]} {
    %mul3A = arith.constant 2 : i32
    %mul3A_0 = arith.muli %arg1, %mul3A : i32
    %add3A = arith.addi %mul3A_0, %arg0 : i32
    %scan3A = arith.constant 0 : i32
    %scan3A_1 = arith.constant 128 : i32
    %scan3A_2 = arith.addi %scan3A, %scan3A_1 : i32
    %scan3A_3 = arith.constant 1 : i32
    scf.for %scan3A_41 = %scan3A to %scan3A_2 step %scan3A_3  : i32 {
      %broadcast_in_dim3A = arith.constant 0.000000e+00 : f32
      %broadcast_in_dim3A_42 = vector.broadcast %broadcast_in_dim3A : f32 to vector<16xf32>
      %swap3A = arith.index_cast %scan3A_41 : i32 to index
      %swap3A_43 = arith.constant 0 : index
      %swap3A_44 = tpu.vector_load %arg6[%swap3A, %swap3A_43] {strides = array<i32>} : memref<128x128xf32, #tpu.memory_space<vmem>>, vector<1x16xf32>,
      %swap3A_45 = vector.shape_cast %swap3A_44 : vector<1x16xf32> to vector<16xf32>
      %swap3A_46 = vector.shape_cast %broadcast_in_dim3A_42 : vector<16xf32> to vector<1x16xf32>
      tpu.vector_store %arg6[%swap3A, %swap3A_43], %swap3A_46 {strides = array<i32>} : memref<128x128xf32, #tpu.memory_space<vmem>>, vector<1x16xf32>,
      %broadcast_in_dim3A_47 = arith.constant 0.000000e+00 : f32
      %broadcast_in_dim3A_48 = vector.broadcast %broadcast_in_dim3A_47 : f32 to vector<16xf32>
      %swap3A_49 = arith.index_cast %scan3A_41 : i32 to index
      %swap3A_50 = arith.constant 16 : index
      %swap3A_51 = tpu.vector_load %arg6[%swap3A_49, %swap3A_50] {strides = array<i32>} : memref<128x128xf32, #tpu.memory_space<vmem>>, vector<1x16xf32>,
      %swap3A_52 = vector.shape_cast %swap3A_51 : vector<1x16xf32> to vector<16xf32>
      %swap3A_53 = vector.shape_cast %broadcast_in_dim3A_48 : vector<16xf32> to vector<1x16xf32>
      tpu.vector_store %arg6[%swap3A_49, %swap3A_50], %swap3A_53 {strides = array<i32>} : memref<128x128xf32, #tpu.memory_space<vmem>>, vector<1x16xf32>,
      %broadcast_in_dim3A_54 = arith.constant 0.000000e+00 : f32
      %broadcast_in_dim3A_55 = vector.broadcast %broadcast_in_dim3A_54 : f32 to vector<16xf32>
      %swap3A_56 = arith.index_cast %scan3A_41 : i32 to index
      %swap3A_57 = arith.constant 32 : index
      %swap3A_58 = tpu.vector_load %arg6[%swap3A_56, %swap3A_57] {strides = array<i32>} : memref<128x128xf32, #tpu.memory_space<vmem>>, vector<1x16xf32>,
      %swap3A_59 = vector.shape_cast %swap3A_58 : vector<1x16xf32> to vector<16xf32>
      %swap3A_60 = vector.shape_cast %broadcast_in_dim3A_55 : vector<16xf32> to vector<1x16xf32>
      tpu.vector_store %arg6[%swap3A_56, %swap3A_57], %swap3A_60 {strides = array<i32>} : memref<128x128xf32, #tpu.memory_space<vmem>>, vector<1x16xf32>,
      %broadcast_in_dim3A_61 = arith.constant 0.000000e+00 : f32
      %broadcast_in_dim3A_62 = vector.broadcast %broadcast_in_dim3A_61 : f32 to vector<16xf32>
      %swap3A_63 = arith.index_cast %scan3A_41 : i32 to index
      %swap3A_64 = arith.constant 48 : index
      %swap3A_65 = tpu.vector_load %arg6[%swap3A_63, %swap3A_64] {strides = array<i32>} : memref<128x128xf32, #tpu.memory_space<vmem>>, vector<1x16xf32>,
      %swap3A_66 = vector.shape_cast %swap3A_65 : vector<1x16xf32> to vector<16xf32>
      %swap3A_67 = vector.shape_cast %broadcast_in_dim3A_62 : vector<16xf32> to vector<1x16xf32>
      tpu.vector_store %arg6[%swap3A_63, %swap3A_64], %swap3A_67 {strides = array<i32>} : memref<128x128xf32, #tpu.memory_space<vmem>>, vector<1x16xf32>,
      %broadcast_in_dim3A_68 = arith.constant 0.000000e+00 : f32
      %broadcast_in_dim3A_69 = vector.broadcast %broadcast_in_dim3A_68 : f32 to vector<16xf32>
      %swap3A_70 = arith.index_cast %scan3A_41 : i32 to index
      %swap3A_71 = arith.constant 64 : index
      %swap3A_72 = tpu.vector_load %arg6[%swap3A_70, %swap3A_71] {strides = array<i32>} : memref<128x128xf32, #tpu.memory_space<vmem>>, vector<1x16xf32>,
      %swap3A_73 = vector.shape_cast %swap3A_72 : vector<1x16xf32> to vector<16xf32>
      %swap3A_74 = vector.shape_cast %broadcast_in_dim3A_69 : vector<16xf32> to vector<1x16xf32>
      tpu.vector_store %arg6[%swap3A_70, %swap3A_71], %swap3A_74 {strides = array<i32>} : memref<128x128xf32, #tpu.memory_space<vmem>>, vector<1x16xf32>,
      %broadcast_in_dim3A_75 = arith.constant 0.000000e+00 : f32
      %broadcast_in_dim3A_76 = vector.broadcast %broadcast_in_dim3A_75 : f32 to vector<16xf32>
      %swap3A_77 = arith.index_cast %scan3A_41 : i32 to index
      %swap3A_78 = arith.constant 80 : index
      %swap3A_79 = tpu.vector_load %arg6[%swap3A_77, %swap3A_78] {strides = array<i32>} : memref<128x128xf32, #tpu.memory_space<vmem>>, vector<1x16xf32>,
      %swap3A_80 = vector.shape_cast %swap3A_79 : vector<1x16xf32> to vector<16xf32>
      %swap3A_81 = vector.shape_cast %broadcast_in_dim3A_76 : vector<16xf32> to vector<1x16xf32>
      tpu.vector_store %arg6[%swap3A_77, %swap3A_78], %swap3A_81 {strides = array<i32>} : memref<128x128xf32, #tpu.memory_space<vmem>>, vector<1x16xf32>,
      %broadcast_in_dim3A_82 = arith.constant 0.000000e+00 : f32
      %broadcast_in_dim3A_83 = vector.broadcast %broadcast_in_dim3A_82 : f32 to vector<16xf32>
      %swap3A_84 = arith.index_cast %scan3A_41 : i32 to index
      %swap3A_85 = arith.constant 96 : index
      %swap3A_86 = tpu.vector_load %arg6[%swap3A_84, %swap3A_85] {strides = array<i32>} : memref<128x128xf32, #tpu.memory_space<vmem>>, vector<1x16xf32>,
      %swap3A_87 = vector.shape_cast %swap3A_86 : vector<1x16xf32> to vector<16xf32>
      %swap3A_88 = vector.shape_cast %broadcast_in_dim3A_83 : vector<16xf32> to vector<1x16xf32>
      tpu.vector_store %arg6[%swap3A_84, %swap3A_85], %swap3A_88 {strides = array<i32>} : memref<128x128xf32, #tpu.memory_space<vmem>>, vector<1x16xf32>,
      %broadcast_in_dim3A_89 = arith.constant 0.000000e+00 : f32
      %broadcast_in_dim3A_90 = vector.broadcast %broadcast_in_dim3A_89 : f32 to vector<16xf32>
      %swap3A_91 = arith.index_cast %scan3A_41 : i32 to index
      %swap3A_92 = arith.constant 112 : index
      %swap3A_93 = tpu.vector_load %arg6[%swap3A_91, %swap3A_92] {strides = array<i32>} : memref<128x128xf32, #tpu.memory_space<vmem>>, vector<1x16xf32>,
      %swap3A_94 = vector.shape_cast %swap3A_93 : vector<1x16xf32> to vector<16xf32>
      %swap3A_95 = vector.shape_cast %broadcast_in_dim3A_90 : vector<16xf32> to vector<1x16xf32>
      tpu.vector_store %arg6[%swap3A_91, %swap3A_92], %swap3A_95 {strides = array<i32>} : memref<128x128xf32, #tpu.memory_space<vmem>>, vector<1x16xf32>,
    }
    %scan3A_4 = arith.constant 128 : i32
    %scan3A_5 = arith.constant 0 : i32
    %scan3A_6 = arith.constant 5 : i32
    %scan3A_7 = arith.addi %scan3A_5, %scan3A_6 : i32
    %scan3A_8 = arith.constant 1 : i32
    scf.for %scan3A_41 = %scan3A_5 to %scan3A_7 step %scan3A_8  : i32 {
      %mul3A_42 = arith.constant 640 : i32
      %mul3A_43 = arith.muli %arg1, %mul3A_42 : i32
      %mul3A_44 = arith.constant 128 : i32
      %mul3A_45 = arith.muli %scan3A_41, %mul3A_44 : i32
      %add3A_46 = arith.addi %mul3A_43, %mul3A_45 : i32
      "tpu.region"() ({
        %run_scoped3A = tpu.sem_alloc : memref<!tpu.dma_semaphore, #tpu.memory_space<semaphore_mem>>
        %dma_start3A_47 = arith.constant 0 : i32
        %dma_start3A_48 = tpu.memref_slice %arg11[%add3A_46, %dma_start3A_47] : memref<10240x128xf32, #tpu.memory_space<vmem_shared>> -> memref<128x128xf32, #tpu.memory_space<vmem_shared>>
        %dma_start3A_49 = arith.constant 0 : i32
        %dma_start3A_50 = tpu.memref_slice %arg11[%add3A_46, %dma_start3A_49] : memref<10240x128xf32, #tpu.memory_space<vmem_shared>> -> memref<128x128xf32, #tpu.memory_space<vmem_shared>>
        tpu.enqueue_dma source(%arg6 : memref<128x128xf32, #tpu.memory_space<vmem>>) target(%dma_start3A_50 : memref<128x128xf32, #tpu.memory_space<vmem_shared>>) target_semaphore(%run_scoped3A : memref<!tpu.dma_semaphore, #tpu.memory_space<semaphore_mem>>)
        %dma_wait3A_51 = arith.constant 0 : i32
        %dma_wait3A_52 = tpu.memref_slice %arg11[%add3A_46, %dma_wait3A_51] : memref<10240x128xf32, #tpu.memory_space<vmem_shared>> -> memref<128x128xf32, #tpu.memory_space<vmem_shared>>
        %dma_wait3A_53 = arith.constant 0 : i32
        %dma_wait3A_54 = tpu.memref_slice %arg11[%add3A_46, %dma_wait3A_53] : memref<10240x128xf32, #tpu.memory_space<vmem_shared>> -> memref<128x128xf32, #tpu.memory_space<vmem_shared>>
        tpu.wait_dma2 semaphore(%run_scoped3A : memref<!tpu.dma_semaphore, #tpu.memory_space<semaphore_mem>>) src(%arg6 : memref<128x128xf32, #tpu.memory_space<vmem>>) dst(%dma_wait3A_54 : memref<128x128xf32, #tpu.memory_space<vmem_shared>>)
        tpu.yield
      }) : () -> ()
    }
    %scan3A_9 = arith.constant 5 : i32
    %mul3A_10 = arith.constant 10240 : i32
    %mul3A_11 = arith.muli %add3A, %mul3A_10 : i32
    "tpu.region"() ({
      %run_scoped3A = tpu.sem_alloc : memref<!tpu.dma_semaphore, #tpu.memory_space<semaphore_mem>>
      %dma_start3A_41 = tpu.memref_slice %arg3[%mul3A_11] : memref<327680xi32, #tpu.memory_space<hbm>> -> memref<10240xi32, #tpu.memory_space<hbm>>
      %dma_start3A_42 = tpu.memref_slice %arg3[%mul3A_11] : memref<327680xi32, #tpu.memory_space<hbm>> -> memref<10240xi32, #tpu.memory_space<hbm>>
      tpu.enqueue_dma source(%dma_start3A_42 : memref<10240xi32, #tpu.memory_space<hbm>>) target(%arg8 : memref<10240xi32, #tpu.memory_space<vmem>>) target_semaphore(%run_scoped3A : memref<!tpu.dma_semaphore, #tpu.memory_space<semaphore_mem>>)
      %dma_wait3A_43 = tpu.memref_slice %arg3[%mul3A_11] : memref<327680xi32, #tpu.memory_space<hbm>> -> memref<10240xi32, #tpu.memory_space<hbm>>
      %dma_wait3A_44 = tpu.memref_slice %arg3[%mul3A_11] : memref<327680xi32, #tpu.memory_space<hbm>> -> memref<10240xi32, #tpu.memory_space<hbm>>
      tpu.wait_dma2 semaphore(%run_scoped3A : memref<!tpu.dma_semaphore, #tpu.memory_space<semaphore_mem>>) src(%dma_wait3A_44 : memref<10240xi32, #tpu.memory_space<hbm>>) dst(%arg8 : memref<10240xi32, #tpu.memory_space<vmem>>)
      tpu.yield
    }) : () -> ()
    %barrier3A = arith.constant 0 : index
    tpu.barrier barrier_id(%barrier3A)
    %dma_start3A = arith.constant 0 : i32
    %dma_start3A_12 = tpu.memref_slice %arg8[%dma_start3A] : memref<10240xi32, #tpu.memory_space<vmem>> -> memref<128xi32, #tpu.memory_space<vmem>>
    %dma_start3A_13 = arith.constant 0 : i32
    %dma_start3A_14 = arith.constant 0 : i32
    %dma_start3A_15 = tpu.memref_slice %arg2[%dma_start3A_13, %dma_start3A_14] : memref<10240x128xf32, #tpu.memory_space<hbm>> -> memref<10240x128xf32, #tpu.memory_space<hbm>>
    tpu.enqueue_indirect_dma source(%dma_start3A_15 : memref<10240x128xf32, #tpu.memory_space<hbm>>) target(%arg6 : memref<128x128xf32, #tpu.memory_space<vmem>>) offsets(%dma_start3A_12 : memref<128xi32, #tpu.memory_space<vmem>>) semaphore(%arg12 : memref<!tpu.dma_semaphore, #tpu.memory_space<semaphore_mem>>)
    %mul3A_16 = arith.constant 80 : i32
    %mul3A_17 = arith.muli %add3A, %mul3A_16 : i32
    %add3A_18 = arith.constant 0 : i32
    %add3A_19 = arith.addi %mul3A_17, %add3A_18 : i32
    %dma_start3A_20 = arith.constant 0 : i32
    %dma_start3A_21 = tpu.memref_slice %arg4[%add3A_19, %dma_start3A_20] : memref<2560x128xi32, #tpu.memory_space<hbm>> -> memref<1x128xi32, #tpu.memory_space<hbm>>
    %dma_start3A_22 = arith.constant 0 : i32
    %dma_start3A_23 = tpu.memref_slice %arg4[%add3A_19, %dma_start3A_22] : memref<2560x128xi32, #tpu.memory_space<hbm>> -> memref<1x128xi32, #tpu.memory_space<hbm>>
    tpu.enqueue_dma source(%dma_start3A_23 : memref<1x128xi32, #tpu.memory_space<hbm>>) target(%arg9 : memref<1x128xi32, #tpu.memory_space<vmem>>) target_semaphore(%arg14 : memref<!tpu.dma_semaphore, #tpu.memory_space<semaphore_mem>>)
    %scan3A_24 = arith.constant 0 : i32
    %scan3A_25 = arith.constant 40 : i32
    %scan3A_26 = arith.addi %scan3A_24, %scan3A_25 : i32
    %scan3A_27 = arith.constant 1 : i32
    scf.for %scan3A_41 = %scan3A_24 to %scan3A_26 step %scan3A_27  : i32 {
      %mul3A_42 = arith.constant 2 : i32
      %mul3A_43 = arith.muli %scan3A_41, %mul3A_42 : i32
      %add3A_44 = arith.constant 0 : i32
      %add3A_45 = arith.addi %mul3A_43, %add3A_44 : i32
      %ge3A = arith.constant 1 : i32
      %ge3A_46 = arith.cmpi sge, %add3A_45, %ge3A : i32
      %convert_element_type3A = arith.extui %ge3A_46 : i1 to i32
      %cond3A = arith.constant 0 : i32
      %cond3A_47 = arith.cmpi ne, %convert_element_type3A, %cond3A : i32
      scf.if %cond3A_47 {
        %dma_wait3A_110 = arith.constant 0 : i32
        %dma_wait3A_111 = arith.constant 0 : i32
        %dma_wait3A_112 = tpu.memref_slice %arg10[%dma_wait3A_110, %dma_wait3A_111] : memref<1x128xi32, #tpu.memory_space<vmem>> -> memref<1x128xi32, #tpu.memory_space<vmem>>
        %dma_wait3A_113 = tpu.memref_squeeze %dma_wait3A_112 : memref<1x128xi32, #tpu.memory_space<vmem>> -> memref<128xi32, #tpu.memory_space<vmem>>
        %dma_wait3A_114 = arith.constant 0 : i32
        %dma_wait3A_115 = arith.constant 0 : i32
        %dma_wait3A_116 = tpu.memref_slice %arg11[%dma_wait3A_114, %dma_wait3A_115] : memref<10240x128xf32, #tpu.memory_space<vmem_shared>> -> memref<10240x128xf32, #tpu.memory_space<vmem_shared>>
        tpu.wait_indirect_dma semaphore(%arg17 : memref<!tpu.dma_semaphore, #tpu.memory_space<semaphore_mem>>) src(%arg7 : memref<128x128xf32, #tpu.memory_space<vmem>>) dst(%dma_wait3A_116 : memref<10240x128xf32, #tpu.memory_space<vmem_shared>>)
      } else {
      }
      %add3A_48 = arith.constant 1 : i32
      %add3A_49 = arith.addi %add3A_45, %add3A_48 : i32
      %lt3A = arith.constant 80 : i32
      %lt3A_50 = arith.cmpi slt, %add3A_49, %lt3A : i32
      %convert_element_type3A_51 = arith.extui %lt3A_50 : i1 to i32
      %cond3A_52 = arith.constant 0 : i32
      %cond3A_53 = arith.cmpi ne, %convert_element_type3A_51, %cond3A_52 : i32
      scf.if %cond3A_53 {
        %add3A_110 = arith.constant 1 : i32
        %add3A_111 = arith.addi %add3A_45, %add3A_110 : i32
        %mul3A_112 = arith.constant 128 : i32
        %mul3A_113 = arith.muli %add3A_111, %mul3A_112 : i32
        %dma_start3A_114 = tpu.memref_slice %arg8[%mul3A_113] : memref<10240xi32, #tpu.memory_space<vmem>> -> memref<128xi32, #tpu.memory_space<vmem>>
        %dma_start3A_115 = arith.constant 0 : i32
        %dma_start3A_116 = arith.constant 0 : i32
        %dma_start3A_117 = tpu.memref_slice %arg2[%dma_start3A_115, %dma_start3A_116] : memref<10240x128xf32, #tpu.memory_space<hbm>> -> memref<10240x128xf32, #tpu.memory_space<hbm>>
        tpu.enqueue_indirect_dma source(%dma_start3A_117 : memref<10240x128xf32, #tpu.memory_space<hbm>>) target(%arg7 : memref<128x128xf32, #tpu.memory_space<vmem>>) offsets(%dma_start3A_114 : memref<128xi32, #tpu.memory_space<vmem>>) semaphore(%arg13 : memref<!tpu.dma_semaphore, #tpu.memory_space<semaphore_mem>>)
        %mul3A_118 = arith.constant 80 : i32
        %mul3A_119 = arith.muli %add3A, %mul3A_118 : i32
        %add3A_120 = arith.addi %mul3A_119, %add3A_111 : i32
        %dma_start3A_121 = arith.constant 0 : i32
        %dma_start3A_122 = tpu.memref_slice %arg4[%add3A_120, %dma_start3A_121] : memref<2560x128xi32, #tpu.memory_space<hbm>> -> memref<1x128xi32, #tpu.memory_space<hbm>>
        %dma_start3A_123 = arith.constant 0 : i32
        %dma_start3A_124 = tpu.memref_slice %arg4[%add3A_120, %dma_start3A_123] : memref<2560x128xi32, #tpu.memory_space<hbm>> -> memref<1x128xi32, #tpu.memory_space<hbm>>
        tpu.enqueue_dma source(%dma_start3A_124 : memref<1x128xi32, #tpu.memory_space<hbm>>) target(%arg10 : memref<1x128xi32, #tpu.memory_space<vmem>>) target_semaphore(%arg15 : memref<!tpu.dma_semaphore, #tpu.memory_space<semaphore_mem>>)
      } else {
      }
      %mul3A_54 = arith.constant 128 : i32
      %mul3A_55 = arith.muli %add3A_45, %mul3A_54 : i32
      %dma_wait3A_56 = tpu.memref_slice %arg8[%mul3A_55] : memref<10240xi32, #tpu.memory_space<vmem>> -> memref<128xi32, #tpu.memory_space<vmem>>
      %dma_wait3A_57 = arith.constant 0 : i32
      %dma_wait3A_58 = arith.constant 0 : i32
      %dma_wait3A_59 = tpu.memref_slice %arg2[%dma_wait3A_57, %dma_wait3A_58] : memref<10240x128xf32, #tpu.memory_space<hbm>> -> memref<10240x128xf32, #tpu.memory_space<hbm>>
      tpu.wait_indirect_dma semaphore(%arg12 : memref<!tpu.dma_semaphore, #tpu.memory_space<semaphore_mem>>) src(%dma_wait3A_59 : memref<10240x128xf32, #tpu.memory_space<hbm>>) dst(%arg6 : memref<128x128xf32, #tpu.memory_space<vmem>>)
      %mul3A_60 = arith.constant 80 : i32
      %mul3A_61 = arith.muli %add3A, %mul3A_60 : i32
      %add3A_62 = arith.addi %mul3A_61, %add3A_45 : i32
      %dma_wait3A_63 = arith.constant 0 : i32
      %dma_wait3A_64 = tpu.memref_slice %arg4[%add3A_62, %dma_wait3A_63] : memref<2560x128xi32, #tpu.memory_space<hbm>> -> memref<1x128xi32, #tpu.memory_space<hbm>>
      %dma_wait3A_65 = arith.constant 0 : i32
      %dma_wait3A_66 = tpu.memref_slice %arg4[%add3A_62, %dma_wait3A_65] : memref<2560x128xi32, #tpu.memory_space<hbm>> -> memref<1x128xi32, #tpu.memory_space<hbm>>
      tpu.wait_dma2 semaphore(%arg14 : memref<!tpu.dma_semaphore, #tpu.memory_space<semaphore_mem>>) src(%dma_wait3A_66 : memref<1x128xi32, #tpu.memory_space<hbm>>) dst(%arg9 : memref<1x128xi32, #tpu.memory_space<vmem>>)
      %dma_start3A_67 = arith.constant 0 : i32
      %dma_start3A_68 = arith.constant 0 : i32
      %dma_start3A_69 = tpu.memref_slice %arg9[%dma_start3A_67, %dma_start3A_68] : memref<1x128xi32, #tpu.memory_space<vmem>> -> memref<1x128xi32, #tpu.memory_space<vmem>>
      %dma_start3A_70 = tpu.memref_squeeze %dma_start3A_69 : memref<1x128xi32, #tpu.memory_space<vmem>> -> memref<128xi32, #tpu.memory_space<vmem>>
      %dma_start3A_71 = arith.constant 0 : i32
      %dma_start3A_72 = arith.constant 0 : i32
      %dma_start3A_73 = tpu.memref_slice %arg11[%dma_start3A_71, %dma_start3A_72] : memref<10240x128xf32, #tpu.memory_space<vmem_shared>> -> memref<10240x128xf32, #tpu.memory_space<vmem_shared>>
      tpu.enqueue_indirect_dma source(%arg6 : memref<128x128xf32, #tpu.memory_space<vmem>>) target(%dma_start3A_73 : memref<10240x128xf32, #tpu.memory_space<vmem_shared>>) offsets(%dma_start3A_70 : memref<128xi32, #tpu.memory_space<vmem>>) semaphore(%arg16 : memref<!tpu.dma_semaphore, #tpu.memory_space<semaphore_mem>>) {add = true}
      %mul3A_74 = arith.constant 2 : i32
      %mul3A_75 = arith.muli %scan3A_41, %mul3A_74 : i32
      %add3A_76 = arith.constant 1 : i32
      %add3A_77 = arith.addi %mul3A_75, %add3A_76 : i32
      %ge3A_78 = arith.constant 1 : i32
      %ge3A_79 = arith.cmpi sge, %add3A_77, %ge3A_78 : i32
      %convert_element_type3A_80 = arith.extui %ge3A_79 : i1 to i32
      %cond3A_81 = arith.constant 0 : i32
      %cond3A_82 = arith.cmpi ne, %convert_element_type3A_80, %cond3A_81 : i32
      scf.if %cond3A_82 {
        %dma_wait3A_110 = arith.constant 0 : i32
        %dma_wait3A_111 = arith.constant 0 : i32
        %dma_wait3A_112 = tpu.memref_slice %arg9[%dma_wait3A_110, %dma_wait3A_111] : memref<1x128xi32, #tpu.memory_space<vmem>> -> memref<1x128xi32, #tpu.memory_space<vmem>>
        %dma_wait3A_113 = tpu.memref_squeeze %dma_wait3A_112 : memref<1x128xi32, #tpu.memory_space<vmem>> -> memref<128xi32, #tpu.memory_space<vmem>>
        %dma_wait3A_114 = arith.constant 0 : i32
        %dma_wait3A_115 = arith.constant 0 : i32
        %dma_wait3A_116 = tpu.memref_slice %arg11[%dma_wait3A_114, %dma_wait3A_115] : memref<10240x128xf32, #tpu.memory_space<vmem_shared>> -> memref<10240x128xf32, #tpu.memory_space<vmem_shared>>
        tpu.wait_indirect_dma semaphore(%arg16 : memref<!tpu.dma_semaphore, #tpu.memory_space<semaphore_mem>>) src(%arg6 : memref<128x128xf32, #tpu.memory_space<vmem>>) dst(%dma_wait3A_116 : memref<10240x128xf32, #tpu.memory_space<vmem_shared>>)
      } else {
      }
      %add3A_83 = arith.constant 1 : i32
      %add3A_84 = arith.addi %add3A_77, %add3A_83 : i32
      %lt3A_85 = arith.constant 80 : i32
      %lt3A_86 = arith.cmpi slt, %add3A_84, %lt3A_85 : i32
      %convert_element_type3A_87 = arith.extui %lt3A_86 : i1 to i32
      %cond3A_88 = arith.constant 0 : i32
      %cond3A_89 = arith.cmpi ne, %convert_element_type3A_87, %cond3A_88 : i32
      scf.if %cond3A_89 {
        %add3A_110 = arith.constant 1 : i32
        %add3A_111 = arith.addi %add3A_77, %add3A_110 : i32
        %mul3A_112 = arith.constant 128 : i32
        %mul3A_113 = arith.muli %add3A_111, %mul3A_112 : i32
        %dma_start3A_114 = tpu.memref_slice %arg8[%mul3A_113] : memref<10240xi32, #tpu.memory_space<vmem>> -> memref<128xi32, #tpu.memory_space<vmem>>
        %dma_start3A_115 = arith.constant 0 : i32
        %dma_start3A_116 = arith.constant 0 : i32
        %dma_start3A_117 = tpu.memref_slice %arg2[%dma_start3A_115, %dma_start3A_116] : memref<10240x128xf32, #tpu.memory_space<hbm>> -> memref<10240x128xf32, #tpu.memory_space<hbm>>
        tpu.enqueue_indirect_dma source(%dma_start3A_117 : memref<10240x128xf32, #tpu.memory_space<hbm>>) target(%arg6 : memref<128x128xf32, #tpu.memory_space<vmem>>) offsets(%dma_start3A_114 : memref<128xi32, #tpu.memory_space<vmem>>) semaphore(%arg12 : memref<!tpu.dma_semaphore, #tpu.memory_space<semaphore_mem>>)
        %mul3A_118 = arith.constant 80 : i32
        %mul3A_119 = arith.muli %add3A, %mul3A_118 : i32
        %add3A_120 = arith.addi %mul3A_119, %add3A_111 : i32
        %dma_start3A_121 = arith.constant 0 : i32
        %dma_start3A_122 = tpu.memref_slice %arg4[%add3A_120, %dma_start3A_121] : memref<2560x128xi32, #tpu.memory_space<hbm>> -> memref<1x128xi32, #tpu.memory_space<hbm>>
        %dma_start3A_123 = arith.constant 0 : i32
        %dma_start3A_124 = tpu.memref_slice %arg4[%add3A_120, %dma_start3A_123] : memref<2560x128xi32, #tpu.memory_space<hbm>> -> memref<1x128xi32, #tpu.memory_space<hbm>>
        tpu.enqueue_dma source(%dma_start3A_124 : memref<1x128xi32, #tpu.memory_space<hbm>>) target(%arg9 : memref<1x128xi32, #tpu.memory_space<vmem>>) target_semaphore(%arg14 : memref<!tpu.dma_semaphore, #tpu.memory_space<semaphore_mem>>)
      } else {
      }
      %mul3A_90 = arith.constant 128 : i32
      %mul3A_91 = arith.muli %add3A_77, %mul3A_90 : i32
      %dma_wait3A_92 = tpu.memref_slice %arg8[%mul3A_91] : memref<10240xi32, #tpu.memory_space<vmem>> -> memref<128xi32, #tpu.memory_space<vmem>>
      %dma_wait3A_93 = arith.constant 0 : i32
      %dma_wait3A_94 = arith.constant 0 : i32
      %dma_wait3A_95 = tpu.memref_slice %arg2[%dma_wait3A_93, %dma_wait3A_94] : memref<10240x128xf32, #tpu.memory_space<hbm>> -> memref<10240x128xf32, #tpu.memory_space<hbm>>
      tpu.wait_indirect_dma semaphore(%arg13 : memref<!tpu.dma_semaphore, #tpu.memory_space<semaphore_mem>>) src(%dma_wait3A_95 : memref<10240x128xf32, #tpu.memory_space<hbm>>) dst(%arg7 : memref<128x128xf32, #tpu.memory_space<vmem>>)
      %mul3A_96 = arith.constant 80 : i32
      %mul3A_97 = arith.muli %add3A, %mul3A_96 : i32
      %add3A_98 = arith.addi %mul3A_97, %add3A_77 : i32
      %dma_wait3A_99 = arith.constant 0 : i32
      %dma_wait3A_100 = tpu.memref_slice %arg4[%add3A_98, %dma_wait3A_99] : memref<2560x128xi32, #tpu.memory_space<hbm>> -> memref<1x128xi32, #tpu.memory_space<hbm>>
      %dma_wait3A_101 = arith.constant 0 : i32
      %dma_wait3A_102 = tpu.memref_slice %arg4[%add3A_98, %dma_wait3A_101] : memref<2560x128xi32, #tpu.memory_space<hbm>> -> memref<1x128xi32, #tpu.memory_space<hbm>>
      tpu.wait_dma2 semaphore(%arg15 : memref<!tpu.dma_semaphore, #tpu.memory_space<semaphore_mem>>) src(%dma_wait3A_102 : memref<1x128xi32, #tpu.memory_space<hbm>>) dst(%arg10 : memref<1x128xi32, #tpu.memory_space<vmem>>)
      %dma_start3A_103 = arith.constant 0 : i32
      %dma_start3A_104 = arith.constant 0 : i32
      %dma_start3A_105 = tpu.memref_slice %arg10[%dma_start3A_103, %dma_start3A_104] : memref<1x128xi32, #tpu.memory_space<vmem>> -> memref<1x128xi32, #tpu.memory_space<vmem>>
      %dma_start3A_106 = tpu.memref_squeeze %dma_start3A_105 : memref<1x128xi32, #tpu.memory_space<vmem>> -> memref<128xi32, #tpu.memory_space<vmem>>
      %dma_start3A_107 = arith.constant 0 : i32
      %dma_start3A_108 = arith.constant 0 : i32
      %dma_start3A_109 = tpu.memref_slice %arg11[%dma_start3A_107, %dma_start3A_108] : memref<10240x128xf32, #tpu.memory_space<vmem_shared>> -> memref<10240x128xf32, #tpu.memory_space<vmem_shared>>
      tpu.enqueue_indirect_dma source(%arg7 : memref<128x128xf32, #tpu.memory_space<vmem>>) target(%dma_start3A_109 : memref<10240x128xf32, #tpu.memory_space<vmem_shared>>) offsets(%dma_start3A_106 : memref<128xi32, #tpu.memory_space<vmem>>) semaphore(%arg17 : memref<!tpu.dma_semaphore, #tpu.memory_space<semaphore_mem>>) {add = true}
    }
    %scan3A_28 = arith.constant 40 : i32
    %dma_wait3A = arith.constant 0 : i32
    %dma_wait3A_29 = arith.constant 0 : i32
    %dma_wait3A_30 = tpu.memref_slice %arg10[%dma_wait3A, %dma_wait3A_29] : memref<1x128xi32, #tpu.memory_space<vmem>> -> memref<1x128xi32, #tpu.memory_space<vmem>>
    %dma_wait3A_31 = tpu.memref_squeeze %dma_wait3A_30 : memref<1x128xi32, #tpu.memory_space<vmem>> -> memref<128xi32, #tpu.memory_space<vmem>>
    %dma_wait3A_32 = arith.constant 0 : i32
    %dma_wait3A_33 = arith.constant 0 : i32
    %dma_wait3A_34 = tpu.memref_slice %arg11[%dma_wait3A_32, %dma_wait3A_33] : memref<10240x128xf32, #tpu.memory_space<vmem_shared>> -> memref<10240x128xf32, #tpu.memory_space<vmem_shared>>
    tpu.wait_indirect_dma semaphore(%arg17 : memref<!tpu.dma_semaphore, #tpu.memory_space<semaphore_mem>>) src(%arg7 : memref<128x128xf32, #tpu.memory_space<vmem>>) dst(%dma_wait3A_34 : memref<10240x128xf32, #tpu.memory_space<vmem_shared>>)
    %barrier3A_35 = arith.constant 0 : index
    tpu.barrier barrier_id(%barrier3A_35)
    %scan3A_36 = arith.constant 0 : i32
    %scan3A_37 = arith.constant 5 : i32
    %scan3A_38 = arith.addi %scan3A_36, %scan3A_37 : i32
    %scan3A_39 = arith.constant 1 : i32
    scf.for %scan3A_41 = %scan3A_36 to %scan3A_38 step %scan3A_39  : i32 {
      %mul3A_42 = arith.constant 640 : i32
      %mul3A_43 = arith.muli %arg1, %mul3A_42 : i32
      %mul3A_44 = arith.constant 128 : i32
      %mul3A_45 = arith.muli %scan3A_41, %mul3A_44 : i32
      %add3A_46 = arith.addi %mul3A_43, %mul3A_45 : i32
      "tpu.region"() ({
        %run_scoped3A = tpu.sem_alloc : memref<!tpu.dma_semaphore, #tpu.memory_space<semaphore_mem>>
        %dma_start3A_47 = arith.constant 0 : i32
        %dma_start3A_48 = tpu.memref_slice %arg11[%add3A_46, %dma_start3A_47] : memref<10240x128xf32, #tpu.memory_space<vmem_shared>> -> memref<128x128xf32, #tpu.memory_space<vmem_shared>>
        %dma_start3A_49 = arith.constant 0 : i32
        %dma_start3A_50 = tpu.memref_slice %arg11[%add3A_46, %dma_start3A_49] : memref<10240x128xf32, #tpu.memory_space<vmem_shared>> -> memref<128x128xf32, #tpu.memory_space<vmem_shared>>
        tpu.enqueue_dma source(%dma_start3A_50 : memref<128x128xf32, #tpu.memory_space<vmem_shared>>) target(%arg6 : memref<128x128xf32, #tpu.memory_space<vmem>>) target_semaphore(%run_scoped3A : memref<!tpu.dma_semaphore, #tpu.memory_space<semaphore_mem>>)
        %dma_wait3A_51 = arith.constant 0 : i32
        %dma_wait3A_52 = tpu.memref_slice %arg11[%add3A_46, %dma_wait3A_51] : memref<10240x128xf32, #tpu.memory_space<vmem_shared>> -> memref<128x128xf32, #tpu.memory_space<vmem_shared>>
        %dma_wait3A_53 = arith.constant 0 : i32
        %dma_wait3A_54 = tpu.memref_slice %arg11[%add3A_46, %dma_wait3A_53] : memref<10240x128xf32, #tpu.memory_space<vmem_shared>> -> memref<128x128xf32, #tpu.memory_space<vmem_shared>>
        tpu.wait_dma2 semaphore(%run_scoped3A : memref<!tpu.dma_semaphore, #tpu.memory_space<semaphore_mem>>) src(%dma_wait3A_54 : memref<128x128xf32, #tpu.memory_space<vmem_shared>>) dst(%arg6 : memref<128x128xf32, #tpu.memory_space<vmem>>)
        tpu.yield
      }) : () -> ()
      "tpu.region"() ({
        %run_scoped3A = tpu.sem_alloc : memref<!tpu.dma_semaphore, #tpu.memory_space<semaphore_mem>>
        %dma_start3A_47 = arith.constant 0 : i32
        %dma_start3A_48 = tpu.memref_slice %arg5[%arg0, %add3A_46, %dma_start3A_47] : memref<2x10240x128xf32, #tpu.memory_space<hbm>> -> memref<1x128x128xf32, #tpu.memory_space<hbm>>
        %dma_start3A_49 = tpu.memref_squeeze %dma_start3A_48 : memref<1x128x128xf32, #tpu.memory_space<hbm>> -> memref<128x128xf32, #tpu.memory_space<hbm>>
        %dma_start3A_50 = arith.constant 0 : i32
        %dma_start3A_51 = tpu.memref_slice %arg5[%arg0, %add3A_46, %dma_start3A_50] : memref<2x10240x128xf32, #tpu.memory_space<hbm>> -> memref<1x128x128xf32, #tpu.memory_space<hbm>>
        %dma_start3A_52 = tpu.memref_squeeze %dma_start3A_51 : memref<1x128x128xf32, #tpu.memory_space<hbm>> -> memref<128x128xf32, #tpu.memory_space<hbm>>
        tpu.enqueue_dma source(%arg6 : memref<128x128xf32, #tpu.memory_space<vmem>>) target(%dma_start3A_52 : memref<128x128xf32, #tpu.memory_space<hbm>>) target_semaphore(%run_scoped3A : memref<!tpu.dma_semaphore, #tpu.memory_space<semaphore_mem>>)
        %dma_wait3A_53 = arith.constant 0 : i32
        %dma_wait3A_54 = tpu.memref_slice %arg5[%arg0, %add3A_46, %dma_wait3A_53] : memref<2x10240x128xf32, #tpu.memory_space<hbm>> -> memref<1x128x128xf32, #tpu.memory_space<hbm>>
        %dma_wait3A_55 = tpu.memref_squeeze %dma_wait3A_54 : memref<1x128x128xf32, #tpu.memory_space<hbm>> -> memref<128x128xf32, #tpu.memory_space<hbm>>
        %dma_wait3A_56 = arith.constant 0 : i32
        %dma_wait3A_57 = tpu.memref_slice %arg5[%arg0, %add3A_46, %dma_wait3A_56] : memref<2x10240x128xf32, #tpu.memory_space<hbm>> -> memref<1x128x128xf32, #tpu.memory_space<hbm>>
        %dma_wait3A_58 = tpu.memref_squeeze %dma_wait3A_57 : memref<1x128x128xf32, #tpu.memory_space<hbm>> -> memref<128x128xf32, #tpu.memory_space<hbm>>
        tpu.wait_dma2 semaphore(%run_scoped3A : memref<!tpu.dma_semaphore, #tpu.memory_space<semaphore_mem>>) src(%arg6 : memref<128x128xf32, #tpu.memory_space<vmem>>) dst(%dma_wait3A_58 : memref<128x128xf32, #tpu.memory_space<hbm>>)
        tpu.yield
      }) : () -> ()
    }
    %scan3A_40 = arith.constant 5 : i32
    return
  }
}

#map = affine_map<(d0, d1) -> (0, 0)>
module attributes {stable_mosaic.version = 14 : i64} {
  func.func @_sc_degree(%arg0: i32, %arg1: i32, %arg2: memref<2560x128xi32, #tpu.memory_space<hbm>>, %arg3: memref<2x10240xf32, #tpu.memory_space<hbm>>, %arg4: memref<640xf32, #tpu.memory_space<vmem>>, %arg5: memref<128xf32, #tpu.memory_space<vmem>>, %arg6: memref<80x128xi32, #tpu.memory_space<vmem>>, %arg7: memref<10240xf32, #tpu.memory_space<vmem_shared>>) attributes {dimension_semantics = [#tpu.dimension_semantics<core_parallel>, #tpu.dimension_semantics<subcore_parallel>], iteration_bounds = array<i64: 2, 16>, scalar_prefetch = 0 : i64, scratch_operands = 4 : i64, tpu.core_type = #tpu.core_type<sc_vector_subcore>, window_params = [{transform_indices = #map}, {transform_indices = #map}]} {
    %mul3A = arith.constant 2 : i32
    %mul3A_0 = arith.muli %arg1, %mul3A : i32
    %add3A = arith.addi %mul3A_0, %arg0 : i32
    %scan3A = arith.constant 0 : i32
    %scan3A_1 = arith.constant 40 : i32
    %scan3A_2 = arith.addi %scan3A, %scan3A_1 : i32
    %scan3A_3 = arith.constant 1 : i32
    scf.for %scan3A_19 = %scan3A to %scan3A_2 step %scan3A_3  : i32 {
      %broadcast_in_dim3A = arith.constant 0.000000e+00 : f32
      %broadcast_in_dim3A_20 = vector.broadcast %broadcast_in_dim3A : f32 to vector<16xf32>
      %mul3A_21 = arith.constant 16 : i32
      %mul3A_22 = arith.muli %scan3A_19, %mul3A_21 : i32
      %swap3A = arith.index_cast %mul3A_22 : i32 to index
      %swap3A_23 = tpu.vector_load %arg4[%swap3A] {strides = array<i32>} : memref<640xf32, #tpu.memory_space<vmem>>, vector<16xf32>,
      %swap3A_24 = vector.shape_cast %swap3A_23 : vector<16xf32> to vector<16xf32>
      %swap3A_25 = vector.shape_cast %broadcast_in_dim3A_20 : vector<16xf32> to vector<16xf32>
      tpu.vector_store %arg4[%swap3A], %swap3A_25 {strides = array<i32>} : memref<640xf32, #tpu.memory_space<vmem>>, vector<16xf32>,
      %broadcast_in_dim3A_26 = arith.constant 1.000000e+00 : f32
      %broadcast_in_dim3A_27 = vector.broadcast %broadcast_in_dim3A_26 : f32 to vector<16xf32>
      %jit3A = arith.constant 8 : i32
      %eq3A = arith.constant 0 : i32
      %eq3A_28 = arith.cmpi eq, %jit3A, %eq3A : i32
      %jit3A_29 = arith.constant 1 : i32
      %select_n3A = arith.select %eq3A_28, %jit3A_29, %jit3A : i32
      %rem3A = arith.remsi %scan3A_19, %select_n3A : i32
      %ne3A = arith.constant 0 : i32
      %ne3A_30 = arith.cmpi ne, %rem3A, %ne3A : i32
      %lt3A = arith.constant 0 : i32
      %lt3A_31 = arith.cmpi slt, %rem3A, %lt3A : i32
      %lt3A_32 = arith.constant 0 : i32
      %lt3A_33 = arith.cmpi slt, %select_n3A, %lt3A_32 : i32
      %ne3A_34 = arith.xori %lt3A_31, %lt3A_33 : i1
      %and3A = arith.andi %ne3A_34, %ne3A_30 : i1
      %add3A_35 = arith.addi %rem3A, %select_n3A : i32
      %select_n3A_36 = arith.select %and3A, %add3A_35, %rem3A : i32
      %mul3A_37 = arith.constant 16 : i32
      %mul3A_38 = arith.muli %select_n3A_36, %mul3A_37 : i32
      %swap3A_39 = arith.index_cast %mul3A_38 : i32 to index
      %swap3A_40 = tpu.vector_load %arg5[%swap3A_39] {strides = array<i32>} : memref<128xf32, #tpu.memory_space<vmem>>, vector<16xf32>,
      %swap3A_41 = vector.shape_cast %swap3A_40 : vector<16xf32> to vector<16xf32>
      %swap3A_42 = vector.shape_cast %broadcast_in_dim3A_27 : vector<16xf32> to vector<16xf32>
      tpu.vector_store %arg5[%swap3A_39], %swap3A_42 {strides = array<i32>} : memref<128xf32, #tpu.memory_space<vmem>>, vector<16xf32>,
    }
    %scan3A_4 = arith.constant 40 : i32
    %mul3A_5 = arith.constant 640 : i32
    %mul3A_6 = arith.muli %arg1, %mul3A_5 : i32
    "tpu.region"() ({
      %run_scoped3A = tpu.sem_alloc : memref<!tpu.dma_semaphore, #tpu.memory_space<semaphore_mem>>
      %dma_start3A = tpu.memref_slice %arg7[%mul3A_6] : memref<10240xf32, #tpu.memory_space<vmem_shared>> -> memref<640xf32, #tpu.memory_space<vmem_shared>>
      %dma_start3A_19 = tpu.memref_slice %arg7[%mul3A_6] : memref<10240xf32, #tpu.memory_space<vmem_shared>> -> memref<640xf32, #tpu.memory_space<vmem_shared>>
      tpu.enqueue_dma source(%arg4 : memref<640xf32, #tpu.memory_space<vmem>>) target(%dma_start3A_19 : memref<640xf32, #tpu.memory_space<vmem_shared>>) target_semaphore(%run_scoped3A : memref<!tpu.dma_semaphore, #tpu.memory_space<semaphore_mem>>)
      %dma_wait3A = tpu.memref_slice %arg7[%mul3A_6] : memref<10240xf32, #tpu.memory_space<vmem_shared>> -> memref<640xf32, #tpu.memory_space<vmem_shared>>
      %dma_wait3A_20 = tpu.memref_slice %arg7[%mul3A_6] : memref<10240xf32, #tpu.memory_space<vmem_shared>> -> memref<640xf32, #tpu.memory_space<vmem_shared>>
      tpu.wait_dma2 semaphore(%run_scoped3A : memref<!tpu.dma_semaphore, #tpu.memory_space<semaphore_mem>>) src(%arg4 : memref<640xf32, #tpu.memory_space<vmem>>) dst(%dma_wait3A_20 : memref<640xf32, #tpu.memory_space<vmem_shared>>)
      tpu.yield
    }) : () -> ()
    %mul3A_7 = arith.constant 80 : i32
    %mul3A_8 = arith.muli %add3A, %mul3A_7 : i32
    "tpu.region"() ({
      %run_scoped3A = tpu.sem_alloc : memref<!tpu.dma_semaphore, #tpu.memory_space<semaphore_mem>>
      %dma_start3A = arith.constant 0 : i32
      %dma_start3A_19 = tpu.memref_slice %arg2[%mul3A_8, %dma_start3A] : memref<2560x128xi32, #tpu.memory_space<hbm>> -> memref<80x128xi32, #tpu.memory_space<hbm>>
      %dma_start3A_20 = arith.constant 0 : i32
      %dma_start3A_21 = tpu.memref_slice %arg2[%mul3A_8, %dma_start3A_20] : memref<2560x128xi32, #tpu.memory_space<hbm>> -> memref<80x128xi32, #tpu.memory_space<hbm>>
      tpu.enqueue_dma source(%dma_start3A_21 : memref<80x128xi32, #tpu.memory_space<hbm>>) target(%arg6 : memref<80x128xi32, #tpu.memory_space<vmem>>) target_semaphore(%run_scoped3A : memref<!tpu.dma_semaphore, #tpu.memory_space<semaphore_mem>>)
      %dma_wait3A = arith.constant 0 : i32
      %dma_wait3A_22 = tpu.memref_slice %arg2[%mul3A_8, %dma_wait3A] : memref<2560x128xi32, #tpu.memory_space<hbm>> -> memref<80x128xi32, #tpu.memory_space<hbm>>
      %dma_wait3A_23 = arith.constant 0 : i32
      %dma_wait3A_24 = tpu.memref_slice %arg2[%mul3A_8, %dma_wait3A_23] : memref<2560x128xi32, #tpu.memory_space<hbm>> -> memref<80x128xi32, #tpu.memory_space<hbm>>
      tpu.wait_dma2 semaphore(%run_scoped3A : memref<!tpu.dma_semaphore, #tpu.memory_space<semaphore_mem>>) src(%dma_wait3A_24 : memref<80x128xi32, #tpu.memory_space<hbm>>) dst(%arg6 : memref<80x128xi32, #tpu.memory_space<vmem>>)
      tpu.yield
    }) : () -> ()
    %barrier3A = arith.constant 0 : index
    tpu.barrier barrier_id(%barrier3A)
    %scan3A_9 = arith.constant 0 : i32
    %scan3A_10 = arith.constant 80 : i32
    %scan3A_11 = arith.addi %scan3A_9, %scan3A_10 : i32
    %scan3A_12 = arith.constant 1 : i32
    scf.for %scan3A_19 = %scan3A_9 to %scan3A_11 step %scan3A_12  : i32 {
      "tpu.region"() ({
        %run_scoped3A = tpu.sem_alloc : memref<!tpu.dma_semaphore, #tpu.memory_space<semaphore_mem>>
        %dma_start3A = arith.constant 0 : i32
        %dma_start3A_20 = tpu.memref_slice %arg6[%scan3A_19, %dma_start3A] : memref<80x128xi32, #tpu.memory_space<vmem>> -> memref<1x128xi32, #tpu.memory_space<vmem>>
        %dma_start3A_21 = tpu.memref_squeeze %dma_start3A_20 : memref<1x128xi32, #tpu.memory_space<vmem>> -> memref<128xi32, #tpu.memory_space<vmem>>
        %dma_start3A_22 = arith.constant 0 : i32
        %dma_start3A_23 = tpu.memref_slice %arg7[%dma_start3A_22] : memref<10240xf32, #tpu.memory_space<vmem_shared>> -> memref<10240xf32, #tpu.memory_space<vmem_shared>>
        tpu.enqueue_indirect_dma source(%arg5 : memref<128xf32, #tpu.memory_space<vmem>>) target(%dma_start3A_23 : memref<10240xf32, #tpu.memory_space<vmem_shared>>) offsets(%dma_start3A_21 : memref<128xi32, #tpu.memory_space<vmem>>) semaphore(%run_scoped3A : memref<!tpu.dma_semaphore, #tpu.memory_space<semaphore_mem>>) {add = true}
        %dma_wait3A = arith.constant 0 : i32
        %dma_wait3A_24 = tpu.memref_slice %arg6[%scan3A_19, %dma_wait3A] : memref<80x128xi32, #tpu.memory_space<vmem>> -> memref<1x128xi32, #tpu.memory_space<vmem>>
        %dma_wait3A_25 = tpu.memref_squeeze %dma_wait3A_24 : memref<1x128xi32, #tpu.memory_space<vmem>> -> memref<128xi32, #tpu.memory_space<vmem>>
        %dma_wait3A_26 = arith.constant 0 : i32
        %dma_wait3A_27 = tpu.memref_slice %arg7[%dma_wait3A_26] : memref<10240xf32, #tpu.memory_space<vmem_shared>> -> memref<10240xf32, #tpu.memory_space<vmem_shared>>
        tpu.wait_indirect_dma semaphore(%run_scoped3A : memref<!tpu.dma_semaphore, #tpu.memory_space<semaphore_mem>>) src(%arg5 : memref<128xf32, #tpu.memory_space<vmem>>) dst(%dma_wait3A_27 : memref<10240xf32, #tpu.memory_space<vmem_shared>>)
        tpu.yield
      }) : () -> ()
    }
    %scan3A_13 = arith.constant 80 : i32
    %barrier3A_14 = arith.constant 0 : index
    tpu.barrier barrier_id(%barrier3A_14)
    %mul3A_15 = arith.constant 640 : i32
    %mul3A_16 = arith.muli %arg1, %mul3A_15 : i32
    "tpu.region"() ({
      %run_scoped3A = tpu.sem_alloc : memref<!tpu.dma_semaphore, #tpu.memory_space<semaphore_mem>>
      %dma_start3A = tpu.memref_slice %arg7[%mul3A_16] : memref<10240xf32, #tpu.memory_space<vmem_shared>> -> memref<640xf32, #tpu.memory_space<vmem_shared>>
      %dma_start3A_19 = tpu.memref_slice %arg7[%mul3A_16] : memref<10240xf32, #tpu.memory_space<vmem_shared>> -> memref<640xf32, #tpu.memory_space<vmem_shared>>
      tpu.enqueue_dma source(%dma_start3A_19 : memref<640xf32, #tpu.memory_space<vmem_shared>>) target(%arg4 : memref<640xf32, #tpu.memory_space<vmem>>) target_semaphore(%run_scoped3A : memref<!tpu.dma_semaphore, #tpu.memory_space<semaphore_mem>>)
      %dma_wait3A = tpu.memref_slice %arg7[%mul3A_16] : memref<10240xf32, #tpu.memory_space<vmem_shared>> -> memref<640xf32, #tpu.memory_space<vmem_shared>>
      %dma_wait3A_20 = tpu.memref_slice %arg7[%mul3A_16] : memref<10240xf32, #tpu.memory_space<vmem_shared>> -> memref<640xf32, #tpu.memory_space<vmem_shared>>
      tpu.wait_dma2 semaphore(%run_scoped3A : memref<!tpu.dma_semaphore, #tpu.memory_space<semaphore_mem>>) src(%dma_wait3A_20 : memref<640xf32, #tpu.memory_space<vmem_shared>>) dst(%arg4 : memref<640xf32, #tpu.memory_space<vmem>>)
      tpu.yield
    }) : () -> ()
    %mul3A_17 = arith.constant 640 : i32
    %mul3A_18 = arith.muli %arg1, %mul3A_17 : i32
    "tpu.region"() ({
      %run_scoped3A = tpu.sem_alloc : memref<!tpu.dma_semaphore, #tpu.memory_space<semaphore_mem>>
      %dma_start3A = tpu.memref_slice %arg3[%arg0, %mul3A_18] : memref<2x10240xf32, #tpu.memory_space<hbm>> -> memref<1x640xf32, #tpu.memory_space<hbm>>
      %dma_start3A_19 = tpu.memref_squeeze %dma_start3A : memref<1x640xf32, #tpu.memory_space<hbm>> -> memref<640xf32, #tpu.memory_space<hbm>>
      %dma_start3A_20 = tpu.memref_slice %arg3[%arg0, %mul3A_18] : memref<2x10240xf32, #tpu.memory_space<hbm>> -> memref<1x640xf32, #tpu.memory_space<hbm>>
      %dma_start3A_21 = tpu.memref_squeeze %dma_start3A_20 : memref<1x640xf32, #tpu.memory_space<hbm>> -> memref<640xf32, #tpu.memory_space<hbm>>
      tpu.enqueue_dma source(%arg4 : memref<640xf32, #tpu.memory_space<vmem>>) target(%dma_start3A_21 : memref<640xf32, #tpu.memory_space<hbm>>) target_semaphore(%run_scoped3A : memref<!tpu.dma_semaphore, #tpu.memory_space<semaphore_mem>>)
      %dma_wait3A = tpu.memref_slice %arg3[%arg0, %mul3A_18] : memref<2x10240xf32, #tpu.memory_space<hbm>> -> memref<1x640xf32, #tpu.memory_space<hbm>>
      %dma_wait3A_22 = tpu.memref_squeeze %dma_wait3A : memref<1x640xf32, #tpu.memory_space<hbm>> -> memref<640xf32, #tpu.memory_space<hbm>>
      %dma_wait3A_23 = tpu.memref_slice %arg3[%arg0, %mul3A_18] : memref<2x10240xf32, #tpu.memory_space<hbm>> -> memref<1x640xf32, #tpu.memory_space<hbm>>
      %dma_wait3A_24 = tpu.memref_squeeze %dma_wait3A_23 : memref<1x640xf32, #tpu.memory_space<hbm>> -> memref<640xf32, #tpu.memory_space<hbm>>
      tpu.wait_dma2 semaphore(%run_scoped3A : memref<!tpu.dma_semaphore, #tpu.memory_space<semaphore_mem>>) src(%arg4 : memref<640xf32, #tpu.memory_space<vmem>>) dst(%dma_wait3A_24 : memref<640xf32, #tpu.memory_space<hbm>>)
      tpu.yield
    }) : () -> ()
    return
  }
}

#map = affine_map<(d0, d1) -> (0, 0)>
#map1 = affine_map<(d0, d1) -> (0)>
module attributes {stable_mosaic.version = 14 : i64} {
  func.func @_sc_head(%arg0: i32, %arg1: i32, %arg2: memref<10240x128xf32, #tpu.memory_space<hbm>>, %arg3: memref<320000xi32, #tpu.memory_space<hbm>>, %arg4: memref<320000xi32, #tpu.memory_space<hbm>>, %arg5: memref<5120000xf32, #tpu.memory_space<hbm>>, %arg6: memref<10000xi32, #tpu.memory_space<vmem>>, %arg7: memref<10000xi32, #tpu.memory_space<vmem>>, %arg8: memref<128x128xf32, #tpu.memory_space<vmem>>, %arg9: memref<128x128xf32, #tpu.memory_space<vmem>>, %arg10: memref<128x128xf32, #tpu.memory_space<vmem>>, %arg11: memref<128x128xf32, #tpu.memory_space<vmem>>, %arg12: memref<2048xf32, #tpu.memory_space<vmem>>, %arg13: memref<!tpu.dma_semaphore, #tpu.memory_space<semaphore_mem>>, %arg14: memref<!tpu.dma_semaphore, #tpu.memory_space<semaphore_mem>>, %arg15: memref<!tpu.dma_semaphore, #tpu.memory_space<semaphore_mem>>, %arg16: memref<!tpu.dma_semaphore, #tpu.memory_space<semaphore_mem>>) attributes {dimension_semantics = [#tpu.dimension_semantics<core_parallel>, #tpu.dimension_semantics<subcore_parallel>], iteration_bounds = array<i64: 2, 16>, scalar_prefetch = 0 : i64, scratch_operands = 11 : i64, tpu.core_type = #tpu.core_type<sc_vector_subcore>, window_params = [{transform_indices = #map}, {transform_indices = #map1}, {transform_indices = #map1}, {transform_indices = #map1}]} {
    %mul3A = arith.constant 2 : i32
    %mul3A_0 = arith.muli %arg1, %mul3A : i32
    %add3A = arith.addi %mul3A_0, %arg0 : i32
    %mul3A_1 = arith.constant 10000 : i32
    %mul3A_2 = arith.muli %add3A, %mul3A_1 : i32
    "tpu.region"() ({
      %run_scoped3A = tpu.sem_alloc : memref<!tpu.dma_semaphore, #tpu.memory_space<semaphore_mem>>
      %dma_start3A_38 = tpu.memref_slice %arg3[%mul3A_2] : memref<320000xi32, #tpu.memory_space<hbm>> -> memref<10000xi32, #tpu.memory_space<hbm>>
      %dma_start3A_39 = tpu.memref_slice %arg3[%mul3A_2] : memref<320000xi32, #tpu.memory_space<hbm>> -> memref<10000xi32, #tpu.memory_space<hbm>>
      tpu.enqueue_dma source(%dma_start3A_39 : memref<10000xi32, #tpu.memory_space<hbm>>) target(%arg6 : memref<10000xi32, #tpu.memory_space<vmem>>) target_semaphore(%run_scoped3A : memref<!tpu.dma_semaphore, #tpu.memory_space<semaphore_mem>>)
      %dma_wait3A_40 = tpu.memref_slice %arg3[%mul3A_2] : memref<320000xi32, #tpu.memory_space<hbm>> -> memref<10000xi32, #tpu.memory_space<hbm>>
      %dma_wait3A_41 = tpu.memref_slice %arg3[%mul3A_2] : memref<320000xi32, #tpu.memory_space<hbm>> -> memref<10000xi32, #tpu.memory_space<hbm>>
      tpu.wait_dma2 semaphore(%run_scoped3A : memref<!tpu.dma_semaphore, #tpu.memory_space<semaphore_mem>>) src(%dma_wait3A_41 : memref<10000xi32, #tpu.memory_space<hbm>>) dst(%arg6 : memref<10000xi32, #tpu.memory_space<vmem>>)
      tpu.yield
    }) : () -> ()
    %mul3A_3 = arith.constant 10000 : i32
    %mul3A_4 = arith.muli %add3A, %mul3A_3 : i32
    "tpu.region"() ({
      %run_scoped3A = tpu.sem_alloc : memref<!tpu.dma_semaphore, #tpu.memory_space<semaphore_mem>>
      %dma_start3A_38 = tpu.memref_slice %arg4[%mul3A_4] : memref<320000xi32, #tpu.memory_space<hbm>> -> memref<10000xi32, #tpu.memory_space<hbm>>
      %dma_start3A_39 = tpu.memref_slice %arg4[%mul3A_4] : memref<320000xi32, #tpu.memory_space<hbm>> -> memref<10000xi32, #tpu.memory_space<hbm>>
      tpu.enqueue_dma source(%dma_start3A_39 : memref<10000xi32, #tpu.memory_space<hbm>>) target(%arg7 : memref<10000xi32, #tpu.memory_space<vmem>>) target_semaphore(%run_scoped3A : memref<!tpu.dma_semaphore, #tpu.memory_space<semaphore_mem>>)
      %dma_wait3A_40 = tpu.memref_slice %arg4[%mul3A_4] : memref<320000xi32, #tpu.memory_space<hbm>> -> memref<10000xi32, #tpu.memory_space<hbm>>
      %dma_wait3A_41 = tpu.memref_slice %arg4[%mul3A_4] : memref<320000xi32, #tpu.memory_space<hbm>> -> memref<10000xi32, #tpu.memory_space<hbm>>
      tpu.wait_dma2 semaphore(%run_scoped3A : memref<!tpu.dma_semaphore, #tpu.memory_space<semaphore_mem>>) src(%dma_wait3A_41 : memref<10000xi32, #tpu.memory_space<hbm>>) dst(%arg7 : memref<10000xi32, #tpu.memory_space<vmem>>)
      tpu.yield
    }) : () -> ()
    %min3A = arith.constant 0 : i32
    %min3A_5 = arith.constant 9872 : i32
    %min3A_6 = arith.minsi %min3A, %min3A_5 : i32
    %dma_start3A = tpu.memref_slice %arg6[%min3A_6] : memref<10000xi32, #tpu.memory_space<vmem>> -> memref<128xi32, #tpu.memory_space<vmem>>
    %dma_start3A_7 = arith.constant 0 : i32
    %dma_start3A_8 = arith.constant 0 : i32
    %dma_start3A_9 = tpu.memref_slice %arg2[%dma_start3A_7, %dma_start3A_8] : memref<10240x128xf32, #tpu.memory_space<hbm>> -> memref<10240x128xf32, #tpu.memory_space<hbm>>
    tpu.enqueue_indirect_dma source(%dma_start3A_9 : memref<10240x128xf32, #tpu.memory_space<hbm>>) target(%arg8 : memref<128x128xf32, #tpu.memory_space<vmem>>) offsets(%dma_start3A : memref<128xi32, #tpu.memory_space<vmem>>) semaphore(%arg13 : memref<!tpu.dma_semaphore, #tpu.memory_space<semaphore_mem>>)
    %dma_start3A_10 = tpu.memref_slice %arg7[%min3A_6] : memref<10000xi32, #tpu.memory_space<vmem>> -> memref<128xi32, #tpu.memory_space<vmem>>
    %dma_start3A_11 = arith.constant 0 : i32
    %dma_start3A_12 = arith.constant 0 : i32
    %dma_start3A_13 = tpu.memref_slice %arg2[%dma_start3A_11, %dma_start3A_12] : memref<10240x128xf32, #tpu.memory_space<hbm>> -> memref<10240x128xf32, #tpu.memory_space<hbm>>
    tpu.enqueue_indirect_dma source(%dma_start3A_13 : memref<10240x128xf32, #tpu.memory_space<hbm>>) target(%arg10 : memref<128x128xf32, #tpu.memory_space<vmem>>) offsets(%dma_start3A_10 : memref<128xi32, #tpu.memory_space<vmem>>) semaphore(%arg15 : memref<!tpu.dma_semaphore, #tpu.memory_space<semaphore_mem>>)
    %scan3A = arith.constant 0 : i32
    %scan3A_14 = arith.constant 39 : i32
    %scan3A_15 = arith.addi %scan3A, %scan3A_14 : i32
    %scan3A_16 = arith.constant 1 : i32
    scf.for %scan3A_38 = %scan3A to %scan3A_15 step %scan3A_16  : i32 {
      %mul3A_39 = arith.constant 2 : i32
      %mul3A_40 = arith.muli %scan3A_38, %mul3A_39 : i32
      %mul3A_41 = arith.constant 128 : i32
      %mul3A_42 = arith.muli %mul3A_40, %mul3A_41 : i32
      %min3A_43 = arith.constant 9872 : i32
      %min3A_44 = arith.minsi %mul3A_42, %min3A_43 : i32
      %add3A_45 = arith.constant 1 : i32
      %add3A_46 = arith.addi %mul3A_40, %add3A_45 : i32
      %lt3A = arith.constant 79 : i32
      %lt3A_47 = arith.cmpi slt, %add3A_46, %lt3A : i32
      %convert_element_type3A = arith.extui %lt3A_47 : i1 to i32
      %cond3A = arith.constant 0 : i32
      %cond3A_48 = arith.cmpi ne, %convert_element_type3A, %cond3A : i32
      scf.if %cond3A_48 {
        %add3A_100 = arith.constant 1 : i32
        %add3A_101 = arith.addi %mul3A_40, %add3A_100 : i32
        %mul3A_102 = arith.constant 128 : i32
        %mul3A_103 = arith.muli %add3A_101, %mul3A_102 : i32
        %min3A_104 = arith.constant 9872 : i32
        %min3A_105 = arith.minsi %mul3A_103, %min3A_104 : i32
        %dma_start3A_106 = tpu.memref_slice %arg6[%min3A_105] : memref<10000xi32, #tpu.memory_space<vmem>> -> memref<128xi32, #tpu.memory_space<vmem>>
        %dma_start3A_107 = arith.constant 0 : i32
        %dma_start3A_108 = arith.constant 0 : i32
        %dma_start3A_109 = tpu.memref_slice %arg2[%dma_start3A_107, %dma_start3A_108] : memref<10240x128xf32, #tpu.memory_space<hbm>> -> memref<10240x128xf32, #tpu.memory_space<hbm>>
        tpu.enqueue_indirect_dma source(%dma_start3A_109 : memref<10240x128xf32, #tpu.memory_space<hbm>>) target(%arg9 : memref<128x128xf32, #tpu.memory_space<vmem>>) offsets(%dma_start3A_106 : memref<128xi32, #tpu.memory_space<vmem>>) semaphore(%arg14 : memref<!tpu.dma_semaphore, #tpu.memory_space<semaphore_mem>>)
        %dma_start3A_110 = tpu.memref_slice %arg7[%min3A_105] : memref<10000xi32, #tpu.memory_space<vmem>> -> memref<128xi32, #tpu.memory_space<vmem>>
        %dma_start3A_111 = arith.constant 0 : i32
        %dma_start3A_112 = arith.constant 0 : i32
        %dma_start3A_113 = tpu.memref_slice %arg2[%dma_start3A_111, %dma_start3A_112] : memref<10240x128xf32, #tpu.memory_space<hbm>> -> memref<10240x128xf32, #tpu.memory_space<hbm>>
        tpu.enqueue_indirect_dma source(%dma_start3A_113 : memref<10240x128xf32, #tpu.memory_space<hbm>>) target(%arg11 : memref<128x128xf32, #tpu.memory_space<vmem>>) offsets(%dma_start3A_110 : memref<128xi32, #tpu.memory_space<vmem>>) semaphore(%arg16 : memref<!tpu.dma_semaphore, #tpu.memory_space<semaphore_mem>>)
      } else {
      }
      %dma_wait3A_49 = tpu.memref_slice %arg6[%min3A_44] : memref<10000xi32, #tpu.memory_space<vmem>> -> memref<128xi32, #tpu.memory_space<vmem>>
      %dma_wait3A_50 = arith.constant 0 : i32
      %dma_wait3A_51 = arith.constant 0 : i32
      %dma_wait3A_52 = tpu.memref_slice %arg2[%dma_wait3A_50, %dma_wait3A_51] : memref<10240x128xf32, #tpu.memory_space<hbm>> -> memref<10240x128xf32, #tpu.memory_space<hbm>>
      tpu.wait_indirect_dma semaphore(%arg13 : memref<!tpu.dma_semaphore, #tpu.memory_space<semaphore_mem>>) src(%dma_wait3A_52 : memref<10240x128xf32, #tpu.memory_space<hbm>>) dst(%arg8 : memref<128x128xf32, #tpu.memory_space<vmem>>)
      %dma_wait3A_53 = tpu.memref_slice %arg7[%min3A_44] : memref<10000xi32, #tpu.memory_space<vmem>> -> memref<128xi32, #tpu.memory_space<vmem>>
      %dma_wait3A_54 = arith.constant 0 : i32
      %dma_wait3A_55 = arith.constant 0 : i32
      %dma_wait3A_56 = tpu.memref_slice %arg2[%dma_wait3A_54, %dma_wait3A_55] : memref<10240x128xf32, #tpu.memory_space<hbm>> -> memref<10240x128xf32, #tpu.memory_space<hbm>>
      tpu.wait_indirect_dma semaphore(%arg15 : memref<!tpu.dma_semaphore, #tpu.memory_space<semaphore_mem>>) src(%dma_wait3A_56 : memref<10240x128xf32, #tpu.memory_space<hbm>>) dst(%arg10 : memref<128x128xf32, #tpu.memory_space<vmem>>)
      %scan3A_57 = arith.constant 0 : i32
      %scan3A_58 = arith.constant 128 : i32
      %scan3A_59 = arith.addi %scan3A_57, %scan3A_58 : i32
      %scan3A_60 = arith.constant 1 : i32
      scf.for %scan3A_100 = %scan3A_57 to %scan3A_59 step %scan3A_60  : i32 {
        %get3A = arith.index_cast %scan3A_100 : i32 to index
        %get3A_101 = arith.constant 0 : index
        %get3A_102 = tpu.vector_load %arg8[%get3A, %get3A_101] {strides = array<i32>} : memref<128x128xf32, #tpu.memory_space<vmem>>, vector<1x16xf32>,
        %get3A_103 = vector.shape_cast %get3A_102 : vector<1x16xf32> to vector<16xf32>
        %get3A_104 = arith.index_cast %scan3A_100 : i32 to index
        %get3A_105 = arith.constant 16 : index
        %get3A_106 = tpu.vector_load %arg10[%get3A_104, %get3A_105] {strides = array<i32>} : memref<128x128xf32, #tpu.memory_space<vmem>>, vector<1x16xf32>,
        %get3A_107 = vector.shape_cast %get3A_106 : vector<1x16xf32> to vector<16xf32>
        %add3A_108 = arith.addf %get3A_103, %get3A_107 : vector<16xf32>
        %mul3A_109 = arith.constant 16 : i32
        %mul3A_110 = arith.muli %scan3A_100, %mul3A_109 : i32
        %swap3A = arith.index_cast %mul3A_110 : i32 to index
        %swap3A_111 = tpu.vector_load %arg12[%swap3A] {strides = array<i32>} : memref<2048xf32, #tpu.memory_space<vmem>>, vector<16xf32>,
        %swap3A_112 = vector.shape_cast %swap3A_111 : vector<16xf32> to vector<16xf32>
        %swap3A_113 = vector.shape_cast %add3A_108 : vector<16xf32> to vector<16xf32>
        tpu.vector_store %arg12[%swap3A], %swap3A_113 {strides = array<i32>} : memref<2048xf32, #tpu.memory_space<vmem>>, vector<16xf32>,
      }
      %scan3A_61 = arith.constant 128 : i32
      %mul3A_62 = arith.constant 10000 : i32
      %mul3A_63 = arith.muli %add3A, %mul3A_62 : i32
      %add3A_64 = arith.addi %mul3A_63, %min3A_44 : i32
      %mul3A_65 = arith.constant 16 : i32
      %mul3A_66 = arith.muli %add3A_64, %mul3A_65 : i32
      "tpu.region"() ({
        %run_scoped3A = tpu.sem_alloc : memref<!tpu.dma_semaphore, #tpu.memory_space<semaphore_mem>>
        %dma_start3A_100 = tpu.memref_slice %arg5[%mul3A_66] : memref<5120000xf32, #tpu.memory_space<hbm>> -> memref<2048xf32, #tpu.memory_space<hbm>>
        %dma_start3A_101 = tpu.memref_slice %arg5[%mul3A_66] : memref<5120000xf32, #tpu.memory_space<hbm>> -> memref<2048xf32, #tpu.memory_space<hbm>>
        tpu.enqueue_dma source(%arg12 : memref<2048xf32, #tpu.memory_space<vmem>>) target(%dma_start3A_101 : memref<2048xf32, #tpu.memory_space<hbm>>) target_semaphore(%run_scoped3A : memref<!tpu.dma_semaphore, #tpu.memory_space<semaphore_mem>>)
        %dma_wait3A_102 = tpu.memref_slice %arg5[%mul3A_66] : memref<5120000xf32, #tpu.memory_space<hbm>> -> memref<2048xf32, #tpu.memory_space<hbm>>
        %dma_wait3A_103 = tpu.memref_slice %arg5[%mul3A_66] : memref<5120000xf32, #tpu.memory_space<hbm>> -> memref<2048xf32, #tpu.memory_space<hbm>>
        tpu.wait_dma2 semaphore(%run_scoped3A : memref<!tpu.dma_semaphore, #tpu.memory_space<semaphore_mem>>) src(%arg12 : memref<2048xf32, #tpu.memory_space<vmem>>) dst(%dma_wait3A_103 : memref<2048xf32, #tpu.memory_space<hbm>>)
        tpu.yield
      }) : () -> ()
      %mul3A_67 = arith.constant 2 : i32
      %mul3A_68 = arith.muli %scan3A_38, %mul3A_67 : i32
      %add3A_69 = arith.constant 1 : i32
      %add3A_70 = arith.addi %mul3A_68, %add3A_69 : i32
      %mul3A_71 = arith.constant 128 : i32
      %mul3A_72 = arith.muli %add3A_70, %mul3A_71 : i32
      %min3A_73 = arith.constant 9872 : i32
      %min3A_74 = arith.minsi %mul3A_72, %min3A_73 : i32
      %add3A_75 = arith.constant 1 : i32
      %add3A_76 = arith.addi %add3A_70, %add3A_75 : i32
      %lt3A_77 = arith.constant 79 : i32
      %lt3A_78 = arith.cmpi slt, %add3A_76, %lt3A_77 : i32
      %convert_element_type3A_79 = arith.extui %lt3A_78 : i1 to i32
      %cond3A_80 = arith.constant 0 : i32
      %cond3A_81 = arith.cmpi ne, %convert_element_type3A_79, %cond3A_80 : i32
      scf.if %cond3A_81 {
        %add3A_100 = arith.constant 1 : i32
        %add3A_101 = arith.addi %add3A_70, %add3A_100 : i32
        %mul3A_102 = arith.constant 128 : i32
        %mul3A_103 = arith.muli %add3A_101, %mul3A_102 : i32
        %min3A_104 = arith.constant 9872 : i32
        %min3A_105 = arith.minsi %mul3A_103, %min3A_104 : i32
        %dma_start3A_106 = tpu.memref_slice %arg6[%min3A_105] : memref<10000xi32, #tpu.memory_space<vmem>> -> memref<128xi32, #tpu.memory_space<vmem>>
        %dma_start3A_107 = arith.constant 0 : i32
        %dma_start3A_108 = arith.constant 0 : i32
        %dma_start3A_109 = tpu.memref_slice %arg2[%dma_start3A_107, %dma_start3A_108] : memref<10240x128xf32, #tpu.memory_space<hbm>> -> memref<10240x128xf32, #tpu.memory_space<hbm>>
        tpu.enqueue_indirect_dma source(%dma_start3A_109 : memref<10240x128xf32, #tpu.memory_space<hbm>>) target(%arg8 : memref<128x128xf32, #tpu.memory_space<vmem>>) offsets(%dma_start3A_106 : memref<128xi32, #tpu.memory_space<vmem>>) semaphore(%arg13 : memref<!tpu.dma_semaphore, #tpu.memory_space<semaphore_mem>>)
        %dma_start3A_110 = tpu.memref_slice %arg7[%min3A_105] : memref<10000xi32, #tpu.memory_space<vmem>> -> memref<128xi32, #tpu.memory_space<vmem>>
        %dma_start3A_111 = arith.constant 0 : i32
        %dma_start3A_112 = arith.constant 0 : i32
        %dma_start3A_113 = tpu.memref_slice %arg2[%dma_start3A_111, %dma_start3A_112] : memref<10240x128xf32, #tpu.memory_space<hbm>> -> memref<10240x128xf32, #tpu.memory_space<hbm>>
        tpu.enqueue_indirect_dma source(%dma_start3A_113 : memref<10240x128xf32, #tpu.memory_space<hbm>>) target(%arg10 : memref<128x128xf32, #tpu.memory_space<vmem>>) offsets(%dma_start3A_110 : memref<128xi32, #tpu.memory_space<vmem>>) semaphore(%arg15 : memref<!tpu.dma_semaphore, #tpu.memory_space<semaphore_mem>>)
      } else {
      }
      %dma_wait3A_82 = tpu.memref_slice %arg6[%min3A_74] : memref<10000xi32, #tpu.memory_space<vmem>> -> memref<128xi32, #tpu.memory_space<vmem>>
      %dma_wait3A_83 = arith.constant 0 : i32
      %dma_wait3A_84 = arith.constant 0 : i32
      %dma_wait3A_85 = tpu.memref_slice %arg2[%dma_wait3A_83, %dma_wait3A_84] : memref<10240x128xf32, #tpu.memory_space<hbm>> -> memref<10240x128xf32, #tpu.memory_space<hbm>>
      tpu.wait_indirect_dma semaphore(%arg14 : memref<!tpu.dma_semaphore, #tpu.memory_space<semaphore_mem>>) src(%dma_wait3A_85 : memref<10240x128xf32, #tpu.memory_space<hbm>>) dst(%arg9 : memref<128x128xf32, #tpu.memory_space<vmem>>)
      %dma_wait3A_86 = tpu.memref_slice %arg7[%min3A_74] : memref<10000xi32, #tpu.memory_space<vmem>> -> memref<128xi32, #tpu.memory_space<vmem>>
      %dma_wait3A_87 = arith.constant 0 : i32
      %dma_wait3A_88 = arith.constant 0 : i32
      %dma_wait3A_89 = tpu.memref_slice %arg2[%dma_wait3A_87, %dma_wait3A_88] : memref<10240x128xf32, #tpu.memory_space<hbm>> -> memref<10240x128xf32, #tpu.memory_space<hbm>>
      tpu.wait_indirect_dma semaphore(%arg16 : memref<!tpu.dma_semaphore, #tpu.memory_space<semaphore_mem>>) src(%dma_wait3A_89 : memref<10240x128xf32, #tpu.memory_space<hbm>>) dst(%arg11 : memref<128x128xf32, #tpu.memory_space<vmem>>)
      %scan3A_90 = arith.constant 0 : i32
      %scan3A_91 = arith.constant 128 : i32
      %scan3A_92 = arith.addi %scan3A_90, %scan3A_91 : i32
      %scan3A_93 = arith.constant 1 : i32
      scf.for %scan3A_100 = %scan3A_90 to %scan3A_92 step %scan3A_93  : i32 {
        %get3A = arith.index_cast %scan3A_100 : i32 to index
        %get3A_101 = arith.constant 0 : index
        %get3A_102 = tpu.vector_load %arg9[%get3A, %get3A_101] {strides = array<i32>} : memref<128x128xf32, #tpu.memory_space<vmem>>, vector<1x16xf32>,
        %get3A_103 = vector.shape_cast %get3A_102 : vector<1x16xf32> to vector<16xf32>
        %get3A_104 = arith.index_cast %scan3A_100 : i32 to index
        %get3A_105 = arith.constant 16 : index
        %get3A_106 = tpu.vector_load %arg11[%get3A_104, %get3A_105] {strides = array<i32>} : memref<128x128xf32, #tpu.memory_space<vmem>>, vector<1x16xf32>,
        %get3A_107 = vector.shape_cast %get3A_106 : vector<1x16xf32> to vector<16xf32>
        %add3A_108 = arith.addf %get3A_103, %get3A_107 : vector<16xf32>
        %mul3A_109 = arith.constant 16 : i32
        %mul3A_110 = arith.muli %scan3A_100, %mul3A_109 : i32
        %swap3A = arith.index_cast %mul3A_110 : i32 to index
        %swap3A_111 = tpu.vector_load %arg12[%swap3A] {strides = array<i32>} : memref<2048xf32, #tpu.memory_space<vmem>>, vector<16xf32>,
        %swap3A_112 = vector.shape_cast %swap3A_111 : vector<16xf32> to vector<16xf32>
        %swap3A_113 = vector.shape_cast %add3A_108 : vector<16xf32> to vector<16xf32>
        tpu.vector_store %arg12[%swap3A], %swap3A_113 {strides = array<i32>} : memref<2048xf32, #tpu.memory_space<vmem>>, vector<16xf32>,
      }
      %scan3A_94 = arith.constant 128 : i32
      %mul3A_95 = arith.constant 10000 : i32
      %mul3A_96 = arith.muli %add3A, %mul3A_95 : i32
      %add3A_97 = arith.addi %mul3A_96, %min3A_74 : i32
      %mul3A_98 = arith.constant 16 : i32
      %mul3A_99 = arith.muli %add3A_97, %mul3A_98 : i32
      "tpu.region"() ({
        %run_scoped3A = tpu.sem_alloc : memref<!tpu.dma_semaphore, #tpu.memory_space<semaphore_mem>>
        %dma_start3A_100 = tpu.memref_slice %arg5[%mul3A_99] : memref<5120000xf32, #tpu.memory_space<hbm>> -> memref<2048xf32, #tpu.memory_space<hbm>>
        %dma_start3A_101 = tpu.memref_slice %arg5[%mul3A_99] : memref<5120000xf32, #tpu.memory_space<hbm>> -> memref<2048xf32, #tpu.memory_space<hbm>>
        tpu.enqueue_dma source(%arg12 : memref<2048xf32, #tpu.memory_space<vmem>>) target(%dma_start3A_101 : memref<2048xf32, #tpu.memory_space<hbm>>) target_semaphore(%run_scoped3A : memref<!tpu.dma_semaphore, #tpu.memory_space<semaphore_mem>>)
        %dma_wait3A_102 = tpu.memref_slice %arg5[%mul3A_99] : memref<5120000xf32, #tpu.memory_space<hbm>> -> memref<2048xf32, #tpu.memory_space<hbm>>
        %dma_wait3A_103 = tpu.memref_slice %arg5[%mul3A_99] : memref<5120000xf32, #tpu.memory_space<hbm>> -> memref<2048xf32, #tpu.memory_space<hbm>>
        tpu.wait_dma2 semaphore(%run_scoped3A : memref<!tpu.dma_semaphore, #tpu.memory_space<semaphore_mem>>) src(%arg12 : memref<2048xf32, #tpu.memory_space<vmem>>) dst(%dma_wait3A_103 : memref<2048xf32, #tpu.memory_space<hbm>>)
        tpu.yield
      }) : () -> ()
    }
    %scan3A_17 = arith.constant 39 : i32
    %min3A_18 = arith.constant 9984 : i32
    %min3A_19 = arith.constant 9872 : i32
    %min3A_20 = arith.minsi %min3A_18, %min3A_19 : i32
    %dma_wait3A = tpu.memref_slice %arg6[%min3A_20] : memref<10000xi32, #tpu.memory_space<vmem>> -> memref<128xi32, #tpu.memory_space<vmem>>
    %dma_wait3A_21 = arith.constant 0 : i32
    %dma_wait3A_22 = arith.constant 0 : i32
    %dma_wait3A_23 = tpu.memref_slice %arg2[%dma_wait3A_21, %dma_wait3A_22] : memref<10240x128xf32, #tpu.memory_space<hbm>> -> memref<10240x128xf32, #tpu.memory_space<hbm>>
    tpu.wait_indirect_dma semaphore(%arg13 : memref<!tpu.dma_semaphore, #tpu.memory_space<semaphore_mem>>) src(%dma_wait3A_23 : memref<10240x128xf32, #tpu.memory_space<hbm>>) dst(%arg8 : memref<128x128xf32, #tpu.memory_space<vmem>>)
    %dma_wait3A_24 = tpu.memref_slice %arg7[%min3A_20] : memref<10000xi32, #tpu.memory_space<vmem>> -> memref<128xi32, #tpu.memory_space<vmem>>
    %dma_wait3A_25 = arith.constant 0 : i32
    %dma_wait3A_26 = arith.constant 0 : i32
    %dma_wait3A_27 = tpu.memref_slice %arg2[%dma_wait3A_25, %dma_wait3A_26] : memref<10240x128xf32, #tpu.memory_space<hbm>> -> memref<10240x128xf32, #tpu.memory_space<hbm>>
    tpu.wait_indirect_dma semaphore(%arg15 : memref<!tpu.dma_semaphore, #tpu.memory_space<semaphore_mem>>) src(%dma_wait3A_27 : memref<10240x128xf32, #tpu.memory_space<hbm>>) dst(%arg10 : memref<128x128xf32, #tpu.memory_space<vmem>>)
    %scan3A_28 = arith.constant 0 : i32
    %scan3A_29 = arith.constant 128 : i32
    %scan3A_30 = arith.addi %scan3A_28, %scan3A_29 : i32
    %scan3A_31 = arith.constant 1 : i32
    scf.for %scan3A_38 = %scan3A_28 to %scan3A_30 step %scan3A_31  : i32 {
      %get3A = arith.index_cast %scan3A_38 : i32 to index
      %get3A_39 = arith.constant 0 : index
      %get3A_40 = tpu.vector_load %arg8[%get3A, %get3A_39] {strides = array<i32>} : memref<128x128xf32, #tpu.memory_space<vmem>>, vector<1x16xf32>,
      %get3A_41 = vector.shape_cast %get3A_40 : vector<1x16xf32> to vector<16xf32>
      %get3A_42 = arith.index_cast %scan3A_38 : i32 to index
      %get3A_43 = arith.constant 16 : index
      %get3A_44 = tpu.vector_load %arg10[%get3A_42, %get3A_43] {strides = array<i32>} : memref<128x128xf32, #tpu.memory_space<vmem>>, vector<1x16xf32>,
      %get3A_45 = vector.shape_cast %get3A_44 : vector<1x16xf32> to vector<16xf32>
      %add3A_46 = arith.addf %get3A_41, %get3A_45 : vector<16xf32>
      %mul3A_47 = arith.constant 16 : i32
      %mul3A_48 = arith.muli %scan3A_38, %mul3A_47 : i32
      %swap3A = arith.index_cast %mul3A_48 : i32 to index
      %swap3A_49 = tpu.vector_load %arg12[%swap3A] {strides = array<i32>} : memref<2048xf32, #tpu.memory_space<vmem>>, vector<16xf32>,
      %swap3A_50 = vector.shape_cast %swap3A_49 : vector<16xf32> to vector<16xf32>
      %swap3A_51 = vector.shape_cast %add3A_46 : vector<16xf32> to vector<16xf32>
      tpu.vector_store %arg12[%swap3A], %swap3A_51 {strides = array<i32>} : memref<2048xf32, #tpu.memory_space<vmem>>, vector<16xf32>,
    }
    %scan3A_32 = arith.constant 128 : i32
    %mul3A_33 = arith.constant 10000 : i32
    %mul3A_34 = arith.muli %add3A, %mul3A_33 : i32
    %add3A_35 = arith.addi %mul3A_34, %min3A_20 : i32
    %mul3A_36 = arith.constant 16 : i32
    %mul3A_37 = arith.muli %add3A_35, %mul3A_36 : i32
    "tpu.region"() ({
      %run_scoped3A = tpu.sem_alloc : memref<!tpu.dma_semaphore, #tpu.memory_space<semaphore_mem>>
      %dma_start3A_38 = tpu.memref_slice %arg5[%mul3A_37] : memref<5120000xf32, #tpu.memory_space<hbm>> -> memref<2048xf32, #tpu.memory_space<hbm>>
      %dma_start3A_39 = tpu.memref_slice %arg5[%mul3A_37] : memref<5120000xf32, #tpu.memory_space<hbm>> -> memref<2048xf32, #tpu.memory_space<hbm>>
      tpu.enqueue_dma source(%arg12 : memref<2048xf32, #tpu.memory_space<vmem>>) target(%dma_start3A_39 : memref<2048xf32, #tpu.memory_space<hbm>>) target_semaphore(%run_scoped3A : memref<!tpu.dma_semaphore, #tpu.memory_space<semaphore_mem>>)
      %dma_wait3A_40 = tpu.memref_slice %arg5[%mul3A_37] : memref<5120000xf32, #tpu.memory_space<hbm>> -> memref<2048xf32, #tpu.memory_space<hbm>>
      %dma_wait3A_41 = tpu.memref_slice %arg5[%mul3A_37] : memref<5120000xf32, #tpu.memory_space<hbm>> -> memref<2048xf32, #tpu.memory_space<hbm>>
      tpu.wait_dma2 semaphore(%run_scoped3A : memref<!tpu.dma_semaphore, #tpu.memory_space<semaphore_mem>>) src(%arg12 : memref<2048xf32, #tpu.memory_space<vmem>>) dst(%dma_wait3A_41 : memref<2048xf32, #tpu.memory_space<hbm>>)
      tpu.yield
    }) : () -> ()
    return
  }
}

module attributes {stable_mosaic.version = 14 : i64} {
  func.func @_tca_body(%arg0: i32, %arg1: memref<512x128xf32, #tpu.memory_space<vmem>>, %arg2: memref<128x128xf32, #tpu.memory_space<vmem>>, %arg3: memref<512x128xf32, #tpu.memory_space<vmem>>) attributes {dimension_semantics = [#tpu.dimension_semantics<arbitrary>], iteration_bounds = array<i64: 20>, scalar_prefetch = 0 : i64, scratch_operands = 0 : i64, tpu.core_type = #tpu.core_type<tc>, window_params = [{transform_indices = @transform_0, window_bounds = array<i64: 512, 128>}, {pipeline_mode = #tpu.pipeline_mode<synchronous>, transform_indices = @transform_1, window_bounds = array<i64: 128, 128>}, {transform_indices = @transform_2, window_bounds = array<i64: 512, 128>}]} {
    %get3A = arith.constant 0 : index
    %get3A_0 = arith.constant 0 : index
    %get3A_1 = vector.load %arg1[%get3A, %get3A_0] : memref<512x128xf32, #tpu.memory_space<vmem>>, vector<512x128xf32>
    %get3A_2 = arith.constant 0 : index
    %get3A_3 = arith.constant 0 : index
    %get3A_4 = vector.load %arg2[%get3A_2, %get3A_3] : memref<128x128xf32, #tpu.memory_space<vmem>>, vector<128x128xf32>
    %dot_general3A = arith.constant dense<0.000000e+00> : vector<512x128xf32>
    %dot_general3A_5 = tpu.matmul %get3A_1, %get3A_4, %dot_general3A {dimension_numbers = #tpu.dot_dimension_numbers<[1], [0], [0], [1], [0, 0, 1, 1], [], []>, transpose_lhs_hint = false} : vector<512x128xf32>, vector<128x128xf32>, vector<512x128xf32> -> vector<512x128xf32>
    %swap3A = arith.constant 0 : index
    %swap3A_6 = arith.constant 0 : index
    %swap3A_7 = vector.load %arg3[%swap3A, %swap3A_6] : memref<512x128xf32, #tpu.memory_space<vmem>>, vector<512x128xf32>
    tpu.vector_store %arg3[%swap3A, %swap3A_6], %dot_general3A_5 {strides = array<i32>} : memref<512x128xf32, #tpu.memory_space<vmem>>, vector<512x128xf32>,
    return
  }
  func.func @transform_0(%arg0: i32) -> (i32, i32) {
    %c0_i32 = arith.constant 0 : i32
    %c0_i32_0 = arith.constant 0 : i32
    return %arg0, %c0_i32 : i32, i32
  }
  func.func @transform_1(%arg0: i32) -> (i32, i32) {
    %c0_i32 = arith.constant 0 : i32
    %c0_i32_0 = arith.constant 0 : i32
    %c0_i32_1 = arith.constant 0 : i32
    return %c0_i32, %c0_i32_0 : i32, i32
  }
  func.func @transform_2(%arg0: i32) -> (i32, i32) {
    %c0_i32 = arith.constant 0 : i32
    %c0_i32_0 = arith.constant 0 : i32
    return %arg0, %c0_i32 : i32, i32
  }
}

module attributes {stable_mosaic.version = 14 : i64} {
  func.func @_tcb_body(%arg0: i32, %arg1: memref<512x128xf32, #tpu.memory_space<vmem>>, %arg2: memref<2x512xf32, #tpu.memory_space<vmem>>, %arg3: memref<512xf32, #tpu.memory_space<vmem>>, %arg4: memref<512x128xf32, #tpu.memory_space<vmem>>) attributes {dimension_semantics = [#tpu.dimension_semantics<arbitrary>], iteration_bounds = array<i64: 20>, scalar_prefetch = 0 : i64, scratch_operands = 0 : i64, tpu.core_type = #tpu.core_type<tc>, window_params = [{transform_indices = @transform_0, window_bounds = array<i64: 512, 128>}, {transform_indices = @transform_1, window_bounds = array<i64: 2, 512>}, {transform_indices = @transform_2, window_bounds = array<i64: 512>}, {transform_indices = @transform_3, window_bounds = array<i64: 512, 128>}]} {
    %get3A = arith.constant 0 : index
    %get3A_0 = arith.constant 0 : index
    %get3A_1 = vector.load %arg2[%get3A, %get3A_0] : memref<2x512xf32, #tpu.memory_space<vmem>>, vector<1x512xf32>
    %get3A_2 = vector.shape_cast %get3A_1 : vector<1x512xf32> to vector<512xf32>
    %add3A = arith.constant 1.000000e+00 : f32
    %add3A_3 = vector.broadcast %add3A : f32 to vector<512xf32>
    %add3A_4 = arith.addf %add3A_3, %get3A_2 : vector<512xf32>
    %get3A_5 = arith.constant 1 : index
    %get3A_6 = arith.constant 0 : index
    %get3A_7 = vector.load %arg2[%get3A_5, %get3A_6] : memref<2x512xf32, #tpu.memory_space<vmem>>, vector<1x512xf32>
    %get3A_8 = vector.shape_cast %get3A_7 : vector<1x512xf32> to vector<512xf32>
    %add3A_9 = arith.addf %add3A_4, %get3A_8 : vector<512xf32>
    %rsqrt3A = math.rsqrt %add3A_9 : vector<512xf32>
    %swap3A = arith.constant 0 : index
    %swap3A_10 = vector.load %arg3[%swap3A] : memref<512xf32, #tpu.memory_space<vmem>>, vector<512xf32>
    tpu.vector_store %arg3[%swap3A], %rsqrt3A {strides = array<i32>} : memref<512xf32, #tpu.memory_space<vmem>>, vector<512xf32>,
    %get3A_11 = arith.constant 0 : index
    %get3A_12 = arith.constant 0 : index
    %get3A_13 = vector.load %arg1[%get3A_11, %get3A_12] : memref<512x128xf32, #tpu.memory_space<vmem>>, vector<512x128xf32>
    %broadcast_in_dim3A = vector.shape_cast %rsqrt3A : vector<512xf32> to vector<512x1xf32>
    %mul3A = vector.broadcast %broadcast_in_dim3A : vector<512x1xf32> to vector<512x128xf32>
    %mul3A_14 = arith.mulf %get3A_13, %mul3A : vector<512x128xf32>
    %swap3A_15 = arith.constant 0 : index
    %swap3A_16 = arith.constant 0 : index
    %swap3A_17 = vector.load %arg4[%swap3A_15, %swap3A_16] : memref<512x128xf32, #tpu.memory_space<vmem>>, vector<512x128xf32>
    tpu.vector_store %arg4[%swap3A_15, %swap3A_16], %mul3A_14 {strides = array<i32>} : memref<512x128xf32, #tpu.memory_space<vmem>>, vector<512x128xf32>,
    return
  }
  func.func @transform_0(%arg0: i32) -> (i32, i32) {
    %c0_i32 = arith.constant 0 : i32
    %c0_i32_0 = arith.constant 0 : i32
    return %arg0, %c0_i32 : i32, i32
  }
  func.func @transform_1(%arg0: i32) -> (i32, i32) {
    %c0_i32 = arith.constant 0 : i32
    %c0_i32_0 = arith.constant 0 : i32
    return %c0_i32, %arg0 : i32, i32
  }
  func.func @transform_2(%arg0: i32) -> i32 {
    %c0_i32 = arith.constant 0 : i32
    return %arg0 : i32
  }
  func.func @transform_3(%arg0: i32) -> (i32, i32) {
    %c0_i32 = arith.constant 0 : i32
    %c0_i32_0 = arith.constant 0 : i32
    return %arg0, %c0_i32 : i32, i32
  }
}

module attributes {stable_mosaic.version = 14 : i64} {
  func.func @_tc2_body(%arg0: i32, %arg1: memref<512x128xf32, #tpu.memory_space<vmem>>, %arg2: memref<2x512x128xf32, #tpu.memory_space<vmem>>, %arg3: memref<512xf32, #tpu.memory_space<vmem>>, %arg4: memref<128xf32, #tpu.memory_space<vmem>>, %arg5: memref<128x128xf32, #tpu.memory_space<vmem>>, %arg6: memref<512x128xf32, #tpu.memory_space<vmem>>) attributes {dimension_semantics = [#tpu.dimension_semantics<arbitrary>], iteration_bounds = array<i64: 20>, scalar_prefetch = 0 : i64, scratch_operands = 0 : i64, tpu.core_type = #tpu.core_type<tc>, window_params = [{transform_indices = @transform_0, window_bounds = array<i64: 512, 128>}, {transform_indices = @transform_1, window_bounds = array<i64: 2, 512, 128>}, {transform_indices = @transform_2, window_bounds = array<i64: 512>}, {pipeline_mode = #tpu.pipeline_mode<synchronous>, transform_indices = @transform_3, window_bounds = array<i64: 128>}, {pipeline_mode = #tpu.pipeline_mode<synchronous>, transform_indices = @transform_4, window_bounds = array<i64: 128, 128>}, {transform_indices = @transform_5, window_bounds = array<i64: 512, 128>}]} {
    %get3A = arith.constant 0 : index
    %get3A_0 = vector.load %arg3[%get3A] : memref<512xf32, #tpu.memory_space<vmem>>, vector<512xf32>
    %get3A_1 = arith.constant 0 : index
    %get3A_2 = arith.constant 0 : index
    %get3A_3 = arith.constant 0 : index
    %get3A_4 = vector.load %arg2[%get3A_1, %get3A_2, %get3A_3] : memref<2x512x128xf32, #tpu.memory_space<vmem>>, vector<1x512x128xf32>
    %get3A_5 = vector.shape_cast %get3A_4 : vector<1x512x128xf32> to vector<512x128xf32>
    %get3A_6 = arith.constant 1 : index
    %get3A_7 = arith.constant 0 : index
    %get3A_8 = arith.constant 0 : index
    %get3A_9 = vector.load %arg2[%get3A_6, %get3A_7, %get3A_8] : memref<2x512x128xf32, #tpu.memory_space<vmem>>, vector<1x512x128xf32>
    %get3A_10 = vector.shape_cast %get3A_9 : vector<1x512x128xf32> to vector<512x128xf32>
    %add3A = arith.addf %get3A_5, %get3A_10 : vector<512x128xf32>
    %get3A_11 = arith.constant 0 : index
    %get3A_12 = arith.constant 0 : index
    %get3A_13 = vector.load %arg1[%get3A_11, %get3A_12] : memref<512x128xf32, #tpu.memory_space<vmem>>, vector<512x128xf32>
    %add3A_14 = arith.addf %add3A, %get3A_13 : vector<512x128xf32>
    %broadcast_in_dim3A = vector.shape_cast %get3A_0 : vector<512xf32> to vector<512x1xf32>
    %mul3A = vector.broadcast %broadcast_in_dim3A : vector<512x1xf32> to vector<512x128xf32>
    %mul3A_15 = arith.mulf %add3A_14, %mul3A : vector<512x128xf32>
    %get3A_16 = arith.constant 0 : index
    %get3A_17 = vector.load %arg4[%get3A_16] : memref<128xf32, #tpu.memory_space<vmem>>, vector<128xf32>
    %broadcast_in_dim3A_18 = vector.shape_cast %get3A_17 : vector<128xf32> to vector<1x128xf32>
    %add3A_19 = vector.broadcast %broadcast_in_dim3A_18 : vector<1x128xf32> to vector<512x128xf32>
    %add3A_20 = arith.addf %mul3A_15, %add3A_19 : vector<512x128xf32>
    %max3A = arith.constant 0.000000e+00 : f32
    %max3A_21 = vector.broadcast %max3A : f32 to vector<512x128xf32>
    %max3A_22 = arith.maximumf %add3A_20, %max3A_21 : vector<512x128xf32>
    %iota3A = tpu.iota {dimensions = array<i32: 0>} : vector<512x1xi32>
    %mul3A_23 = arith.constant 512 : i32
    %mul3A_24 = arith.muli %arg0, %mul3A_23 : i32
    %add3A_25 = vector.broadcast %mul3A_24 : i32 to vector<512x1xi32>
    %add3A_26 = arith.addi %iota3A, %add3A_25 : vector<512x1xi32>
    %lt3A = arith.constant 10000 : i32
    %lt3A_27 = vector.broadcast %lt3A : i32 to vector<512x1xi32>
    %lt3A_28 = arith.cmpi slt, %add3A_26, %lt3A_27 : vector<512x1xi32>
    %jit3A = arith.constant 0.000000e+00 : f32
    %broadcast_in_dim3A_29 = vector.shape_cast %lt3A_28 : vector<512x1xi1> to vector<512x1xi1>
    %broadcast_in_dim3A_30 = vector.broadcast %broadcast_in_dim3A_29 : vector<512x1xi1> to vector<512x128xi1>
    %broadcast_in_dim3A_31 = vector.broadcast %jit3A : f32 to vector<512x128xf32>
    %select_n3A = arith.select %broadcast_in_dim3A_30, %max3A_22, %broadcast_in_dim3A_31 : vector<512x128xi1>, vector<512x128xf32>
    %get3A_32 = arith.constant 0 : index
    %get3A_33 = arith.constant 0 : index
    %get3A_34 = vector.load %arg5[%get3A_32, %get3A_33] : memref<128x128xf32, #tpu.memory_space<vmem>>, vector<128x128xf32>
    %dot_general3A = arith.constant dense<0.000000e+00> : vector<512x128xf32>
    %dot_general3A_35 = tpu.matmul %select_n3A, %get3A_34, %dot_general3A {dimension_numbers = #tpu.dot_dimension_numbers<[1], [0], [0], [1], [0, 0, 1, 1], [], []>, transpose_lhs_hint = false} : vector<512x128xf32>, vector<128x128xf32>, vector<512x128xf32> -> vector<512x128xf32>
    %broadcast_in_dim3A_36 = vector.shape_cast %get3A_0 : vector<512xf32> to vector<512x1xf32>
    %mul3A_37 = vector.broadcast %broadcast_in_dim3A_36 : vector<512x1xf32> to vector<512x128xf32>
    %mul3A_38 = arith.mulf %dot_general3A_35, %mul3A_37 : vector<512x128xf32>
    %swap3A = arith.constant 0 : index
    %swap3A_39 = arith.constant 0 : index
    %swap3A_40 = vector.load %arg6[%swap3A, %swap3A_39] : memref<512x128xf32, #tpu.memory_space<vmem>>, vector<512x128xf32>
    tpu.vector_store %arg6[%swap3A, %swap3A_39], %mul3A_38 {strides = array<i32>} : memref<512x128xf32, #tpu.memory_space<vmem>>, vector<512x128xf32>,
    return
  }
  func.func @transform_0(%arg0: i32) -> (i32, i32) {
    %c0_i32 = arith.constant 0 : i32
    %c0_i32_0 = arith.constant 0 : i32
    return %arg0, %c0_i32 : i32, i32
  }
  func.func @transform_1(%arg0: i32) -> (i32, i32, i32) {
    %c0_i32 = arith.constant 0 : i32
    %c0_i32_0 = arith.constant 0 : i32
    %c0_i32_1 = arith.constant 0 : i32
    return %c0_i32, %arg0, %c0_i32_0 : i32, i32, i32
  }
  func.func @transform_2(%arg0: i32) -> i32 {
    %c0_i32 = arith.constant 0 : i32
    return %arg0 : i32
  }
  func.func @transform_3(%arg0: i32) -> i32 {
    %c0_i32 = arith.constant 0 : i32
    %c0_i32_0 = arith.constant 0 : i32
    return %c0_i32 : i32
  }
  func.func @transform_4(%arg0: i32) -> (i32, i32) {
    %c0_i32 = arith.constant 0 : i32
    %c0_i32_0 = arith.constant 0 : i32
    %c0_i32_1 = arith.constant 0 : i32
    return %c0_i32, %c0_i32_0 : i32, i32
  }
  func.func @transform_5(%arg0: i32) -> (i32, i32) {
    %c0_i32 = arith.constant 0 : i32
    %c0_i32_0 = arith.constant 0 : i32
    return %arg0, %c0_i32 : i32, i32
  }
}

module attributes {stable_mosaic.version = 14 : i64} {
  func.func @_tc3_body(%arg0: i32, %arg1: memref<512x128xf32, #tpu.memory_space<vmem>>, %arg2: memref<2x512x128xf32, #tpu.memory_space<vmem>>, %arg3: memref<512xf32, #tpu.memory_space<vmem>>, %arg4: memref<128xf32, #tpu.memory_space<vmem>>, %arg5: memref<128x32xf32, #tpu.memory_space<vmem>>, %arg6: memref<32xf32, #tpu.memory_space<vmem>>, %arg7: memref<512x128xf32, #tpu.memory_space<vmem>>) attributes {dimension_semantics = [#tpu.dimension_semantics<arbitrary>], iteration_bounds = array<i64: 20>, scalar_prefetch = 0 : i64, scratch_operands = 0 : i64, tpu.core_type = #tpu.core_type<tc>, window_params = [{transform_indices = @transform_0, window_bounds = array<i64: 512, 128>}, {transform_indices = @transform_1, window_bounds = array<i64: 2, 512, 128>}, {transform_indices = @transform_2, window_bounds = array<i64: 512>}, {pipeline_mode = #tpu.pipeline_mode<synchronous>, transform_indices = @transform_3, window_bounds = array<i64: 128>}, {pipeline_mode = #tpu.pipeline_mode<synchronous>, transform_indices = @transform_4, window_bounds = array<i64: 128, 32>}, {pipeline_mode = #tpu.pipeline_mode<synchronous>, transform_indices = @transform_5, window_bounds = array<i64: 32>}, {transform_indices = @transform_6, window_bounds = array<i64: 512, 128>}]} {
    %get3A = arith.constant 0 : index
    %get3A_0 = vector.load %arg3[%get3A] : memref<512xf32, #tpu.memory_space<vmem>>, vector<512xf32>
    %get3A_1 = arith.constant 0 : index
    %get3A_2 = arith.constant 0 : index
    %get3A_3 = arith.constant 0 : index
    %get3A_4 = vector.load %arg2[%get3A_1, %get3A_2, %get3A_3] : memref<2x512x128xf32, #tpu.memory_space<vmem>>, vector<1x512x128xf32>
    %get3A_5 = vector.shape_cast %get3A_4 : vector<1x512x128xf32> to vector<512x128xf32>
    %get3A_6 = arith.constant 1 : index
    %get3A_7 = arith.constant 0 : index
    %get3A_8 = arith.constant 0 : index
    %get3A_9 = vector.load %arg2[%get3A_6, %get3A_7, %get3A_8] : memref<2x512x128xf32, #tpu.memory_space<vmem>>, vector<1x512x128xf32>
    %get3A_10 = vector.shape_cast %get3A_9 : vector<1x512x128xf32> to vector<512x128xf32>
    %add3A = arith.addf %get3A_5, %get3A_10 : vector<512x128xf32>
    %get3A_11 = arith.constant 0 : index
    %get3A_12 = arith.constant 0 : index
    %get3A_13 = vector.load %arg1[%get3A_11, %get3A_12] : memref<512x128xf32, #tpu.memory_space<vmem>>, vector<512x128xf32>
    %add3A_14 = arith.addf %add3A, %get3A_13 : vector<512x128xf32>
    %broadcast_in_dim3A = vector.shape_cast %get3A_0 : vector<512xf32> to vector<512x1xf32>
    %mul3A = vector.broadcast %broadcast_in_dim3A : vector<512x1xf32> to vector<512x128xf32>
    %mul3A_15 = arith.mulf %add3A_14, %mul3A : vector<512x128xf32>
    %get3A_16 = arith.constant 0 : index
    %get3A_17 = vector.load %arg4[%get3A_16] : memref<128xf32, #tpu.memory_space<vmem>>, vector<128xf32>
    %broadcast_in_dim3A_18 = vector.shape_cast %get3A_17 : vector<128xf32> to vector<1x128xf32>
    %add3A_19 = vector.broadcast %broadcast_in_dim3A_18 : vector<1x128xf32> to vector<512x128xf32>
    %add3A_20 = arith.addf %mul3A_15, %add3A_19 : vector<512x128xf32>
    %max3A = arith.constant 0.000000e+00 : f32
    %max3A_21 = vector.broadcast %max3A : f32 to vector<512x128xf32>
    %max3A_22 = arith.maximumf %add3A_20, %max3A_21 : vector<512x128xf32>
    %iota3A = tpu.iota {dimensions = array<i32: 0>} : vector<512x1xi32>
    %mul3A_23 = arith.constant 512 : i32
    %mul3A_24 = arith.muli %arg0, %mul3A_23 : i32
    %add3A_25 = vector.broadcast %mul3A_24 : i32 to vector<512x1xi32>
    %add3A_26 = arith.addi %iota3A, %add3A_25 : vector<512x1xi32>
    %lt3A = arith.constant 10000 : i32
    %lt3A_27 = vector.broadcast %lt3A : i32 to vector<512x1xi32>
    %lt3A_28 = arith.cmpi slt, %add3A_26, %lt3A_27 : vector<512x1xi32>
    %jit3A = arith.constant 0.000000e+00 : f32
    %broadcast_in_dim3A_29 = vector.shape_cast %lt3A_28 : vector<512x1xi1> to vector<512x1xi1>
    %broadcast_in_dim3A_30 = vector.broadcast %broadcast_in_dim3A_29 : vector<512x1xi1> to vector<512x128xi1>
    %broadcast_in_dim3A_31 = vector.broadcast %jit3A : f32 to vector<512x128xf32>
    %select_n3A = arith.select %broadcast_in_dim3A_30, %max3A_22, %broadcast_in_dim3A_31 : vector<512x128xi1>, vector<512x128xf32>
    %get3A_32 = arith.constant 0 : index
    %get3A_33 = arith.constant 0 : index
    %get3A_34 = vector.load %arg5[%get3A_32, %get3A_33] : memref<128x32xf32, #tpu.memory_space<vmem>>, vector<128x32xf32>
    %dot_general3A = arith.constant dense<0.000000e+00> : vector<512x32xf32>
    %dot_general3A_35 = tpu.matmul %select_n3A, %get3A_34, %dot_general3A {dimension_numbers = #tpu.dot_dimension_numbers<[1], [0], [0], [1], [0, 0, 1, 1], [], []>, transpose_lhs_hint = false} : vector<512x128xf32>, vector<128x32xf32>, vector<512x32xf32> -> vector<512x32xf32>
    %get3A_36 = arith.constant 0 : index
    %get3A_37 = vector.load %arg6[%get3A_36] : memref<32xf32, #tpu.memory_space<vmem>>, vector<32xf32>
    %broadcast_in_dim3A_38 = vector.shape_cast %get3A_37 : vector<32xf32> to vector<1x32xf32>
    %add3A_39 = vector.broadcast %broadcast_in_dim3A_38 : vector<1x32xf32> to vector<512x32xf32>
    %add3A_40 = arith.addf %dot_general3A_35, %add3A_39 : vector<512x32xf32>
    %broadcast_in_dim3A_41 = arith.constant 0.000000e+00 : f32
    %broadcast_in_dim3A_42 = vector.broadcast %broadcast_in_dim3A_41 : f32 to vector<512x96xf32>
    %concatenate3A = tpu.concatenate %add3A_40, %broadcast_in_dim3A_42 in 1 : vector<512x32xf32>, vector<512x96xf32> -> vector<512x128xf32>
    %swap3A = arith.constant 0 : index
    %swap3A_43 = arith.constant 0 : index
    %swap3A_44 = vector.load %arg7[%swap3A, %swap3A_43] : memref<512x128xf32, #tpu.memory_space<vmem>>, vector<512x128xf32>
    tpu.vector_store %arg7[%swap3A, %swap3A_43], %concatenate3A {strides = array<i32>} : memref<512x128xf32, #tpu.memory_space<vmem>>, vector<512x128xf32>,
    return
  }
  func.func @transform_0(%arg0: i32) -> (i32, i32) {
    %c0_i32 = arith.constant 0 : i32
    %c0_i32_0 = arith.constant 0 : i32
    return %arg0, %c0_i32 : i32, i32
  }
  func.func @transform_1(%arg0: i32) -> (i32, i32, i32) {
    %c0_i32 = arith.constant 0 : i32
    %c0_i32_0 = arith.constant 0 : i32
    %c0_i32_1 = arith.constant 0 : i32
    return %c0_i32, %arg0, %c0_i32_0 : i32, i32, i32
  }
  func.func @transform_2(%arg0: i32) -> i32 {
    %c0_i32 = arith.constant 0 : i32
    return %arg0 : i32
  }
  func.func @transform_3(%arg0: i32) -> i32 {
    %c0_i32 = arith.constant 0 : i32
    %c0_i32_0 = arith.constant 0 : i32
    return %c0_i32 : i32
  }
  func.func @transform_4(%arg0: i32) -> (i32, i32) {
    %c0_i32 = arith.constant 0 : i32
    %c0_i32_0 = arith.constant 0 : i32
    %c0_i32_1 = arith.constant 0 : i32
    return %c0_i32, %c0_i32_0 : i32, i32
  }
  func.func @transform_5(%arg0: i32) -> i32 {
    %c0_i32 = arith.constant 0 : i32
    %c0_i32_0 = arith.constant 0 : i32
    return %c0_i32 : i32
  }
  func.func @transform_6(%arg0: i32) -> (i32, i32) {
    %c0_i32 = arith.constant 0 : i32
    %c0_i32_0 = arith.constant 0 : i32
    return %arg0, %c0_i32 : i32, i32
  }
}

</mosaic_0001>

<sc_bundles>
// kernel: kernel.10.cloned.1.call-start
scs
__scs_entry_jumppad:
0x0: {  	(pc) =	sbr.rel $0x88, $3  }
0x1: {  	(tag) =	ssettag $0x0;
	lr =	simm.s32 $0x1  }
0x2: {  	[smem:$0x3F99] =	sst lr;
	_ =	strace $0xD0000000  }
0x3: {  	_ = 	snop  }
0x4: {  	_ = 	snop  }
0x5: {  	_ = 	snop  }
0x6: {  	_ = 	snop  }
0x7: {  	_ = 	snop  }
__scs_overlays_trampoline_lowered:
0x8: {  	[smem:$0x3FA8] =	sst s0  }
0x9: {  	[smem:$0x3FA9] =	sst s1  }
0xa: {  	[smem:$0x3FAA] =	sst s2  }
0xb: {  	[smem:$0x3FAB] =	sst s3  }
0xc: {  	[smem:$0x3FAC] =	sst s4  }
0xd: {  	[smem:$0x3FAD] =	sst s5  }
0xe: {  	[smem:$0x3FAE] =	sst s6  }
0xf: {  	[smem:$0x3FAF] =	sst s7  }
0x10: {  	[smem:$0x3FB0] =	sst s8  }
0x11: {  	[smem:$0x3FB1] =	sst s9;
	s0 =	simm.s32 @!p0 $0x0  }
0x12: {  	s1 =	sld [smem:$0x3F97];
	s0 =	simm.s32 @p0 $0x1  }
0x13: {  	[smem:$0x3FB2] =	sst s0;
	s0 =	simm.s32 @!p1 $0x0  }
0x14: {  	s2 =	sld [smem:$0x3F96];
	s0 =	simm.s32 @p1 $0x1  }
0x15: {  	[smem:$0x3FB3] =	sst s0;
	s0 =	simm.s32 @!p2 $0x0  }
0x16: {  	s3 =	sld [smem:$0x3FDB];
	s0 =	simm.s32 @p2 $0x1  }
0x17: {  	s4 =	simm.s32 $0x1BF5;
	[smem:$0x3FB5] =	sst s0  }
0x18: {  	s0 =	sld [smem:$0x3F98];
	_ =	swait.ge [sflag:s4], $0x0  }
0x19: {  	s7 =	sld [smem:$0x3F99]  }
0x1a: {  	s8 =	sadd.s32 $0xFFFFE003, lr  }
0x1b: {  	s9 =	sadd.s32 $0xFFFFFEF7, lr;
	s5 =	simm.s32 $0xFFFFFFFF;
	p2 =	slt.u32 s8, $0xFFFFF086  }
0x1c: {  	p1 =	slt.u32 s9, $0xF7A;
	s5 =	simm.s32 @!p2 $0x0  }
0x1d: {  	s5 =	simm.s32 @p1 $0x1;
	p0 =	seq.s32 s7, s2  }
0x1e: {  	s7 =	smul.u32 @!p0 $0xF7A, s2;
	p2 =	seq.s32 @!p0 s5, $0x0  }
0x1f: {  	s9 =	smul.u32 $0xF7A, s1;
	s8 =	simm.s32 @!p0 $0x1BF5;
	p2 =	por !p2, p0  }
0x20: {  	[sflag:s8] =	ssyncset.s32 @!p0 $0xFFFFF086;
	s6 =	sadd.s32 @!p0 s3, s7;
	s7 =	simm.s32 @!p0 $0x108  }
0x21: {  	s3 =	sadd.s32 s3, s9;
	s6 =	sadd.s32 @!p0 $0x88, s6;
	s7 =	simm.s32 @p2 $0x1082  }
0x22: {  	[simem:s7], [sflag:s8] =	dma.local @!p0 [hbm:s6], $0xF7A  }
0x23: {  	s9 =	sor.u32 $0xD0000000, s2;
	s6 =	simm.s32 $0x108;
	_ =	swait.ge @!p0 [sflag:s8], $0x0  }
0x24: {  	s3 =	sadd.s32 $0x88, s3;
	s6 =	simm.s32 @!p1 $0x1082;
	[sflag:s4] =	ssyncset.s32 $0xFFFFF086  }
0x25: {  	[simem:s6], [sflag:s4] =	dma.local [hbm:s3], $0xF7A  }
0x26: {  	[smem:$0x3F99] =	sst s1;
	(tag) =	ssettag s2;
	_ =	strace s9  }
0x27: {  	s1 =	sld [smem:$0x3FA9]  }
0x28: {  	s2 =	sld [smem:$0x3FAA]  }
0x29: {  	s4 =	sld [smem:$0x3FAC]  }
0x2a: {  	p0 =	seq.s32 s5, $0x0;
	s5 =	sld [smem:$0x3FAD]  }
0x2b: {  	s6 =	sld [smem:$0x3FAE]  }
0x2c: {  	s7 =	sld [smem:$0x3FAF]  }
0x2d: {  	s3 =	simm.s32 $0x108;
	s8 =	sld [smem:$0x3FB0]  }
0x2e: {  	s3 =	simm.s32 @!p0 $0x1082;
	s9 =	sld [smem:$0x3FB1]  }
0x2f: {  	lr =	sadd.s32 s0, s3;
	s0 =	sld [smem:$0x3FA8]  }
0x30: {  	s3 =	sld [smem:$0x3FAB]  }
0x31: {  	[smem:$0x3FB4] =	sst s10  }
0x32: {  	s10 =	sld [smem:$0x3FB2];
	_ =	sdelay $0x3  }
0x33: {  	p0 =	seq.s32 s10, $0x1;
	s10 =	sld [smem:$0x3FB4];
	_ =	sdelay $0x3  }
0x34: {  	[smem:$0x3FB4] =	sst s10  }
0x35: {  	s10 =	sld [smem:$0x3FB3];
	_ =	sdelay $0x3  }
0x36: {  	p1 =	seq.s32 s10, $0x1;
	s10 =	sld [smem:$0x3FB4];
	_ =	sdelay $0x3  }
0x37: {  	[smem:$0x3FB4] =	sst s10  }
0x38: {  	s10 =	sld [smem:$0x3FB5]  }
0x39: {  	_ = 	snop;
	(pc) =	sbr.ind lr, $3  }
0x3a: {  	_ = 	snop  }
0x3b: {  	_ = 	snop  }
0x3c: {  	p2 =	seq.s32 s10, $0x1;
	s10 =	sld [smem:$0x3FB4]  }
0x3d: {  	_ =	shalt  }
0x3e: {  	_ =	shalt  }
0x3f: {  	_ =	shalt  }
0x40: {  	_ =	shalt  }
0x41: {  	_ =	shalt  }
0x42: {  	_ =	shalt  }
0x43: {  	_ =	shalt  }
0x44: {  	_ =	shalt  }
0x45: {  	_ =	shalt  }
0x46: {  	_ =	shalt  }
0x47: {  	_ =	shalt  }
0x48: {  	_ =	shalt  }
0x49: {  	_ =	shalt  }
0x4a: {  	_ =	shalt  }
0x4b: {  	_ =	shalt  }
0x4c: {  	_ =	shalt  }
0x4d: {  	_ =	shalt  }
0x4e: {  	_ =	shalt  }
0x4f: {  	_ =	shalt  }
0x50: {  	_ =	shalt  }
0x51: {  	_ =	shalt  }
0x52: {  	_ =	shalt  }
0x53: {  	_ =	shalt  }
0x54: {  	_ =	shalt  }
0x55: {  	_ =	shalt  }
0x56: {  	_ =	shalt  }
0x57: {  	_ =	shalt  }
0x58: {  	_ =	shalt  }
0x59: {  	_ =	shalt  }
0x5a: {  	_ =	shalt  }
0x5b: {  	_ =	shalt  }
0x5c: {  	_ =	shalt  }
0x5d: {  	_ =	shalt  }
0x5e: {  	_ =	shalt  }
0x5f: {  	_ =	shalt  }
0x60: {  	_ =	shalt  }
0x61: {  	_ =	shalt  }
0x62: {  	_ =	shalt  }
0x63: {  	_ =	shalt  }
0x64: {  	_ =	shalt  }
0x65: {  	_ =	shalt  }
0x66: {  	_ =	shalt  }
0x67: {  	_ =	shalt  }
0x68: {  	_ =	shalt  }
0x69: {  	_ =	shalt  }
0x6a: {  	_ =	shalt  }
0x6b: {  	_ =	shalt  }
0x6c: {  	_ =	shalt  }
0x6d: {  	_ =	shalt  }
0x6e: {  	_ =	shalt  }
0x6f: {  	_ =	shalt  }
0x70: {  	_ =	shalt  }
0x71: {  	_ =	shalt  }
0x72: {  	_ =	shalt  }
0x73: {  	_ =	shalt  }
0x74: {  	_ =	shalt  }
0x75: {  	_ =	shalt  }
0x76: {  	_ =	shalt  }
0x77: {  	_ =	shalt  }
0x78: {  	_ =	shalt  }
0x79: {  	_ =	shalt  }
0x7a: {  	_ =	shalt  }
0x7b: {  	_ =	shalt  }
0x7c: {  	_ =	shalt  }
0x7d: {  	_ =	shalt  }
0x7e: {  	_ =	shalt  }
0x7f: {  	_ =	shalt  }
0x80: {  	_ =	shalt  }
0x81: {  	_ =	shalt  }
0x82: {  	_ =	shalt  }
0x83: {  	_ =	shalt  }
0x84: {  	_ =	shalt  }
0x85: {  	_ =	shalt  }
0x86: {  	_ =	shalt  }
0x87: {  	_ =	shalt  }
.Lfunc_end0:
.L_simem_size_0:
called_computation_lowered:
.L_overlay_start_0:
0x88: {  	s2 =	sld [smem:$0x3FD9]  }
0x89: {  	s3 =	sld [smem:$0x3FFE];
	_ =	sdelay $0x1  }
0x8a: {  	s1 =	srdreg.scid  }
0x8b: {  	s0 =	sand.u32 $0x1, s1  }
0x8c: {  	s17 =	sshll.u32 s0, $0xA;
	s2 =	sadd.s32 s3, s2  }
0x8d: {  	s2 =	sadd.s32 s2, s17  }
0x8e: {  	[smem:$0x3FC0] =	sst s2  }
0x8f: {  	_ = 	snop  }
0x90: {  	s2 =	sld [smem:$0x3FD0];
	(tm) =	ssettm $0x1  }
0x91: {  	s18 =	sld [smem:$0x3FFB];
	_ =	sdelay $0x3  }
0x92: {  	_ =	strace s18  }
0x93: {  	s3 =	sld [smem:$0x3FFC];
	_ =	sdelay $0x3  }
0x94: {  	_ =	strace s3  }
0x95: {  	s3 =	sld [smem:$0x3FFD];
	_ =	sdelay $0x3  }
0x96: {  	_ =	strace s3  }
0x97: {  	_ =	strace $0x8FFFFFFF  }
0x98: {  	s19 =	sld [smem:$0x3FDB];
	_ =	sdelay $0x1  }
0x99: {  	s4 =	simm.s32 $_scs_section_size  }
0x9a: {  	s5 =	simm.s32 $_size__tile_overlayer_lowered;
	s6 =	simm.s32 $_tile_overlayer_lowered  }
0x9b: {  	s22 =	simm.s32 $0x1BFF;
	s21 =	sshll.u32 s6, $0x1;
	s3 =	sadd.s32 s4, s19  }
0x9c: {  	s7 =	simm.s32 $0x0;
	s20 =	sshll.u32 s5, $0x1;
	s5 =	sadd.s32 s21, s3  }
0x9d: {  	[timem:s7], [sflag:s22] =	dma.local [hbm:s5], s20  }
0x9e: {  	_ =	swait.ge [sflag:s22], s20  }
0x9f: {  	s4 =	ssub.s32 $0x0, s20;
	[sflag:s22] =	ssyncset.done $0x0  }
0xa0: {  	[sflag:s22] =	ssyncadd.s32 s4;
	_ =	sdelay $0x1  }
0xa1: {  	s23 =	simm.s32 $0x1B8B  }
0xa2: {  	_ =	swait.ge [sflag:s23], $0x1  }
0xa3: {  	[sflag:s23] =	ssyncset.done $0x0  }
0xa4: {  	s25 =	simm.s32 $0x1B8E;
	s24 =	sld [smem:$0x3FFE];
	[sflag:s23] =	ssyncadd.s32 $0xFFFFFFFF  }
0xa5: {  	s26 =	simm.s32 $execute0_lowered;
	[smem:$0x3FD2] =	sst s25  }
0xa6: {  	s5 =	sshll.u32 s26, $0x1;
	_ =	strace $0x80000046;
	[dreg:$0x1] =	wrdreg $0xFFFFFFFF  }
0xa7: {  	s28 =	simm.s32 $_size_execute0_lowered;
	s3 =	sadd.s32 s3, s5;
	[dreg:$0x0] =	wrdreg $0x0  }
0xa8: {  	s5 =	sshll.u32 s28, $0x1;
	[dreg:$0x2] =	wrdreg s3  }
0xa9: {  	[dreg:$0x3] =	wrdreg s5  }
0xaa: {  	[dreg:$0x4] =	wrdreg $0xC0  }
0xab: {  	_ =	task [dreg:s7], $0x5FFFF  }
0xac: {  	[dreg:$0x1] =	wrdreg $0xFFFFFFFF  }
0xad: {  	[dreg:$0x0] =	wrdreg $0x60  }
0xae: {  	[dreg:$0x2] =	wrdreg s24  }
0xaf: {  	[dreg:$0x3] =	wrdreg s2  }
0xb0: {  	[dreg:$0x4] =	wrdreg $0x2B000  }
0xb1: {  	[dreg:$0x5] =	wrdreg $0x9  }
0xb2: {  	_ =	task.clear_ibuf [dreg:s7], $0x6FFFF;
	_ =	strace $0x90000046  }
0xb3: {  	s29 =	simm.s32 $0x9;
	_ =	strace $0x80000048  }
0xb4: {  	_ =	swait.ge [sflag:s29], $0x1  }
0xb5: {  	[sflag:s29] =	ssyncadd.s32 $0xFFFFFFFF  }
0xb6: {  	_ =	strace $0x90000048  }
0xb7: {  	_ =	sfence  }
0xb8: {  	s30 =	sld [smem:$0x0];
	_ =	sdelay $0x2  }
0xb9: {  	s31 =	sshll.u32 s1, $0xD;
	s1 =	sshrl.u32 s1, $0x2  }
0xba: {  	s3 =	sand.u32 $0x4000, s31;
	s1 =	sadd.s32 s1, s30  }
0xbb: {  	s0 =	sor.u32 s3, s0;
	s1 =	sshll.u32 s1, $0x11  }
0xbc: {  	s0 =	sor.u32 s1, s0  }
0xbd: {  	s0 =	sadd.s32 $0x8F2B, s0  }
0xbe: {  	[sflag:s0] =	ssyncadd.remote.s32 $0x1  }
0xbf: {  	_ =	sfence.sel $0xFFFF  }
0xc0: {  	[dreg:$0x0] =	wrdreg $0xFFFFFFFF;
	(pc) =	sbr.abs _section_cstart, $3  }
0xc1: {  	[dreg:$0x1] =	wrdreg $0xFFFFFFFF  }
0xc2: {  	_ =	task.clear_ibuf [dreg:s7], $0x2FFFF;
	_ =	strace $0x9FFFFFFF  }
0xc3: {  	(tm) =	ssettm $0x7FFFFFFF  }
tec
execute0_lowered:
.L_overlay_start_1:
0x0: {  	(tag) =	ssettag $0x1  }
0x1: {  	s4 =	rddreg [dreg:$0x0]  }
0x2: {  	s1 =	srdreg.scid;
	s6 =	rddreg [dreg:$0x1]  }
0x3: {  	s0 =	stileid.u32;
	s2 =	rddreg [dreg:$0x2];
	s3 =	simm.s32 $0x0  }
0x4: {  	s11 =	simm.s32 $0x280;
	s12 =	simm.s32 $0x100;
	s13 =	simm.s32 $0x0  }
0x5: {  	s5 =	sand.u32 $0x1, s1;
	s1 =	rddreg [dreg:$0x3];
	s8 =	smul.u32 $0xA00, s0  }
0x6: {  	s28 =	sshll.u32 s0, $0x1;
	[smem:$0x7FF] =	sst s3;
	s9 =	smul.u32 $0x500, s0  }
0x7: {  	s7 =	sor.u32 s5, s28;
	_ =	strace $0x80000047;
	s29 =	ssub.s32 $0x2, s5  }
0x8: {  	s5 =	sshll.u32 s5, $0x7;
	s7 =	smul.u32 $0x500, s7;
	s10 =	sshrl.u32 s29, $0x1  }
0x9: {  	s8 =	sshrl.u32 s8, $0x2;
	s5 =	sor.u32 s5, s9;
	s9 =	simm.s32 $0x300  }
0xa: {  	s30 =	ssub.s32 s29, s10;
	s31 =	sshrl.u32 s5, $0x3;
	s10 =	simm.s32 $0x80  }
0xb: {  	s7 =	sadd.s32 s7, s4;
	s4 =	sadd.s32 s8, s2;
	s6 =	sadd.s32 s6, s31  }
0xc: {  	v0 =	vimm.f32 $0.0e+00;
	v1 =	vimm.f32 $1.000000000e+00;
	s8 =	simm.s32 $0x1;
	s5 =	sadd.s32 $0x17600, s7;
	s7 =	smax.u32 s30, $0x1  }
.LBB2_1:
0xd: {  	s14 =	simm.s32 $0x10;
	[tilespmem:s3+$0x0] =	vst v0;
	s16 =	sand.u32 $0x70, s3;
	s15 =	simm.s32 $0x0  }
.LBB2_2:
0xe: {  	p0 =	sne.s32 s14, $0x270  }
0xf: {  	[tilespmem:s16+$0x280] =	vst v1;
	s15 =	sadd.s32 $0x10, s15;
	s16 =	smov.u32 s14;
	s14 =	sadd.s32 $0x10, s14  }
.Ltmp0:
0x10: {  	(pc) =	sbr.rel @p0 .LBB2_2-.Ltmp0, $2  }
0x11: {  	_ =	sdelay $0x2  }
0x12: {  	s16 =	sand.u32 $0x70, s16;
	[tilespmem:s15+$0x0] =	vst v0  }
0x13: {  	[tilespmem:s16+$0x280] =	vst v1;
	s14 =	simm.s32 $0x0  }
0x14: {  	[spmem:s4] =	stream.linear.scatter [tilespmem:s14], [sflag:$0x1], $0x280, $0x38;
	[tilespmem:$0x2D80] =	vst v63  }
0x15: {  	_ =	swait.ge [sflag:s8], $0x280  }
0x16: {  	[sflag:s8] =	ssyncset.done $0x0  }
0x17: {  	[sflag:s8] =	ssyncadd.s32 $0xFFFFFD80  }
0x18: {  	[tilespmem:s9], [sflag:$0x1] =	stream.linear.gather [hbm4b:s5+s14], $0x2800, $0x38;
	[tilespmem:$0x2D80] =	vst v63  }
0x19: {  	_ =	swait.ge [sflag:s8], $0x2800  }
0x1a: {  	[sflag:s8] =	ssyncset.done $0x0  }
0x1b: {  	[sflag:s8] =	ssyncadd.s32 $0xFFFFD800  }
0x1c: {  	s31 =	simm.s32 $0x300;
	[bflag:$0x0] =	sbarrier.arrive $0xFFFF  }
0x1d: {  	[spmem:s2] =	stream.indirect.scatter.add.f32 [tilespmem:s11], [sflag:$0x1], $0x1, s31, s10, $0xb8;
	[tilespmem:$0x2D80] =	vst v63  }
0x1e: {  	s14 =	simm.s32 $0x200;
	_ =	swait.ge [sflag:s8], $0x80  }
.LBB2_4:
0x1f: {  	s15 =	sshra.s32 s14, $0x2;
	[sflag:s8] =	ssyncset.done $0x0;
	p0 =	sne.s32 s14, $0x9E00  }
.Ltmp1:
0x20: {  	s15 =	sadd.s32 $0x300, s15;
	[sflag:s8] =	ssyncadd.s32 $0xFFFFFF80;
	(pc) =	sbr.rel @p0 .LBB2_4-.Ltmp1, $3  }
0x21: {  	[spmem:s2] =	stream.indirect.scatter.add.f32 [tilespmem:s11], [sflag:$0x1], $0x1, s15, s10, $0xb8;
	[tilespmem:$0x2D80] =	vst v63  }
0x22: {  	s14 =	sadd.s32 $0x200, s14;
	_ =	sdelay $0x1  }
0x23: {  	_ =	swait.ge [sflag:s8], $0x80  }
0x24: {  	[sflag:s8] =	ssyncset.done $0x0  }
0x25: {  	[sflag:s8] =	ssyncadd.s32 $0xFFFFFF80  }
0x26: {  	[bflag:$0x0] =	sbarrier.arrive $0xFFFF  }
0x27: {  	[tilespmem:s3], [sflag:$0x1] =	stream.linear.gather [spmem:s4], $0x280, $0x38;
	[tilespmem:$0x2D80] =	vst v63  }
0x28: {  	s13 =	sadd.s32 $0x1, s13;
	_ =	swait.ge [sflag:s8], $0x280  }
0x29: {  	p0 =	sne.s32 s13, s7;
	[sflag:s8] =	ssyncset.done $0x0  }
.Ltmp2:
0x2a: {  	[sflag:s8] =	ssyncadd.s32 $0xFFFFFD80;
	(pc) =	sbr.rel @p0 .LBB2_1-.Ltmp2, $4  }
0x2b: {  	[hbm4b:s6+s10] =	stream.strided.scatter [tilespmem:s3], [sflag:$0x1], $0x280, s12, s10, $0x38;
	[tilespmem:$0x2D80] =	vst v63  }
0x2c: {  	_ =	swait.ge [sflag:s8], $0x280  }
0x2d: {  	[sflag:s8] =	ssyncset.done $0x0  }
0x2e: {  	[sflag:s8] =	ssyncadd.s32 $0xFFFFFD80  }
0x2f: {  	_ =	sfence.sel $0x180000  }
0x30: {  	[bflag:$0x0] =	sbarrier.arrive $0xFFFF  }
0x31: {  	p0 =	sne.s32 s0, $0x0;
	_ =	strace $0x90000047  }
0x32: {  	s0 =	sadd.s32 @!p0 $0x100000, s1;
	[bflag:$0x2] =	sbarrier.arrive $0xFFFF  }
0x33: {  	[sflag:s0] =	ssyncadd.tile.s32 @!p0 $0x1;
	_ =	shalt  }
.Lfunc_end2:
_tile_overlayer_lowered:
.L_overlay_start_2:
0x34: {  	(tag) =	ssettag $0x2  }
0x35: {  	s0 =	rddreg [dreg:$0x0];
	s2 =	stileid.u32  }
0x36: {  	s1 =	rddreg [dreg:$0x1];
	p0 =	sne.s32 s2, $0x0  }
0x37: {  	s3 =	rddreg [dreg:$0x2];
	[bflag:$0x3] =	sbarrier.arrive $0xFFFF;
	s2 =	simm.s32 @!p0 $0x1C01  }
0x38: {  	[timem:s3], [sflag:s2] =	dma.local @!p0 [hbm:s0], s1  }
0x39: {  	s0 =	simm.s32 @!p0 $0x1  }
0x3a: {  	_ =	swait.ge @!p0 [sflag:s0], s1  }
0x3b: {  	s1 =	ssub.s32 @!p0 $0x0, s1;
	[sflag:s0] =	ssyncset.done @!p0 $0x0  }
0x3c: {  	[sflag:s0] =	ssyncadd.s32 @!p0 s1  }
0x3d: {  	[bflag:$0x3] =	sbarrier.arrive $0xFFFF  }
0x3e: {  	_ =	shalt  }

// kernel: kernel.13.cloned.1.call-start
scs
__scs_entry_jumppad:
0x0: {  	(pc) =	sbr.rel $0x88, $3  }
0x1: {  	(tag) =	ssettag $0x0;
	lr =	simm.s32 $0x1  }
0x2: {  	[smem:$0x3F99] =	sst lr;
	_ =	strace $0xD0000000  }
0x3: {  	_ = 	snop  }
0x4: {  	_ = 	snop  }
0x5: {  	_ = 	snop  }
0x6: {  	_ = 	snop  }
0x7: {  	_ = 	snop  }
__scs_overlays_trampoline_lowered:
0x8: {  	[smem:$0x3FA8] =	sst s0  }
0x9: {  	[smem:$0x3FA9] =	sst s1  }
0xa: {  	[smem:$0x3FAA] =	sst s2  }
0xb: {  	[smem:$0x3FAB] =	sst s3  }
0xc: {  	[smem:$0x3FAC] =	sst s4  }
0xd: {  	[smem:$0x3FAD] =	sst s5  }
0xe: {  	[smem:$0x3FAE] =	sst s6  }
0xf: {  	[smem:$0x3FAF] =	sst s7  }
0x10: {  	[smem:$0x3FB0] =	sst s8  }
0x11: {  	[smem:$0x3FB1] =	sst s9;
	s0 =	simm.s32 @!p0 $0x0  }
0x12: {  	s1 =	sld [smem:$0x3F97];
	s0 =	simm.s32 @p0 $0x1  }
0x13: {  	[smem:$0x3FB2] =	sst s0;
	s0 =	simm.s32 @!p1 $0x0  }
0x14: {  	s2 =	sld [smem:$0x3F96];
	s0 =	simm.s32 @p1 $0x1  }
0x15: {  	[smem:$0x3FB3] =	sst s0;
	s0 =	simm.s32 @!p2 $0x0  }
0x16: {  	s3 =	sld [smem:$0x3FDB];
	s0 =	simm.s32 @p2 $0x1  }
0x17: {  	s4 =	simm.s32 $0x1BF5;
	[smem:$0x3FB5] =	sst s0  }
0x18: {  	s0 =	sld [smem:$0x3F98];
	_ =	swait.ge [sflag:s4], $0x0  }
0x19: {  	s7 =	sld [smem:$0x3F99]  }
0x1a: {  	s8 =	sadd.s32 $0xFFFFE003, lr  }
0x1b: {  	s9 =	sadd.s32 $0xFFFFFEF7, lr;
	s5 =	simm.s32 $0xFFFFFFFF;
	p2 =	slt.u32 s8, $0xFFFFF086  }
0x1c: {  	p1 =	slt.u32 s9, $0xF7A;
	s5 =	simm.s32 @!p2 $0x0  }
0x1d: {  	s5 =	simm.s32 @p1 $0x1;
	p0 =	seq.s32 s7, s2  }
0x1e: {  	s7 =	smul.u32 @!p0 $0xF7A, s2;
	p2 =	seq.s32 @!p0 s5, $0x0  }
0x1f: {  	s9 =	smul.u32 $0xF7A, s1;
	s8 =	simm.s32 @!p0 $0x1BF5;
	p2 =	por !p2, p0  }
0x20: {  	[sflag:s8] =	ssyncset.s32 @!p0 $0xFFFFF086;
	s6 =	sadd.s32 @!p0 s3, s7;
	s7 =	simm.s32 @!p0 $0x108  }
0x21: {  	s3 =	sadd.s32 s3, s9;
	s6 =	sadd.s32 @!p0 $0x88, s6;
	s7 =	simm.s32 @p2 $0x1082  }
0x22: {  	[simem:s7], [sflag:s8] =	dma.local @!p0 [hbm:s6], $0xF7A  }
0x23: {  	s9 =	sor.u32 $0xD0000000, s2;
	s6 =	simm.s32 $0x108;
	_ =	swait.ge @!p0 [sflag:s8], $0x0  }
0x24: {  	s3 =	sadd.s32 $0x88, s3;
	s6 =	simm.s32 @!p1 $0x1082;
	[sflag:s4] =	ssyncset.s32 $0xFFFFF086  }
0x25: {  	[simem:s6], [sflag:s4] =	dma.local [hbm:s3], $0xF7A  }
0x26: {  	[smem:$0x3F99] =	sst s1;
	(tag) =	ssettag s2;
	_ =	strace s9  }
0x27: {  	s1 =	sld [smem:$0x3FA9]  }
0x28: {  	s2 =	sld [smem:$0x3FAA]  }
0x29: {  	s4 =	sld [smem:$0x3FAC]  }
0x2a: {  	p0 =	seq.s32 s5, $0x0;
	s5 =	sld [smem:$0x3FAD]  }
0x2b: {  	s6 =	sld [smem:$0x3FAE]  }
0x2c: {  	s7 =	sld [smem:$0x3FAF]  }
0x2d: {  	s3 =	simm.s32 $0x108;
	s8 =	sld [smem:$0x3FB0]  }
0x2e: {  	s3 =	simm.s32 @!p0 $0x1082;
	s9 =	sld [smem:$0x3FB1]  }
0x2f: {  	lr =	sadd.s32 s0, s3;
	s0 =	sld [smem:$0x3FA8]  }
0x30: {  	s3 =	sld [smem:$0x3FAB]  }
0x31: {  	[smem:$0x3FB4] =	sst s10  }
0x32: {  	s10 =	sld [smem:$0x3FB2];
	_ =	sdelay $0x3  }
0x33: {  	p0 =	seq.s32 s10, $0x1;
	s10 =	sld [smem:$0x3FB4];
	_ =	sdelay $0x3  }
0x34: {  	[smem:$0x3FB4] =	sst s10  }
0x35: {  	s10 =	sld [smem:$0x3FB3];
	_ =	sdelay $0x3  }
0x36: {  	p1 =	seq.s32 s10, $0x1;
	s10 =	sld [smem:$0x3FB4];
	_ =	sdelay $0x3  }
0x37: {  	[smem:$0x3FB4] =	sst s10  }
0x38: {  	s10 =	sld [smem:$0x3FB5]  }
0x39: {  	_ = 	snop;
	(pc) =	sbr.ind lr, $3  }
0x3a: {  	_ = 	snop  }
0x3b: {  	_ = 	snop  }
0x3c: {  	p2 =	seq.s32 s10, $0x1;
	s10 =	sld [smem:$0x3FB4]  }
0x3d: {  	_ =	shalt  }
0x3e: {  	_ =	shalt  }
0x3f: {  	_ =	shalt  }
0x40: {  	_ =	shalt  }
0x41: {  	_ =	shalt  }
0x42: {  	_ =	shalt  }
0x43: {  	_ =	shalt  }
0x44: {  	_ =	shalt  }
0x45: {  	_ =	shalt  }
0x46: {  	_ =	shalt  }
0x47: {  	_ =	shalt  }
0x48: {  	_ =	shalt  }
0x49: {  	_ =	shalt  }
0x4a: {  	_ =	shalt  }
0x4b: {  	_ =	shalt  }
0x4c: {  	_ =	shalt  }
0x4d: {  	_ =	shalt  }
0x4e: {  	_ =	shalt  }
0x4f: {  	_ =	shalt  }
0x50: {  	_ =	shalt  }
0x51: {  	_ =	shalt  }
0x52: {  	_ =	shalt  }
0x53: {  	_ =	shalt  }
0x54: {  	_ =	shalt  }
0x55: {  	_ =	shalt  }
0x56: {  	_ =	shalt  }
0x57: {  	_ =	shalt  }
0x58: {  	_ =	shalt  }
0x59: {  	_ =	shalt  }
0x5a: {  	_ =	shalt  }
0x5b: {  	_ =	shalt  }
0x5c: {  	_ =	shalt  }
0x5d: {  	_ =	shalt  }
0x5e: {  	_ =	shalt  }
0x5f: {  	_ =	shalt  }
0x60: {  	_ =	shalt  }
0x61: {  	_ =	shalt  }
0x62: {  	_ =	shalt  }
0x63: {  	_ =	shalt  }
0x64: {  	_ =	shalt  }
0x65: {  	_ =	shalt  }
0x66: {  	_ =	shalt  }
0x67: {  	_ =	shalt  }
0x68: {  	_ =	shalt  }
0x69: {  	_ =	shalt  }
0x6a: {  	_ =	shalt  }
0x6b: {  	_ =	shalt  }
0x6c: {  	_ =	shalt  }
0x6d: {  	_ =	shalt  }
0x6e: {  	_ =	shalt  }
0x6f: {  	_ =	shalt  }
0x70: {  	_ =	shalt  }
0x71: {  	_ =	shalt  }
0x72: {  	_ =	shalt  }
0x73: {  	_ =	shalt  }
0x74: {  	_ =	shalt  }
0x75: {  	_ =	shalt  }
0x76: {  	_ =	shalt  }
0x77: {  	_ =	shalt  }
0x78: {  	_ =	shalt  }
0x79: {  	_ =	shalt  }
0x7a: {  	_ =	shalt  }
0x7b: {  	_ =	shalt  }
0x7c: {  	_ =	shalt  }
0x7d: {  	_ =	shalt  }
0x7e: {  	_ =	shalt  }
0x7f: {  	_ =	shalt  }
0x80: {  	_ =	shalt  }
0x81: {  	_ =	shalt  }
0x82: {  	_ =	shalt  }
0x83: {  	_ =	shalt  }
0x84: {  	_ =	shalt  }
0x85: {  	_ =	shalt  }
0x86: {  	_ =	shalt  }
0x87: {  	_ =	shalt  }
.Lfunc_end0:
.L_simem_size_0:
called_computation.1_lowered:
.L_overlay_start_0:
0x88: {  	s2 =	sld [smem:$0x3FD9]  }
0x89: {  	s3 =	sld [smem:$0x3FFE];
	_ =	sdelay $0x1  }
0x8a: {  	s1 =	srdreg.scid  }
0x8b: {  	s0 =	sand.u32 $0x1, s1  }
0x8c: {  	s17 =	sshll.u32 s0, $0xA;
	s2 =	sadd.s32 s3, s2  }
0x8d: {  	s2 =	sadd.s32 s2, s17  }
0x8e: {  	[smem:$0x3FC0] =	sst s2  }
0x8f: {  	_ = 	snop  }
0x90: {  	s2 =	sld [smem:$0x3FD0];
	(tm) =	ssettm $0x1  }
0x91: {  	s18 =	sld [smem:$0x3FFB];
	_ =	sdelay $0x3  }
0x92: {  	_ =	strace s18  }
0x93: {  	s3 =	sld [smem:$0x3FFC];
	_ =	sdelay $0x3  }
0x94: {  	_ =	strace s3  }
0x95: {  	s3 =	sld [smem:$0x3FFD];
	_ =	sdelay $0x3  }
0x96: {  	_ =	strace s3  }
0x97: {  	_ =	strace $0x8FFFFFFF  }
0x98: {  	s19 =	sld [smem:$0x3FDB];
	_ =	sdelay $0x1  }
0x99: {  	s4 =	simm.s32 $_scs_section_size  }
0x9a: {  	s5 =	simm.s32 $_size__tile_overlayer_lowered;
	s6 =	simm.s32 $_tile_overlayer_lowered  }
0x9b: {  	s22 =	simm.s32 $0x1BFF;
	s21 =	sshll.u32 s6, $0x1;
	s3 =	sadd.s32 s4, s19  }
0x9c: {  	s7 =	simm.s32 $0x0;
	s20 =	sshll.u32 s5, $0x1;
	s5 =	sadd.s32 s21, s3  }
0x9d: {  	[timem:s7], [sflag:s22] =	dma.local [hbm:s5], s20  }
0x9e: {  	_ =	swait.ge [sflag:s22], s20  }
0x9f: {  	s4 =	ssub.s32 $0x0, s20;
	[sflag:s22] =	ssyncset.done $0x0  }
0xa0: {  	[sflag:s22] =	ssyncadd.s32 s4;
	_ =	sdelay $0x1  }
0xa1: {  	s23 =	simm.s32 $0x1B8B  }
0xa2: {  	_ =	swait.ge [sflag:s23], $0x1  }
0xa3: {  	[sflag:s23] =	ssyncset.done $0x0  }
0xa4: {  	s25 =	simm.s32 $0x1B8E;
	s24 =	sld [smem:$0x3FFE];
	[sflag:s23] =	ssyncadd.s32 $0xFFFFFFFF  }
0xa5: {  	s26 =	simm.s32 $execute0_lowered;
	[smem:$0x3FD2] =	sst s25  }
0xa6: {  	s5 =	sshll.u32 s26, $0x1;
	_ =	strace $0x80000049;
	[dreg:$0x1] =	wrdreg $0xFFFFFFFF  }
0xa7: {  	s28 =	simm.s32 $_size_execute0_lowered;
	s3 =	sadd.s32 s3, s5;
	[dreg:$0x0] =	wrdreg $0x0  }
0xa8: {  	s5 =	sshll.u32 s28, $0x1;
	[dreg:$0x2] =	wrdreg s3  }
0xa9: {  	[dreg:$0x3] =	wrdreg s5  }
0xaa: {  	[dreg:$0x4] =	wrdreg $0xC0  }
0xab: {  	_ =	task [dreg:s7], $0x5FFFF  }
0xac: {  	[dreg:$0x1] =	wrdreg $0xFFFFFFFF  }
0xad: {  	[dreg:$0x0] =	wrdreg $0x60  }
0xae: {  	[dreg:$0x2] =	wrdreg s24  }
0xaf: {  	[dreg:$0x3] =	wrdreg s2  }
0xb0: {  	[dreg:$0x4] =	wrdreg $0xA9000  }
0xb1: {  	[dreg:$0x5] =	wrdreg $0x9  }
0xb2: {  	_ =	task.clear_ibuf [dreg:s7], $0x6FFFF;
	_ =	strace $0x90000049  }
0xb3: {  	s29 =	simm.s32 $0x9;
	_ =	strace $0x8000004B  }
0xb4: {  	_ =	swait.ge [sflag:s29], $0x1  }
0xb5: {  	[sflag:s29] =	ssyncadd.s32 $0xFFFFFFFF  }
0xb6: {  	_ =	strace $0x9000004B  }
0xb7: {  	_ =	sfence  }
0xb8: {  	s30 =	sld [smem:$0x0];
	_ =	sdelay $0x2  }
0xb9: {  	s31 =	sshll.u32 s1, $0xD;
	s1 =	sshrl.u32 s1, $0x2  }
0xba: {  	s3 =	sand.u32 $0x4000, s31;
	s1 =	sadd.s32 s1, s30  }
0xbb: {  	s0 =	sor.u32 s3, s0;
	s1 =	sshll.u32 s1, $0x11  }
0xbc: {  	s0 =	sor.u32 s1, s0  }
0xbd: {  	s0 =	sadd.s32 $0x8F2B, s0  }
0xbe: {  	[sflag:s0] =	ssyncadd.remote.s32 $0x1  }
0xbf: {  	_ =	sfence.sel $0xFFFF  }
0xc0: {  	[dreg:$0x0] =	wrdreg $0xFFFFFFFF;
	(pc) =	sbr.abs _section_cstart, $3  }
0xc1: {  	[dreg:$0x1] =	wrdreg $0xFFFFFFFF  }
0xc2: {  	_ =	task.clear_ibuf [dreg:s7], $0x2FFFF;
	_ =	strace $0x9FFFFFFF  }
0xc3: {  	(tm) =	ssettm $0x7FFFFFFF  }
tec
execute0_lowered:
.L_overlay_start_1:
0x0: {  	(tag) =	ssettag $0x1  }
0x1: {  	s0 =	rddreg [dreg:$0x0]  }
0x2: {  	s1 =	srdreg.scid;
	s15 =	stileid.u32  }
0x3: {  	s7 =	rddreg [dreg:$0x1];
	s5 =	smul.u32 $0x50000, s15  }
0x4: {  	s2 =	rddreg [dreg:$0x2];
	s28 =	simm.s32 $0x7;
	s25 =	smul.u32 $0x14000, s15  }
0x5: {  	s1 =	sand.u32 $0x1, s1;
	s3 =	sshll.u32 s15, $0x1;
	s15 =	smul.u32 $0xA00, s15  }
0x6: {  	s29 =	simm.s32 $0x8000;
	s30 =	simm.s32 $0x80;
	s26 =	smul.u32 $0x140000, s1  }
0x7: {  	s4 =	sor.u32 s1, s3;
	s6 =	ssub.s32 $0x2, s1;
	s1 =	smul.u32 $0x500, s1  }
0x8: {  	s31 =	simm.s32 $0xA800;
	s3 =	simm.s32 $0x0;
	s8 =	smul.u32 $0x500, s4  }
0x9: {  	[smem:$0x7FF] =	sst s3;
	s4 =	sadd.s32 $0x2B600, s0;
	s10 =	sshrl.u32 s6, $0x1  }
0xa: {  	s11 =	sshrl.u32 s5, $0x2;
	s5 =	sadd.s32 $0x17600, s0;
	s17 =	sadd.s32 $0x4000, s25  }
0xb: {  	s21 =	sadd.s32 $0xC000, s25;
	_ =	strace $0x8000004A;
	s24 =	ssub.s32 s6, s10  }
0xc: {  	s6 =	sadd.s32 s11, s2;
	s9 =	sadd.s32 s8, s0;
	s0 =	smax.u32 s24, $0x1  }
0xd: {  	s18 =	sadd.s32 s26, s25;
	s13 =	sadd.s32 $0x4000, s6;
	[dreg:$0x5] =	wrdreg s0  }
0xe: {  	s12 =	sadd.s32 s26, s17;
	s14 =	sadd.s32 $0x8000, s6;
	[dreg:$0x6] =	wrdreg s13  }
0xf: {  	s22 =	sadd.s32 s17, s2;
	s16 =	sadd.s32 $0xC000, s6;
	[dreg:$0x7] =	wrdreg s14  }
0x10: {  	s8 =	sadd.s32 s5, s8;
	s11 =	sadd.s32 $0x10000, s6;
	[dreg:$0x8] =	wrdreg s16  }
0x11: {  	s12 =	sshrl.u32 s12, $0x3;
	s9 =	sadd.s32 $0x21600, s9;
	[dreg:$0x9] =	wrdreg s11  }
0x12: {  	s11 =	sshrl.u32 s18, $0x3;
	s13 =	sadd.s32 $0x8000, s25;
	s19 =	sadd.s32 s7, s12  }
0x13: {  	s14 =	sadd.s32 s26, s21;
	s0 =	simm.s32 $0x4000;
	[dreg:$0x4] =	wrdreg s9  }
0x14: {  	s12 =	simm.s32 $0x4;
	s11 =	sadd.s32 s7, s11;
	[dreg:$0xb] =	wrdreg s19  }
0x15: {  	s20 =	sadd.s32 s26, s13;
	s9 =	sadd.s32 $0x10000, s25;
	s14 =	sshrl.u32 s14, $0x3  }
0x16: {  	s25 =	sadd.s32 $0x10, s8;
	s23 =	sadd.s32 s13, s2;
	s13 =	simm.s32 $0x6  }
0x17: {  	[dreg:$0xa] =	wrdreg s11;
	s11 =	sshrl.u32 s20, $0x3;
	s10 =	sadd.s32 s26, s9  }
0x18: {  	s24 =	sadd.s32 s7, s14;
	[dreg:$0xf] =	wrdreg s25;
	s20 =	sadd.s32 s1, s15  }
0x19: {  	s26 =	sadd.s32 $0x20, s8;
	s25 =	sadd.s32 s9, s2;
	s1 =	simm.s32 $0xA880  }
0x1a: {  	s9 =	simm.s32 $0x3;
	s14 =	simm.s32 $0x0;
	[dreg:$0xd] =	wrdreg s24  }
0x1b: {  	s10 =	sshrl.u32 s10, $0x3;
	s11 =	sadd.s32 s7, s11;
	[dreg:$0x10] =	wrdreg s26  }
0x1c: {  	s24 =	sadd.s32 s21, s2;
	s21 =	smov.u32 s8;
	s26 =	sadd.s32 $0x4F0, s8  }
0x1d: {  	[dreg:$0xc] =	wrdreg s11;
	s7 =	sadd.s32 s7, s10;
	s10 =	simm.s32 $0x5  }
0x1e: {  	v0 =	vimm.f32 $0.0e+00;
	s11 =	simm.s32 $0x2;
	[dreg:$0xe] =	wrdreg s7;
	s7 =	simm.s32 $0x1  }
.LBB2_1:
0x1f: {  	s15 =	simm.s32 $0x0;
	s16 =	simm.s32 $0x200  }
.LBB2_2:
0x20: {  	p0 =	sne.s32 s16, $0xFE00;
	[tilespmem:s15+$0x70] =	vst v0  }
0x21: {  	[tilespmem:s15+$0x0] =	vst v0  }
0x22: {  	[tilespmem:s15+$0x10] =	vst v0  }
.Ltmp0:
0x23: {  	[tilespmem:s15+$0x20] =	vst v0;
	(pc) =	sbr.rel @p0 .LBB2_2-.Ltmp0, $4  }
0x24: {  	[tilespmem:s15+$0x30] =	vst v0  }
0x25: {  	[tilespmem:s15+$0x40] =	vst v0  }
0x26: {  	[tilespmem:s15+$0x50] =	vst v0  }
0x27: {  	[tilespmem:s15+$0x60] =	vst v0;
	s15 =	sshra.s32 s16, $0x2;
	s16 =	sadd.s32 $0x200, s16  }
0x28: {  	[tilespmem:s15+$0x70] =	vst v0  }
0x29: {  	[tilespmem:s15+$0x0] =	vst v0  }
0x2a: {  	[tilespmem:s15+$0x10] =	vst v0  }
0x2b: {  	[tilespmem:s15+$0x20] =	vst v0  }
0x2c: {  	[tilespmem:s15+$0x30] =	vst v0  }
0x2d: {  	[tilespmem:s15+$0x40] =	vst v0  }
0x2e: {  	[tilespmem:s15+$0x50] =	vst v0  }
0x2f: {  	[tilespmem:s15+$0x60] =	vst v0  }
0x30: {  	[spmem:s6] =	stream.linear.scatter [tilespmem:s3], [sflag:$0x7], $0x4000, $0x38;
	[tilespmem:$0x1E900] =	vst v63  }
0x31: {  	_ =	swait.ge [sflag:s28], $0x4000  }
0x32: {  	[sflag:s28] =	ssyncset.done $0x0  }
0x33: {  	s8 =	rddreg [dreg:$0x6];
	[sflag:s28] =	ssyncadd.s32 $0xFFFFC000  }
0x34: {  	[spmem:s8] =	stream.linear.scatter [tilespmem:s3], [sflag:$0x7], $0x4000, $0x38;
	[tilespmem:$0x1E900] =	vst v63  }
0x35: {  	_ =	swait.ge [sflag:s28], $0x4000  }
0x36: {  	[sflag:s28] =	ssyncset.done $0x0  }
0x37: {  	s15 =	rddreg [dreg:$0x7];
	[sflag:s28] =	ssyncadd.s32 $0xFFFFC000  }
0x38: {  	[spmem:s15] =	stream.linear.scatter [tilespmem:s3], [sflag:$0x7], $0x4000, $0x38;
	[tilespmem:$0x1E900] =	vst v63  }
0x39: {  	_ =	swait.ge [sflag:s28], $0x4000  }
0x3a: {  	[sflag:s28] =	ssyncset.done $0x0  }
0x3b: {  	s16 =	rddreg [dreg:$0x8];
	[sflag:s28] =	ssyncadd.s32 $0xFFFFC000  }
0x3c: {  	[spmem:s16] =	stream.linear.scatter [tilespmem:s3], [sflag:$0x7], $0x4000, $0x38;
	[tilespmem:$0x1E900] =	vst v63  }
0x3d: {  	_ =	swait.ge [sflag:s28], $0x4000  }
0x3e: {  	[sflag:s28] =	ssyncset.done $0x0  }
0x3f: {  	s17 =	rddreg [dreg:$0x9];
	[sflag:s28] =	ssyncadd.s32 $0xFFFFC000  }
0x40: {  	[spmem:s17] =	stream.linear.scatter [tilespmem:s3], [sflag:$0x7], $0x4000, $0x38;
	[tilespmem:$0x1E900] =	vst v63  }
0x41: {  	_ =	swait.ge [sflag:s28], $0x4000  }
0x42: {  	[sflag:s28] =	ssyncset.done $0x0  }
0x43: {  	s18 =	rddreg [dreg:$0x4];
	[sflag:s28] =	ssyncadd.s32 $0xFFFFC000  }
0x44: {  	[tilespmem:s29], [sflag:$0x7] =	stream.linear.gather [hbm4b:s18+s3], $0x2800, $0x38;
	[tilespmem:$0x1E900] =	vst v63  }
0x45: {  	_ =	swait.ge [sflag:s28], $0x2800  }
0x46: {  	[sflag:s28] =	ssyncset.done $0x0  }
0x47: {  	[sflag:s28] =	ssyncadd.s32 $0xFFFFD800  }
0x48: {  	[bflag:$0x0] =	sbarrier.arrive $0xFFFF  }
0x49: {  	[tilespmem:s3], [sflag:$0x1] =	stream.indirect.gather [hbm4b:s4+s30], $0x80, s29, s30, $0xb8;
	[tilespmem:$0x1E900] =	vst v63  }
0x4a: {  	_ = 	snop  }
0x4b: {  	[tilespmem:s31], [sflag:$0x3] =	stream.linear.gather [hbm4b:s21+s3], $0x80, $0x38;
	[tilespmem:$0x1E900] =	vst v63  }
0x4c: {  	s19 =	simm.s32 $0x8080  }
0x4d: {  	[tilespmem:s0], [sflag:$0x2] =	stream.indirect.gather [hbm4b:s4+s30], $0x80, s19, s30, $0xb8;
	[tilespmem:$0x1E900] =	vst v63  }
0x4e: {  	s15 =	rddreg [dreg:$0xf]  }
0x4f: {  	[tilespmem:s1], [sflag:$0x4] =	stream.linear.gather [hbm4b:s15+s3], $0x80, $0x38;
	[tilespmem:$0x1E900] =	vst v63  }
0x50: {  	_ =	swait.ge [sflag:s7], $0x4000  }
0x51: {  	[sflag:s7] =	ssyncset.done $0x0  }
0x52: {  	[sflag:s7] =	ssyncadd.s32 $0xFFFFC000  }
0x53: {  	_ =	swait.ge [sflag:s9], $0x80  }
0x54: {  	[sflag:s9] =	ssyncset.done $0x0  }
0x55: {  	[sflag:s9] =	ssyncadd.s32 $0xFFFFFF80  }
0x56: {  	[spmem:s2] =	stream.indirect.scatter.add.f32 [tilespmem:s3], [sflag:$0x5], $0x80, s31, s30, $0xb8;
	[tilespmem:$0x1E900] =	vst v63  }
0x57: {  	_ =	swait.ge [sflag:s10], $0x4000  }
0x58: {  	[sflag:s10] =	ssyncset.done $0x0  }
0x59: {  	s16 =	simm.s32 $0x8100;
	[sflag:s10] =	ssyncadd.s32 $0xFFFFC000  }
0x5a: {  	[tilespmem:s3], [sflag:$0x1] =	stream.indirect.gather [hbm4b:s4+s30], $0x80, s16, s30, $0xb8;
	[tilespmem:$0x1E900] =	vst v63  }
0x5b: {  	s17 =	rddreg [dreg:$0x10]  }
0x5c: {  	[tilespmem:s31], [sflag:$0x3] =	stream.linear.gather [hbm4b:s17+s3], $0x80, $0x38;
	[tilespmem:$0x1E900] =	vst v63  }
0x5d: {  	_ =	swait.ge [sflag:s11], $0x4000  }
0x5e: {  	[sflag:s11] =	ssyncset.done $0x0  }
0x5f: {  	[sflag:s11] =	ssyncadd.s32 $0xFFFFC000  }
0x60: {  	_ =	swait.ge [sflag:s12], $0x80  }
0x61: {  	[sflag:s12] =	ssyncset.done $0x0  }
0x62: {  	s15 =	simm.s32 $0x8180;
	[sflag:s12] =	ssyncadd.s32 $0xFFFFFF80  }
0x63: {  	[spmem:s2] =	stream.indirect.scatter.add.f32 [tilespmem:s0], [sflag:$0x6], $0x80, s1, s30, $0xb8;
	[tilespmem:$0x1E900] =	vst v63  }
0x64: {  	s16 =	sadd.s32 $0x40, s20;
	s17 =	simm.s32 $0x30;
	_ =	swait.ge [sflag:s13], $0x4000  }
0x65: {  	s18 =	sadd.s32 $0xFFFFFFE0, s16;
	s17 =	sand.u32 $0x70, s17;
	[sflag:s13] =	ssyncset.done $0x0  }
0x66: {  	s18 =	sand.u32 $0xFFFFF80, s18;
	s17 =	sadd.s32 s5, s17;
	[sflag:s13] =	ssyncadd.s32 $0xFFFFC000  }
0x67: {  	[tilespmem:s0], [sflag:$0x2] =	stream.indirect.gather [hbm4b:s4+s30], $0x80, s15, s30, $0xb8;
	[tilespmem:$0x1E900] =	vst v63  }
0x68: {  	s17 =	sadd.s32 s18, s17  }
0x69: {  	[tilespmem:s1], [sflag:$0x4] =	stream.linear.gather [hbm4b:s17+s3], $0x80, $0x38;
	[tilespmem:$0x1E900] =	vst v63  }
0x6a: {  	_ =	swait.ge [sflag:s7], $0x4000  }
0x6b: {  	[sflag:s7] =	ssyncset.done $0x0  }
0x6c: {  	[sflag:s7] =	ssyncadd.s32 $0xFFFFC000  }
0x6d: {  	_ =	swait.ge [sflag:s9], $0x80  }
0x6e: {  	[sflag:s9] =	ssyncset.done $0x0  }
0x6f: {  	[sflag:s9] =	ssyncadd.s32 $0xFFFFFF80  }
0x70: {  	[spmem:s2] =	stream.indirect.scatter.add.f32 [tilespmem:s3], [sflag:$0x5], $0x80, s31, s30, $0xb8;
	[tilespmem:$0x1E900] =	vst v63  }
0x71: {  	s19 =	simm.s32 $0x40;
	_ =	swait.ge [sflag:s10], $0x4000  }
0x72: {  	s16 =	sand.u32 $0xFFFFF80, s16;
	s17 =	sand.u32 $0x60, s19;
	[sflag:s10] =	ssyncset.done $0x0  }
0x73: {  	s18 =	simm.s32 $0x8200;
	s17 =	sadd.s32 s5, s17;
	[sflag:s10] =	ssyncadd.s32 $0xFFFFC000  }
0x74: {  	[tilespmem:s3], [sflag:$0x1] =	stream.indirect.gather [hbm4b:s4+s30], $0x80, s18, s30, $0xb8;
	[tilespmem:$0x1E900] =	vst v63  }
0x75: {  	s16 =	sadd.s32 s16, s17  }
0x76: {  	[tilespmem:s31], [sflag:$0x3] =	stream.linear.gather [hbm4b:s16+s3], $0x80, $0x38;
	[tilespmem:$0x1E900] =	vst v63  }
0x77: {  	_ =	swait.ge [sflag:s11], $0x4000  }
0x78: {  	[sflag:s11] =	ssyncset.done $0x0  }
0x79: {  	[sflag:s11] =	ssyncadd.s32 $0xFFFFC000  }
0x7a: {  	_ =	swait.ge [sflag:s12], $0x80  }
0x7b: {  	s16 =	simm.s32 $0x60;
	[sflag:s12] =	ssyncset.done $0x0  }
.LBB2_4:
0x7c: {  	p0 =	sne.s32 s16, $0x4E0  }
0x7d: {  	[sflag:s12] =	ssyncadd.s32 $0xFFFFFF80;
	s15 =	sadd.s32 $0x100, s15;
	s17 =	smov.u32 s16  }
0x7e: {  	[spmem:s2] =	stream.indirect.scatter.add.f32 [tilespmem:s0], [sflag:$0x6], $0x80, s1, s30, $0xb8;
	[tilespmem:$0x1E900] =	vst v63  }
0x7f: {  	s18 =	sadd.s32 s16, s20;
	s8 =	sadd.s32 $0xFFFFFFF0, s16;
	_ =	swait.ge [sflag:s13], $0x4000  }
0x80: {  	s19 =	sadd.s32 $0xFFFFFFE0, s18;
	s8 =	sand.u32 $0x70, s8;
	[sflag:s13] =	ssyncset.done $0x0  }
0x81: {  	s19 =	sand.u32 $0xFFFFF80, s19;
	s8 =	sadd.s32 s5, s8;
	[sflag:s13] =	ssyncadd.s32 $0xFFFFC000  }
0x82: {  	[tilespmem:s0], [sflag:$0x2] =	stream.indirect.gather [hbm4b:s4+s30], $0x80, s15, s30, $0xb8;
	[tilespmem:$0x1E900] =	vst v63  }
0x83: {  	s16 =	sadd.s32 $0x20, s16;
	s18 =	sand.u32 $0xFFFFF80, s18;
	s8 =	sadd.s32 s19, s8  }
0x84: {  	[tilespmem:s1], [sflag:$0x4] =	stream.linear.gather [hbm4b:s8+s3], $0x80, $0x38;
	[tilespmem:$0x1E900] =	vst v63  }
0x85: {  	_ =	swait.ge [sflag:s7], $0x4000  }
0x86: {  	[sflag:s7] =	ssyncset.done $0x0  }
0x87: {  	[sflag:s7] =	ssyncadd.s32 $0xFFFFC000  }
0x88: {  	_ =	swait.ge [sflag:s9], $0x80  }
0x89: {  	[sflag:s9] =	ssyncset.done $0x0  }
0x8a: {  	[sflag:s9] =	ssyncadd.s32 $0xFFFFFF80  }
0x8b: {  	[spmem:s2] =	stream.indirect.scatter.add.f32 [tilespmem:s3], [sflag:$0x5], $0x80, s31, s30, $0xb8;
	[tilespmem:$0x1E900] =	vst v63  }
0x8c: {  	s8 =	sand.u32 $0x60, s17;
	_ =	swait.ge [sflag:s10], $0x4000  }
0x8d: {  	s17 =	sadd.s32 $0x80, s15;
	s8 =	sadd.s32 s5, s8;
	[sflag:s10] =	ssyncset.done $0x0  }
0x8e: {  	s8 =	sadd.s32 s18, s8;
	[sflag:s10] =	ssyncadd.s32 $0xFFFFC000  }
0x8f: {  	[tilespmem:s3], [sflag:$0x1] =	stream.indirect.gather [hbm4b:s4+s30], $0x80, s17, s30, $0xb8;
	[tilespmem:$0x1E900] =	vst v63  }
0x90: {  	_ = 	snop  }
0x91: {  	[tilespmem:s31], [sflag:$0x3] =	stream.linear.gather [hbm4b:s8+s3], $0x80, $0x38;
	[tilespmem:$0x1E900] =	vst v63  }
.Ltmp1:
0x92: {  	_ =	swait.ge [sflag:s11], $0x4000;
	(pc) =	sbr.rel @p0 .LBB2_4-.Ltmp1, $4  }
0x93: {  	[sflag:s11] =	ssyncset.done $0x0  }
0x94: {  	[sflag:s11] =	ssyncadd.s32 $0xFFFFC000  }
0x95: {  	_ =	swait.ge [sflag:s12], $0x80  }
0x96: {  	[sflag:s12] =	ssyncset.done $0x0  }
0x97: {  	[sflag:s12] =	ssyncadd.s32 $0xFFFFFF80  }
0x98: {  	[spmem:s2] =	stream.indirect.scatter.add.f32 [tilespmem:s0], [sflag:$0x6], $0x80, s1, s30, $0xb8;
	[tilespmem:$0x1E900] =	vst v63  }
0x99: {  	_ =	swait.ge [sflag:s13], $0x4000  }
0x9a: {  	[sflag:s13] =	ssyncset.done $0x0  }
0x9b: {  	s8 =	simm.s32 $0xA780;
	[sflag:s13] =	ssyncadd.s32 $0xFFFFC000  }
0x9c: {  	[tilespmem:s0], [sflag:$0x2] =	stream.indirect.gather [hbm4b:s4+s30], $0x80, s8, s30, $0xb8;
	[tilespmem:$0x1E900] =	vst v63  }
0x9d: {  	_ = 	snop  }
0x9e: {  	[tilespmem:s1], [sflag:$0x4] =	stream.linear.gather [hbm4b:s26+s3], $0x80, $0x38;
	[tilespmem:$0x1E900] =	vst v63  }
0x9f: {  	_ =	swait.ge [sflag:s7], $0x4000  }
0xa0: {  	[sflag:s7] =	ssyncset.done $0x0  }
0xa1: {  	[sflag:s7] =	ssyncadd.s32 $0xFFFFC000  }
0xa2: {  	_ =	swait.ge [sflag:s9], $0x80  }
0xa3: {  	[sflag:s9] =	ssyncset.done $0x0  }
0xa4: {  	[sflag:s9] =	ssyncadd.s32 $0xFFFFFF80  }
0xa5: {  	[spmem:s2] =	stream.indirect.scatter.add.f32 [tilespmem:s3], [sflag:$0x5], $0x80, s31, s30, $0xb8;
	[tilespmem:$0x1E900] =	vst v63  }
0xa6: {  	_ =	swait.ge [sflag:s10], $0x4000  }
0xa7: {  	[sflag:s10] =	ssyncset.done $0x0  }
0xa8: {  	[sflag:s10] =	ssyncadd.s32 $0xFFFFC000  }
0xa9: {  	_ =	swait.ge [sflag:s11], $0x4000  }
0xaa: {  	[sflag:s11] =	ssyncset.done $0x0  }
0xab: {  	[sflag:s11] =	ssyncadd.s32 $0xFFFFC000  }
0xac: {  	_ =	swait.ge [sflag:s12], $0x80  }
0xad: {  	[sflag:s12] =	ssyncset.done $0x0  }
0xae: {  	[sflag:s12] =	ssyncadd.s32 $0xFFFFFF80  }
0xaf: {  	[spmem:s2] =	stream.indirect.scatter.add.f32 [tilespmem:s0], [sflag:$0x6], $0x80, s1, s30, $0xb8;
	[tilespmem:$0x1E900] =	vst v63  }
0xb0: {  	_ =	swait.ge [sflag:s13], $0x4000  }
0xb1: {  	[sflag:s13] =	ssyncset.done $0x0  }
0xb2: {  	[sflag:s13] =	ssyncadd.s32 $0xFFFFC000  }
0xb3: {  	[bflag:$0x0] =	sbarrier.arrive $0xFFFF  }
0xb4: {  	[tilespmem:s3], [sflag:$0x7] =	stream.linear.gather [spmem:s6], $0x4000, $0x38;
	[tilespmem:$0x1E900] =	vst v63  }
0xb5: {  	_ =	swait.ge [sflag:s28], $0x4000  }
0xb6: {  	[sflag:s28] =	ssyncset.done $0x0  }
0xb7: {  	s19 =	rddreg [dreg:$0xa];
	[sflag:s28] =	ssyncadd.s32 $0xFFFFC000  }
0xb8: {  	[hbm4b:s19+s3] =	stream.linear.scatter [tilespmem:s3], [sflag:$0x7], $0x4000, $0x38;
	[tilespmem:$0x1E900] =	vst v63  }
0xb9: {  	_ =	swait.ge [sflag:s28], $0x4000  }
0xba: {  	[sflag:s28] =	ssyncset.done $0x0  }
0xbb: {  	[sflag:s28] =	ssyncadd.s32 $0xFFFFC000  }
0xbc: {  	[tilespmem:s3], [sflag:$0x7] =	stream.linear.gather [spmem:s22], $0x4000, $0x38;
	[tilespmem:$0x1E900] =	vst v63  }
0xbd: {  	_ =	swait.ge [sflag:s28], $0x4000  }
0xbe: {  	[sflag:s28] =	ssyncset.done $0x0  }
0xbf: {  	s15 =	rddreg [dreg:$0xb];
	[sflag:s28] =	ssyncadd.s32 $0xFFFFC000  }
0xc0: {  	[hbm4b:s15+s3] =	stream.linear.scatter [tilespmem:s3], [sflag:$0x7], $0x4000, $0x38;
	[tilespmem:$0x1E900] =	vst v63  }
0xc1: {  	_ =	swait.ge [sflag:s28], $0x4000  }
0xc2: {  	[sflag:s28] =	ssyncset.done $0x0  }
0xc3: {  	[sflag:s28] =	ssyncadd.s32 $0xFFFFC000  }
0xc4: {  	[tilespmem:s3], [sflag:$0x7] =	stream.linear.gather [spmem:s23], $0x4000, $0x38;
	[tilespmem:$0x1E900] =	vst v63  }
0xc5: {  	_ =	swait.ge [sflag:s28], $0x4000  }
0xc6: {  	[sflag:s28] =	ssyncset.done $0x0  }
0xc7: {  	s16 =	rddreg [dreg:$0xc];
	[sflag:s28] =	ssyncadd.s32 $0xFFFFC000  }
0xc8: {  	[hbm4b:s16+s3] =	stream.linear.scatter [tilespmem:s3], [sflag:$0x7], $0x4000, $0x38;
	[tilespmem:$0x1E900] =	vst v63  }
0xc9: {  	_ =	swait.ge [sflag:s28], $0x4000  }
0xca: {  	[sflag:s28] =	ssyncset.done $0x0  }
0xcb: {  	[sflag:s28] =	ssyncadd.s32 $0xFFFFC000  }
0xcc: {  	[tilespmem:s3], [sflag:$0x7] =	stream.linear.gather [spmem:s24], $0x4000, $0x38;
	[tilespmem:$0x1E900] =	vst v63  }
0xcd: {  	_ =	swait.ge [sflag:s28], $0x4000  }
0xce: {  	[sflag:s28] =	ssyncset.done $0x0  }
0xcf: {  	s17 =	rddreg [dreg:$0xd];
	[sflag:s28] =	ssyncadd.s32 $0xFFFFC000  }
0xd0: {  	[hbm4b:s17+s3] =	stream.linear.scatter [tilespmem:s3], [sflag:$0x7], $0x4000, $0x38;
	[tilespmem:$0x1E900] =	vst v63  }
0xd1: {  	_ =	swait.ge [sflag:s28], $0x4000  }
0xd2: {  	[sflag:s28] =	ssyncset.done $0x0  }
0xd3: {  	[sflag:s28] =	ssyncadd.s32 $0xFFFFC000  }
0xd4: {  	[tilespmem:s3], [sflag:$0x7] =	stream.linear.gather [spmem:s25], $0x4000, $0x38;
	[tilespmem:$0x1E900] =	vst v63  }
0xd5: {  	_ =	swait.ge [sflag:s28], $0x4000  }
0xd6: {  	[sflag:s28] =	ssyncset.done $0x0  }
0xd7: {  	s18 =	rddreg [dreg:$0xe];
	[sflag:s28] =	ssyncadd.s32 $0xFFFFC000  }
0xd8: {  	[hbm4b:s18+s3] =	stream.linear.scatter [tilespmem:s3], [sflag:$0x7], $0x4000, $0x38;
	[tilespmem:$0x1E900] =	vst v63  }
0xd9: {  	_ =	swait.ge [sflag:s28], $0x4000  }
0xda: {  	s14 =	sadd.s32 $0x1, s14;
	s19 =	rddreg [dreg:$0x5]  }
0xdb: {  	p0 =	sne.s32 s14, s19  }
.Ltmp2:
0xdc: {  	_ = 	snop;
	(pc) =	sbr.rel @p0 .LBB2_1-.Ltmp2, $3  }
0xdd: {  	_ =	sdelay $0x1  }
0xde: {  	[sflag:s28] =	ssyncset.done $0x0  }
0xdf: {  	[sflag:s28] =	ssyncadd.s32 $0xFFFFC000  }
0xe0: {  	_ =	sfence.sel $0x180000  }
0xe1: {  	[bflag:$0x0] =	sbarrier.arrive $0xFFFF  }
0xe2: {  	_ =	strace $0x9000004A  }
0xe3: {  	s0 =	stileid.u32;
	[bflag:$0x2] =	sbarrier.arrive $0xFFFF  }
0xe4: {  	p0 =	sne.s32 s0, $0x0;
	s0 =	rddreg [dreg:$0x3]  }
0xe5: {  	s0 =	sadd.s32 @!p0 $0x100000, s0  }
0xe6: {  	[sflag:s0] =	ssyncadd.tile.s32 @!p0 $0x1;
	_ =	shalt  }
.Lfunc_end2:
_tile_overlayer_lowered:
.L_overlay_start_2:
0xe7: {  	(tag) =	ssettag $0x2  }
0xe8: {  	s0 =	rddreg [dreg:$0x0];
	s2 =	stileid.u32  }
0xe9: {  	s1 =	rddreg [dreg:$0x1];
	p0 =	sne.s32 s2, $0x0  }
0xea: {  	s3 =	rddreg [dreg:$0x2];
	[bflag:$0x3] =	sbarrier.arrive $0xFFFF;
	s2 =	simm.s32 @!p0 $0x1C07  }
0xeb: {  	[timem:s3], [sflag:s2] =	dma.local @!p0 [hbm:s0], s1  }
0xec: {  	s0 =	simm.s32 @!p0 $0x7  }
0xed: {  	_ =	swait.ge @!p0 [sflag:s0], s1  }
0xee: {  	s1 =	ssub.s32 @!p0 $0x0, s1;
	[sflag:s0] =	ssyncset.done @!p0 $0x0  }
0xef: {  	[sflag:s0] =	ssyncadd.s32 @!p0 s1  }
0xf0: {  	[bflag:$0x3] =	sbarrier.arrive $0xFFFF  }
0xf1: {  	_ =	shalt  }

// kernel: kernel.16.cloned.1.call-start
scs
__scs_entry_jumppad:
0x0: {  	(pc) =	sbr.rel $0x88, $3  }
0x1: {  	(tag) =	ssettag $0x0;
	lr =	simm.s32 $0x1  }
0x2: {  	[smem:$0x3F99] =	sst lr;
	_ =	strace $0xD0000000  }
0x3: {  	_ = 	snop  }
0x4: {  	_ = 	snop  }
0x5: {  	_ = 	snop  }
0x6: {  	_ = 	snop  }
0x7: {  	_ = 	snop  }
__scs_overlays_trampoline_lowered:
0x8: {  	[smem:$0x3FA8] =	sst s0  }
0x9: {  	[smem:$0x3FA9] =	sst s1  }
0xa: {  	[smem:$0x3FAA] =	sst s2  }
0xb: {  	[smem:$0x3FAB] =	sst s3  }
0xc: {  	[smem:$0x3FAC] =	sst s4  }
0xd: {  	[smem:$0x3FAD] =	sst s5  }
0xe: {  	[smem:$0x3FAE] =	sst s6  }
0xf: {  	[smem:$0x3FAF] =	sst s7  }
0x10: {  	[smem:$0x3FB0] =	sst s8  }
0x11: {  	[smem:$0x3FB1] =	sst s9;
	s0 =	simm.s32 @!p0 $0x0  }
0x12: {  	s1 =	sld [smem:$0x3F97];
	s0 =	simm.s32 @p0 $0x1  }
0x13: {  	[smem:$0x3FB2] =	sst s0;
	s0 =	simm.s32 @!p1 $0x0  }
0x14: {  	s2 =	sld [smem:$0x3F96];
	s0 =	simm.s32 @p1 $0x1  }
0x15: {  	[smem:$0x3FB3] =	sst s0;
	s0 =	simm.s32 @!p2 $0x0  }
0x16: {  	s3 =	sld [smem:$0x3FDB];
	s0 =	simm.s32 @p2 $0x1  }
0x17: {  	s4 =	simm.s32 $0x1BF5;
	[smem:$0x3FB5] =	sst s0  }
0x18: {  	s0 =	sld [smem:$0x3F98];
	_ =	swait.ge [sflag:s4], $0x0  }
0x19: {  	s7 =	sld [smem:$0x3F99]  }
0x1a: {  	s8 =	sadd.s32 $0xFFFFE003, lr  }
0x1b: {  	s9 =	sadd.s32 $0xFFFFFEF7, lr;
	s5 =	simm.s32 $0xFFFFFFFF;
	p2 =	slt.u32 s8, $0xFFFFF086  }
0x1c: {  	p1 =	slt.u32 s9, $0xF7A;
	s5 =	simm.s32 @!p2 $0x0  }
0x1d: {  	s5 =	simm.s32 @p1 $0x1;
	p0 =	seq.s32 s7, s2  }
0x1e: {  	s7 =	smul.u32 @!p0 $0xF7A, s2;
	p2 =	seq.s32 @!p0 s5, $0x0  }
0x1f: {  	s9 =	smul.u32 $0xF7A, s1;
	s8 =	simm.s32 @!p0 $0x1BF5;
	p2 =	por !p2, p0  }
0x20: {  	[sflag:s8] =	ssyncset.s32 @!p0 $0xFFFFF086;
	s6 =	sadd.s32 @!p0 s3, s7;
	s7 =	simm.s32 @!p0 $0x108  }
0x21: {  	s3 =	sadd.s32 s3, s9;
	s6 =	sadd.s32 @!p0 $0x88, s6;
	s7 =	simm.s32 @p2 $0x1082  }
0x22: {  	[simem:s7], [sflag:s8] =	dma.local @!p0 [hbm:s6], $0xF7A  }
0x23: {  	s9 =	sor.u32 $0xD0000000, s2;
	s6 =	simm.s32 $0x108;
	_ =	swait.ge @!p0 [sflag:s8], $0x0  }
0x24: {  	s3 =	sadd.s32 $0x88, s3;
	s6 =	simm.s32 @!p1 $0x1082;
	[sflag:s4] =	ssyncset.s32 $0xFFFFF086  }
0x25: {  	[simem:s6], [sflag:s4] =	dma.local [hbm:s3], $0xF7A  }
0x26: {  	[smem:$0x3F99] =	sst s1;
	(tag) =	ssettag s2;
	_ =	strace s9  }
0x27: {  	s1 =	sld [smem:$0x3FA9]  }
0x28: {  	s2 =	sld [smem:$0x3FAA]  }
0x29: {  	s4 =	sld [smem:$0x3FAC]  }
0x2a: {  	p0 =	seq.s32 s5, $0x0;
	s5 =	sld [smem:$0x3FAD]  }
0x2b: {  	s6 =	sld [smem:$0x3FAE]  }
0x2c: {  	s7 =	sld [smem:$0x3FAF]  }
0x2d: {  	s3 =	simm.s32 $0x108;
	s8 =	sld [smem:$0x3FB0]  }
0x2e: {  	s3 =	simm.s32 @!p0 $0x1082;
	s9 =	sld [smem:$0x3FB1]  }
0x2f: {  	lr =	sadd.s32 s0, s3;
	s0 =	sld [smem:$0x3FA8]  }
0x30: {  	s3 =	sld [smem:$0x3FAB]  }
0x31: {  	[smem:$0x3FB4] =	sst s10  }
0x32: {  	s10 =	sld [smem:$0x3FB2];
	_ =	sdelay $0x3  }
0x33: {  	p0 =	seq.s32 s10, $0x1;
	s10 =	sld [smem:$0x3FB4];
	_ =	sdelay $0x3  }
0x34: {  	[smem:$0x3FB4] =	sst s10  }
0x35: {  	s10 =	sld [smem:$0x3FB3];
	_ =	sdelay $0x3  }
0x36: {  	p1 =	seq.s32 s10, $0x1;
	s10 =	sld [smem:$0x3FB4];
	_ =	sdelay $0x3  }
0x37: {  	[smem:$0x3FB4] =	sst s10  }
0x38: {  	s10 =	sld [smem:$0x3FB5]  }
0x39: {  	_ = 	snop;
	(pc) =	sbr.ind lr, $3  }
0x3a: {  	_ = 	snop  }
0x3b: {  	_ = 	snop  }
0x3c: {  	p2 =	seq.s32 s10, $0x1;
	s10 =	sld [smem:$0x3FB4]  }
0x3d: {  	_ =	shalt  }
0x3e: {  	_ =	shalt  }
0x3f: {  	_ =	shalt  }
0x40: {  	_ =	shalt  }
0x41: {  	_ =	shalt  }
0x42: {  	_ =	shalt  }
0x43: {  	_ =	shalt  }
0x44: {  	_ =	shalt  }
0x45: {  	_ =	shalt  }
0x46: {  	_ =	shalt  }
0x47: {  	_ =	shalt  }
0x48: {  	_ =	shalt  }
0x49: {  	_ =	shalt  }
0x4a: {  	_ =	shalt  }
0x4b: {  	_ =	shalt  }
0x4c: {  	_ =	shalt  }
0x4d: {  	_ =	shalt  }
0x4e: {  	_ =	shalt  }
0x4f: {  	_ =	shalt  }
0x50: {  	_ =	shalt  }
0x51: {  	_ =	shalt  }
0x52: {  	_ =	shalt  }
0x53: {  	_ =	shalt  }
0x54: {  	_ =	shalt  }
0x55: {  	_ =	shalt  }
0x56: {  	_ =	shalt  }
0x57: {  	_ =	shalt  }
0x58: {  	_ =	shalt  }
0x59: {  	_ =	shalt  }
0x5a: {  	_ =	shalt  }
0x5b: {  	_ =	shalt  }
0x5c: {  	_ =	shalt  }
0x5d: {  	_ =	shalt  }
0x5e: {  	_ =	shalt  }
0x5f: {  	_ =	shalt  }
0x60: {  	_ =	shalt  }
0x61: {  	_ =	shalt  }
0x62: {  	_ =	shalt  }
0x63: {  	_ =	shalt  }
0x64: {  	_ =	shalt  }
0x65: {  	_ =	shalt  }
0x66: {  	_ =	shalt  }
0x67: {  	_ =	shalt  }
0x68: {  	_ =	shalt  }
0x69: {  	_ =	shalt  }
0x6a: {  	_ =	shalt  }
0x6b: {  	_ =	shalt  }
0x6c: {  	_ =	shalt  }
0x6d: {  	_ =	shalt  }
0x6e: {  	_ =	shalt  }
0x6f: {  	_ =	shalt  }
0x70: {  	_ =	shalt  }
0x71: {  	_ =	shalt  }
0x72: {  	_ =	shalt  }
0x73: {  	_ =	shalt  }
0x74: {  	_ =	shalt  }
0x75: {  	_ =	shalt  }
0x76: {  	_ =	shalt  }
0x77: {  	_ =	shalt  }
0x78: {  	_ =	shalt  }
0x79: {  	_ =	shalt  }
0x7a: {  	_ =	shalt  }
0x7b: {  	_ =	shalt  }
0x7c: {  	_ =	shalt  }
0x7d: {  	_ =	shalt  }
0x7e: {  	_ =	shalt  }
0x7f: {  	_ =	shalt  }
0x80: {  	_ =	shalt  }
0x81: {  	_ =	shalt  }
0x82: {  	_ =	shalt  }
0x83: {  	_ =	shalt  }
0x84: {  	_ =	shalt  }
0x85: {  	_ =	shalt  }
0x86: {  	_ =	shalt  }
0x87: {  	_ =	shalt  }
.Lfunc_end0:
.L_simem_size_0:
called_computation.2_lowered:
.L_overlay_start_0:
0x88: {  	s2 =	sld [smem:$0x3FD9]  }
0x89: {  	s3 =	sld [smem:$0x3FFE];
	_ =	sdelay $0x1  }
0x8a: {  	s1 =	srdreg.scid  }
0x8b: {  	s0 =	sand.u32 $0x1, s1  }
0x8c: {  	s17 =	sshll.u32 s0, $0xA;
	s2 =	sadd.s32 s3, s2  }
0x8d: {  	s2 =	sadd.s32 s2, s17  }
0x8e: {  	[smem:$0x3FC0] =	sst s2  }
0x8f: {  	_ = 	snop  }
0x90: {  	s2 =	sld [smem:$0x3FD0];
	(tm) =	ssettm $0x1  }
0x91: {  	s18 =	sld [smem:$0x3FFB];
	_ =	sdelay $0x3  }
0x92: {  	_ =	strace s18  }
0x93: {  	s3 =	sld [smem:$0x3FFC];
	_ =	sdelay $0x3  }
0x94: {  	_ =	strace s3  }
0x95: {  	s3 =	sld [smem:$0x3FFD];
	_ =	sdelay $0x3  }
0x96: {  	_ =	strace s3  }
0x97: {  	_ =	strace $0x8FFFFFFF  }
0x98: {  	s19 =	sld [smem:$0x3FDB];
	_ =	sdelay $0x1  }
0x99: {  	s4 =	simm.s32 $_scs_section_size  }
0x9a: {  	s5 =	simm.s32 $_size__tile_overlayer_lowered;
	s6 =	simm.s32 $_tile_overlayer_lowered  }
0x9b: {  	s22 =	simm.s32 $0x1BFF;
	s21 =	sshll.u32 s6, $0x1;
	s3 =	sadd.s32 s4, s19  }
0x9c: {  	s7 =	simm.s32 $0x0;
	s20 =	sshll.u32 s5, $0x1;
	s5 =	sadd.s32 s21, s3  }
0x9d: {  	[timem:s7], [sflag:s22] =	dma.local [hbm:s5], s20  }
0x9e: {  	_ =	swait.ge [sflag:s22], s20  }
0x9f: {  	s4 =	ssub.s32 $0x0, s20;
	[sflag:s22] =	ssyncset.done $0x0  }
0xa0: {  	[sflag:s22] =	ssyncadd.s32 s4;
	_ =	sdelay $0x1  }
0xa1: {  	s23 =	simm.s32 $0x1B8B  }
0xa2: {  	_ =	swait.ge [sflag:s23], $0x1  }
0xa3: {  	[sflag:s23] =	ssyncset.done $0x0  }
0xa4: {  	s25 =	simm.s32 $0x1B8E;
	s24 =	sld [smem:$0x3FFE];
	[sflag:s23] =	ssyncadd.s32 $0xFFFFFFFF  }
0xa5: {  	s26 =	simm.s32 $execute0_lowered;
	[smem:$0x3FD2] =	sst s25  }
0xa6: {  	s5 =	sshll.u32 s26, $0x1;
	_ =	strace $0x8000004C;
	[dreg:$0x1] =	wrdreg $0xFFFFFFFF  }
0xa7: {  	s28 =	simm.s32 $_size_execute0_lowered;
	s3 =	sadd.s32 s3, s5;
	[dreg:$0x0] =	wrdreg $0x0  }
0xa8: {  	s5 =	sshll.u32 s28, $0x1;
	[dreg:$0x2] =	wrdreg s3  }
0xa9: {  	[dreg:$0x3] =	wrdreg s5  }
0xaa: {  	[dreg:$0x4] =	wrdreg $0xC0  }
0xab: {  	_ =	task [dreg:s7], $0x5FFFF  }
0xac: {  	[dreg:$0x1] =	wrdreg $0xFFFFFFFF  }
0xad: {  	[dreg:$0x0] =	wrdreg $0x60  }
0xae: {  	[dreg:$0x2] =	wrdreg s24  }
0xaf: {  	[dreg:$0x3] =	wrdreg s2  }
0xb0: {  	[dreg:$0x4] =	wrdreg $0xA9000  }
0xb1: {  	[dreg:$0x5] =	wrdreg $0x9  }
0xb2: {  	_ =	task.clear_ibuf [dreg:s7], $0x6FFFF;
	_ =	strace $0x9000004C  }
0xb3: {  	s29 =	simm.s32 $0x9;
	_ =	strace $0x8000004E  }
0xb4: {  	_ =	swait.ge [sflag:s29], $0x1  }
0xb5: {  	[sflag:s29] =	ssyncadd.s32 $0xFFFFFFFF  }
0xb6: {  	_ =	strace $0x9000004E  }
0xb7: {  	_ =	sfence  }
0xb8: {  	s30 =	sld [smem:$0x0];
	_ =	sdelay $0x2  }
0xb9: {  	s31 =	sshll.u32 s1, $0xD;
	s1 =	sshrl.u32 s1, $0x2  }
0xba: {  	s3 =	sand.u32 $0x4000, s31;
	s1 =	sadd.s32 s1, s30  }
0xbb: {  	s0 =	sor.u32 s3, s0;
	s1 =	sshll.u32 s1, $0x11  }
0xbc: {  	s0 =	sor.u32 s1, s0  }
0xbd: {  	s0 =	sadd.s32 $0x8F2B, s0  }
0xbe: {  	[sflag:s0] =	ssyncadd.remote.s32 $0x1  }
0xbf: {  	_ =	sfence.sel $0xFFFF  }
0xc0: {  	[dreg:$0x0] =	wrdreg $0xFFFFFFFF;
	(pc) =	sbr.abs _section_cstart, $3  }
0xc1: {  	[dreg:$0x1] =	wrdreg $0xFFFFFFFF  }
0xc2: {  	_ =	task.clear_ibuf [dreg:s7], $0x2FFFF;
	_ =	strace $0x9FFFFFFF  }
0xc3: {  	(tm) =	ssettm $0x7FFFFFFF  }
tec
execute0_lowered:
.L_overlay_start_1:
0x0: {  	(tag) =	ssettag $0x1  }
0x1: {  	s0 =	rddreg [dreg:$0x0]  }
0x2: {  	s1 =	srdreg.scid;
	s15 =	stileid.u32  }
0x3: {  	s7 =	rddreg [dreg:$0x1];
	s5 =	smul.u32 $0x50000, s15  }
0x4: {  	s2 =	rddreg [dreg:$0x2];
	s28 =	simm.s32 $0x7;
	s25 =	smul.u32 $0x14000, s15  }
0x5: {  	s1 =	sand.u32 $0x1, s1;
	s3 =	sshll.u32 s15, $0x1;
	s15 =	smul.u32 $0xA00, s15  }
0x6: {  	s29 =	simm.s32 $0x8000;
	s30 =	simm.s32 $0x80;
	s26 =	smul.u32 $0x140000, s1  }
0x7: {  	s4 =	sor.u32 s1, s3;
	s6 =	ssub.s32 $0x2, s1;
	s1 =	smul.u32 $0x500, s1  }
0x8: {  	s31 =	simm.s32 $0xA800;
	s3 =	simm.s32 $0x0;
	s8 =	smul.u32 $0x500, s4  }
0x9: {  	[smem:$0x7FF] =	sst s3;
	s4 =	sadd.s32 $0x2B600, s0;
	s10 =	sshrl.u32 s6, $0x1  }
0xa: {  	s11 =	sshrl.u32 s5, $0x2;
	s5 =	sadd.s32 $0x17600, s0;
	s17 =	sadd.s32 $0x4000, s25  }
0xb: {  	s21 =	sadd.s32 $0xC000, s25;
	_ =	strace $0x8000004D;
	s24 =	ssub.s32 s6, s10  }
0xc: {  	s6 =	sadd.s32 s11, s2;
	s9 =	sadd.s32 s8, s0;
	s0 =	smax.u32 s24, $0x1  }
0xd: {  	s18 =	sadd.s32 s26, s25;
	s13 =	sadd.s32 $0x4000, s6;
	[dreg:$0x5] =	wrdreg s0  }
0xe: {  	s12 =	sadd.s32 s26, s17;
	s14 =	sadd.s32 $0x8000, s6;
	[dreg:$0x6] =	wrdreg s13  }
0xf: {  	s22 =	sadd.s32 s17, s2;
	s16 =	sadd.s32 $0xC000, s6;
	[dreg:$0x7] =	wrdreg s14  }
0x10: {  	s8 =	sadd.s32 s5, s8;
	s11 =	sadd.s32 $0x10000, s6;
	[dreg:$0x8] =	wrdreg s16  }
0x11: {  	s12 =	sshrl.u32 s12, $0x3;
	s9 =	sadd.s32 $0x21600, s9;
	[dreg:$0x9] =	wrdreg s11  }
0x12: {  	s11 =	sshrl.u32 s18, $0x3;
	s13 =	sadd.s32 $0x8000, s25;
	s19 =	sadd.s32 s7, s12  }
0x13: {  	s14 =	sadd.s32 s26, s21;
	s0 =	simm.s32 $0x4000;
	[dreg:$0x4] =	wrdreg s9  }
0x14: {  	s12 =	simm.s32 $0x4;
	s11 =	sadd.s32 s7, s11;
	[dreg:$0xb] =	wrdreg s19  }
0x15: {  	s20 =	sadd.s32 s26, s13;
	s9 =	sadd.s32 $0x10000, s25;
	s14 =	sshrl.u32 s14, $0x3  }
0x16: {  	s25 =	sadd.s32 $0x10, s8;
	s23 =	sadd.s32 s13, s2;
	s13 =	simm.s32 $0x6  }
0x17: {  	[dreg:$0xa] =	wrdreg s11;
	s11 =	sshrl.u32 s20, $0x3;
	s10 =	sadd.s32 s26, s9  }
0x18: {  	s24 =	sadd.s32 s7, s14;
	[dreg:$0xf] =	wrdreg s25;
	s20 =	sadd.s32 s1, s15  }
0x19: {  	s26 =	sadd.s32 $0x20, s8;
	s25 =	sadd.s32 s9, s2;
	s1 =	simm.s32 $0xA880  }
0x1a: {  	s9 =	simm.s32 $0x3;
	s14 =	simm.s32 $0x0;
	[dreg:$0xd] =	wrdreg s24  }
0x1b: {  	s10 =	sshrl.u32 s10, $0x3;
	s11 =	sadd.s32 s7, s11;
	[dreg:$0x10] =	wrdreg s26  }
0x1c: {  	s24 =	sadd.s32 s21, s2;
	s21 =	smov.u32 s8;
	s26 =	sadd.s32 $0x4F0, s8  }
0x1d: {  	[dreg:$0xc] =	wrdreg s11;
	s7 =	sadd.s32 s7, s10;
	s10 =	simm.s32 $0x5  }
0x1e: {  	v0 =	vimm.f32 $0.0e+00;
	s11 =	simm.s32 $0x2;
	[dreg:$0xe] =	wrdreg s7;
	s7 =	simm.s32 $0x1  }
.LBB2_1:
0x1f: {  	s15 =	simm.s32 $0x0;
	s16 =	simm.s32 $0x200  }
.LBB2_2:
0x20: {  	p0 =	sne.s32 s16, $0xFE00;
	[tilespmem:s15+$0x70] =	vst v0  }
0x21: {  	[tilespmem:s15+$0x0] =	vst v0  }
0x22: {  	[tilespmem:s15+$0x10] =	vst v0  }
.Ltmp0:
0x23: {  	[tilespmem:s15+$0x20] =	vst v0;
	(pc) =	sbr.rel @p0 .LBB2_2-.Ltmp0, $4  }
0x24: {  	[tilespmem:s15+$0x30] =	vst v0  }
0x25: {  	[tilespmem:s15+$0x40] =	vst v0  }
0x26: {  	[tilespmem:s15+$0x50] =	vst v0  }
0x27: {  	[tilespmem:s15+$0x60] =	vst v0;
	s15 =	sshra.s32 s16, $0x2;
	s16 =	sadd.s32 $0x200, s16  }
0x28: {  	[tilespmem:s15+$0x70] =	vst v0  }
0x29: {  	[tilespmem:s15+$0x0] =	vst v0  }
0x2a: {  	[tilespmem:s15+$0x10] =	vst v0  }
0x2b: {  	[tilespmem:s15+$0x20] =	vst v0  }
0x2c: {  	[tilespmem:s15+$0x30] =	vst v0  }
0x2d: {  	[tilespmem:s15+$0x40] =	vst v0  }
0x2e: {  	[tilespmem:s15+$0x50] =	vst v0  }
0x2f: {  	[tilespmem:s15+$0x60] =	vst v0  }
0x30: {  	[spmem:s6] =	stream.linear.scatter [tilespmem:s3], [sflag:$0x7], $0x4000, $0x38;
	[tilespmem:$0x1E900] =	vst v63  }
0x31: {  	_ =	swait.ge [sflag:s28], $0x4000  }
0x32: {  	[sflag:s28] =	ssyncset.done $0x0  }
0x33: {  	s8 =	rddreg [dreg:$0x6];
	[sflag:s28] =	ssyncadd.s32 $0xFFFFC000  }
0x34: {  	[spmem:s8] =	stream.linear.scatter [tilespmem:s3], [sflag:$0x7], $0x4000, $0x38;
	[tilespmem:$0x1E900] =	vst v63  }
0x35: {  	_ =	swait.ge [sflag:s28], $0x4000  }
0x36: {  	[sflag:s28] =	ssyncset.done $0x0  }
0x37: {  	s15 =	rddreg [dreg:$0x7];
	[sflag:s28] =	ssyncadd.s32 $0xFFFFC000  }
0x38: {  	[spmem:s15] =	stream.linear.scatter [tilespmem:s3], [sflag:$0x7], $0x4000, $0x38;
	[tilespmem:$0x1E900] =	vst v63  }
0x39: {  	_ =	swait.ge [sflag:s28], $0x4000  }
0x3a: {  	[sflag:s28] =	ssyncset.done $0x0  }
0x3b: {  	s16 =	rddreg [dreg:$0x8];
	[sflag:s28] =	ssyncadd.s32 $0xFFFFC000  }
0x3c: {  	[spmem:s16] =	stream.linear.scatter [tilespmem:s3], [sflag:$0x7], $0x4000, $0x38;
	[tilespmem:$0x1E900] =	vst v63  }
0x3d: {  	_ =	swait.ge [sflag:s28], $0x4000  }
0x3e: {  	[sflag:s28] =	ssyncset.done $0x0  }
0x3f: {  	s17 =	rddreg [dreg:$0x9];
	[sflag:s28] =	ssyncadd.s32 $0xFFFFC000  }
0x40: {  	[spmem:s17] =	stream.linear.scatter [tilespmem:s3], [sflag:$0x7], $0x4000, $0x38;
	[tilespmem:$0x1E900] =	vst v63  }
0x41: {  	_ =	swait.ge [sflag:s28], $0x4000  }
0x42: {  	[sflag:s28] =	ssyncset.done $0x0  }
0x43: {  	s18 =	rddreg [dreg:$0x4];
	[sflag:s28] =	ssyncadd.s32 $0xFFFFC000  }
0x44: {  	[tilespmem:s29], [sflag:$0x7] =	stream.linear.gather [hbm4b:s18+s3], $0x2800, $0x38;
	[tilespmem:$0x1E900] =	vst v63  }
0x45: {  	_ =	swait.ge [sflag:s28], $0x2800  }
0x46: {  	[sflag:s28] =	ssyncset.done $0x0  }
0x47: {  	[sflag:s28] =	ssyncadd.s32 $0xFFFFD800  }
0x48: {  	[bflag:$0x0] =	sbarrier.arrive $0xFFFF  }
0x49: {  	[tilespmem:s3], [sflag:$0x1] =	stream.indirect.gather [hbm4b:s4+s30], $0x80, s29, s30, $0xb8;
	[tilespmem:$0x1E900] =	vst v63  }
0x4a: {  	_ = 	snop  }
0x4b: {  	[tilespmem:s31], [sflag:$0x3] =	stream.linear.gather [hbm4b:s21+s3], $0x80, $0x38;
	[tilespmem:$0x1E900] =	vst v63  }
0x4c: {  	s19 =	simm.s32 $0x8080  }
0x4d: {  	[tilespmem:s0], [sflag:$0x2] =	stream.indirect.gather [hbm4b:s4+s30], $0x80, s19, s30, $0xb8;
	[tilespmem:$0x1E900] =	vst v63  }
0x4e: {  	s15 =	rddreg [dreg:$0xf]  }
0x4f: {  	[tilespmem:s1], [sflag:$0x4] =	stream.linear.gather [hbm4b:s15+s3], $0x80, $0x38;
	[tilespmem:$0x1E900] =	vst v63  }
0x50: {  	_ =	swait.ge [sflag:s7], $0x4000  }
0x51: {  	[sflag:s7] =	ssyncset.done $0x0  }
0x52: {  	[sflag:s7] =	ssyncadd.s32 $0xFFFFC000  }
0x53: {  	_ =	swait.ge [sflag:s9], $0x80  }
0x54: {  	[sflag:s9] =	ssyncset.done $0x0  }
0x55: {  	[sflag:s9] =	ssyncadd.s32 $0xFFFFFF80  }
0x56: {  	[spmem:s2] =	stream.indirect.scatter.add.f32 [tilespmem:s3], [sflag:$0x5], $0x80, s31, s30, $0xb8;
	[tilespmem:$0x1E900] =	vst v63  }
0x57: {  	_ =	swait.ge [sflag:s10], $0x4000  }
0x58: {  	[sflag:s10] =	ssyncset.done $0x0  }
0x59: {  	s16 =	simm.s32 $0x8100;
	[sflag:s10] =	ssyncadd.s32 $0xFFFFC000  }
0x5a: {  	[tilespmem:s3], [sflag:$0x1] =	stream.indirect.gather [hbm4b:s4+s30], $0x80, s16, s30, $0xb8;
	[tilespmem:$0x1E900] =	vst v63  }
0x5b: {  	s17 =	rddreg [dreg:$0x10]  }
0x5c: {  	[tilespmem:s31], [sflag:$0x3] =	stream.linear.gather [hbm4b:s17+s3], $0x80, $0x38;
	[tilespmem:$0x1E900] =	vst v63  }
0x5d: {  	_ =	swait.ge [sflag:s11], $0x4000  }
0x5e: {  	[sflag:s11] =	ssyncset.done $0x0  }
0x5f: {  	[sflag:s11] =	ssyncadd.s32 $0xFFFFC000  }
0x60: {  	_ =	swait.ge [sflag:s12], $0x80  }
0x61: {  	[sflag:s12] =	ssyncset.done $0x0  }
0x62: {  	s15 =	simm.s32 $0x8180;
	[sflag:s12] =	ssyncadd.s32 $0xFFFFFF80  }
0x63: {  	[spmem:s2] =	stream.indirect.scatter.add.f32 [tilespmem:s0], [sflag:$0x6], $0x80, s1, s30, $0xb8;
	[tilespmem:$0x1E900] =	vst v63  }
0x64: {  	s16 =	sadd.s32 $0x40, s20;
	s17 =	simm.s32 $0x30;
	_ =	swait.ge [sflag:s13], $0x4000  }
0x65: {  	s18 =	sadd.s32 $0xFFFFFFE0, s16;
	s17 =	sand.u32 $0x70, s17;
	[sflag:s13] =	ssyncset.done $0x0  }
0x66: {  	s18 =	sand.u32 $0xFFFFF80, s18;
	s17 =	sadd.s32 s5, s17;
	[sflag:s13] =	ssyncadd.s32 $0xFFFFC000  }
0x67: {  	[tilespmem:s0], [sflag:$0x2] =	stream.indirect.gather [hbm4b:s4+s30], $0x80, s15, s30, $0xb8;
	[tilespmem:$0x1E900] =	vst v63  }
0x68: {  	s17 =	sadd.s32 s18, s17  }
0x69: {  	[tilespmem:s1], [sflag:$0x4] =	stream.linear.gather [hbm4b:s17+s3], $0x80, $0x38;
	[tilespmem:$0x1E900] =	vst v63  }
0x6a: {  	_ =	swait.ge [sflag:s7], $0x4000  }
0x6b: {  	[sflag:s7] =	ssyncset.done $0x0  }
0x6c: {  	[sflag:s7] =	ssyncadd.s32 $0xFFFFC000  }
0x6d: {  	_ =	swait.ge [sflag:s9], $0x80  }
0x6e: {  	[sflag:s9] =	ssyncset.done $0x0  }
0x6f: {  	[sflag:s9] =	ssyncadd.s32 $0xFFFFFF80  }
0x70: {  	[spmem:s2] =	stream.indirect.scatter.add.f32 [tilespmem:s3], [sflag:$0x5], $0x80, s31, s30, $0xb8;
	[tilespmem:$0x1E900] =	vst v63  }
0x71: {  	s19 =	simm.s32 $0x40;
	_ =	swait.ge [sflag:s10], $0x4000  }
0x72: {  	s16 =	sand.u32 $0xFFFFF80, s16;
	s17 =	sand.u32 $0x60, s19;
	[sflag:s10] =	ssyncset.done $0x0  }
0x73: {  	s18 =	simm.s32 $0x8200;
	s17 =	sadd.s32 s5, s17;
	[sflag:s10] =	ssyncadd.s32 $0xFFFFC000  }
0x74: {  	[tilespmem:s3], [sflag:$0x1] =	stream.indirect.gather [hbm4b:s4+s30], $0x80, s18, s30, $0xb8;
	[tilespmem:$0x1E900] =	vst v63  }
0x75: {  	s16 =	sadd.s32 s16, s17  }
0x76: {  	[tilespmem:s31], [sflag:$0x3] =	stream.linear.gather [hbm4b:s16+s3], $0x80, $0x38;
	[tilespmem:$0x1E900] =	vst v63  }
0x77: {  	_ =	swait.ge [sflag:s11], $0x4000  }
0x78: {  	[sflag:s11] =	ssyncset.done $0x0  }
0x79: {  	[sflag:s11] =	ssyncadd.s32 $0xFFFFC000  }
0x7a: {  	_ =	swait.ge [sflag:s12], $0x80  }
0x7b: {  	s16 =	simm.s32 $0x60;
	[sflag:s12] =	ssyncset.done $0x0  }
.LBB2_4:
0x7c: {  	p0 =	sne.s32 s16, $0x4E0  }
0x7d: {  	[sflag:s12] =	ssyncadd.s32 $0xFFFFFF80;
	s15 =	sadd.s32 $0x100, s15;
	s17 =	smov.u32 s16  }
0x7e: {  	[spmem:s2] =	stream.indirect.scatter.add.f32 [tilespmem:s0], [sflag:$0x6], $0x80, s1, s30, $0xb8;
	[tilespmem:$0x1E900] =	vst v63  }
0x7f: {  	s18 =	sadd.s32 s16, s20;
	s8 =	sadd.s32 $0xFFFFFFF0, s16;
	_ =	swait.ge [sflag:s13], $0x4000  }
0x80: {  	s19 =	sadd.s32 $0xFFFFFFE0, s18;
	s8 =	sand.u32 $0x70, s8;
	[sflag:s13] =	ssyncset.done $0x0  }
0x81: {  	s19 =	sand.u32 $0xFFFFF80, s19;
	s8 =	sadd.s32 s5, s8;
	[sflag:s13] =	ssyncadd.s32 $0xFFFFC000  }
0x82: {  	[tilespmem:s0], [sflag:$0x2] =	stream.indirect.gather [hbm4b:s4+s30], $0x80, s15, s30, $0xb8;
	[tilespmem:$0x1E900] =	vst v63  }
0x83: {  	s16 =	sadd.s32 $0x20, s16;
	s18 =	sand.u32 $0xFFFFF80, s18;
	s8 =	sadd.s32 s19, s8  }
0x84: {  	[tilespmem:s1], [sflag:$0x4] =	stream.linear.gather [hbm4b:s8+s3], $0x80, $0x38;
	[tilespmem:$0x1E900] =	vst v63  }
0x85: {  	_ =	swait.ge [sflag:s7], $0x4000  }
0x86: {  	[sflag:s7] =	ssyncset.done $0x0  }
0x87: {  	[sflag:s7] =	ssyncadd.s32 $0xFFFFC000  }
0x88: {  	_ =	swait.ge [sflag:s9], $0x80  }
0x89: {  	[sflag:s9] =	ssyncset.done $0x0  }
0x8a: {  	[sflag:s9] =	ssyncadd.s32 $0xFFFFFF80  }
0x8b: {  	[spmem:s2] =	stream.indirect.scatter.add.f32 [tilespmem:s3], [sflag:$0x5], $0x80, s31, s30, $0xb8;
	[tilespmem:$0x1E900] =	vst v63  }
0x8c: {  	s8 =	sand.u32 $0x60, s17;
	_ =	swait.ge [sflag:s10], $0x4000  }
0x8d: {  	s17 =	sadd.s32 $0x80, s15;
	s8 =	sadd.s32 s5, s8;
	[sflag:s10] =	ssyncset.done $0x0  }
0x8e: {  	s8 =	sadd.s32 s18, s8;
	[sflag:s10] =	ssyncadd.s32 $0xFFFFC000  }
0x8f: {  	[tilespmem:s3], [sflag:$0x1] =	stream.indirect.gather [hbm4b:s4+s30], $0x80, s17, s30, $0xb8;
	[tilespmem:$0x1E900] =	vst v63  }
0x90: {  	_ = 	snop  }
0x91: {  	[tilespmem:s31], [sflag:$0x3] =	stream.linear.gather [hbm4b:s8+s3], $0x80, $0x38;
	[tilespmem:$0x1E900] =	vst v63  }
.Ltmp1:
0x92: {  	_ =	swait.ge [sflag:s11], $0x4000;
	(pc) =	sbr.rel @p0 .LBB2_4-.Ltmp1, $4  }
0x93: {  	[sflag:s11] =	ssyncset.done $0x0  }
0x94: {  	[sflag:s11] =	ssyncadd.s32 $0xFFFFC000  }
0x95: {  	_ =	swait.ge [sflag:s12], $0x80  }
0x96: {  	[sflag:s12] =	ssyncset.done $0x0  }
0x97: {  	[sflag:s12] =	ssyncadd.s32 $0xFFFFFF80  }
0x98: {  	[spmem:s2] =	stream.indirect.scatter.add.f32 [tilespmem:s0], [sflag:$0x6], $0x80, s1, s30, $0xb8;
	[tilespmem:$0x1E900] =	vst v63  }
0x99: {  	_ =	swait.ge [sflag:s13], $0x4000  }
0x9a: {  	[sflag:s13] =	ssyncset.done $0x0  }
0x9b: {  	s8 =	simm.s32 $0xA780;
	[sflag:s13] =	ssyncadd.s32 $0xFFFFC000  }
0x9c: {  	[tilespmem:s0], [sflag:$0x2] =	stream.indirect.gather [hbm4b:s4+s30], $0x80, s8, s30, $0xb8;
	[tilespmem:$0x1E900] =	vst v63  }
0x9d: {  	_ = 	snop  }
0x9e: {  	[tilespmem:s1], [sflag:$0x4] =	stream.linear.gather [hbm4b:s26+s3], $0x80, $0x38;
	[tilespmem:$0x1E900] =	vst v63  }
0x9f: {  	_ =	swait.ge [sflag:s7], $0x4000  }
0xa0: {  	[sflag:s7] =	ssyncset.done $0x0  }
0xa1: {  	[sflag:s7] =	ssyncadd.s32 $0xFFFFC000  }
0xa2: {  	_ =	swait.ge [sflag:s9], $0x80  }
0xa3: {  	[sflag:s9] =	ssyncset.done $0x0  }
0xa4: {  	[sflag:s9] =	ssyncadd.s32 $0xFFFFFF80  }
0xa5: {  	[spmem:s2] =	stream.indirect.scatter.add.f32 [tilespmem:s3], [sflag:$0x5], $0x80, s31, s30, $0xb8;
	[tilespmem:$0x1E900] =	vst v63  }
0xa6: {  	_ =	swait.ge [sflag:s10], $0x4000  }
0xa7: {  	[sflag:s10] =	ssyncset.done $0x0  }
0xa8: {  	[sflag:s10] =	ssyncadd.s32 $0xFFFFC000  }
0xa9: {  	_ =	swait.ge [sflag:s11], $0x4000  }
0xaa: {  	[sflag:s11] =	ssyncset.done $0x0  }
0xab: {  	[sflag:s11] =	ssyncadd.s32 $0xFFFFC000  }
0xac: {  	_ =	swait.ge [sflag:s12], $0x80  }
0xad: {  	[sflag:s12] =	ssyncset.done $0x0  }
0xae: {  	[sflag:s12] =	ssyncadd.s32 $0xFFFFFF80  }
0xaf: {  	[spmem:s2] =	stream.indirect.scatter.add.f32 [tilespmem:s0], [sflag:$0x6], $0x80, s1, s30, $0xb8;
	[tilespmem:$0x1E900] =	vst v63  }
0xb0: {  	_ =	swait.ge [sflag:s13], $0x4000  }
0xb1: {  	[sflag:s13] =	ssyncset.done $0x0  }
0xb2: {  	[sflag:s13] =	ssyncadd.s32 $0xFFFFC000  }
0xb3: {  	[bflag:$0x0] =	sbarrier.arrive $0xFFFF  }
0xb4: {  	[tilespmem:s3], [sflag:$0x7] =	stream.linear.gather [spmem:s6], $0x4000, $0x38;
	[tilespmem:$0x1E900] =	vst v63  }
0xb5: {  	_ =	swait.ge [sflag:s28], $0x4000  }
0xb6: {  	[sflag:s28] =	ssyncset.done $0x0  }
0xb7: {  	s19 =	rddreg [dreg:$0xa];
	[sflag:s28] =	ssyncadd.s32 $0xFFFFC000  }
0xb8: {  	[hbm4b:s19+s3] =	stream.linear.scatter [tilespmem:s3], [sflag:$0x7], $0x4000, $0x38;
	[tilespmem:$0x1E900] =	vst v63  }
0xb9: {  	_ =	swait.ge [sflag:s28], $0x4000  }
0xba: {  	[sflag:s28] =	ssyncset.done $0x0  }
0xbb: {  	[sflag:s28] =	ssyncadd.s32 $0xFFFFC000  }
0xbc: {  	[tilespmem:s3], [sflag:$0x7] =	stream.linear.gather [spmem:s22], $0x4000, $0x38;
	[tilespmem:$0x1E900] =	vst v63  }
0xbd: {  	_ =	swait.ge [sflag:s28], $0x4000  }
0xbe: {  	[sflag:s28] =	ssyncset.done $0x0  }
0xbf: {  	s15 =	rddreg [dreg:$0xb];
	[sflag:s28] =	ssyncadd.s32 $0xFFFFC000  }
0xc0: {  	[hbm4b:s15+s3] =	stream.linear.scatter [tilespmem:s3], [sflag:$0x7], $0x4000, $0x38;
	[tilespmem:$0x1E900] =	vst v63  }
0xc1: {  	_ =	swait.ge [sflag:s28], $0x4000  }
0xc2: {  	[sflag:s28] =	ssyncset.done $0x0  }
0xc3: {  	[sflag:s28] =	ssyncadd.s32 $0xFFFFC000  }
0xc4: {  	[tilespmem:s3], [sflag:$0x7] =	stream.linear.gather [spmem:s23], $0x4000, $0x38;
	[tilespmem:$0x1E900] =	vst v63  }
0xc5: {  	_ =	swait.ge [sflag:s28], $0x4000  }
0xc6: {  	[sflag:s28] =	ssyncset.done $0x0  }
0xc7: {  	s16 =	rddreg [dreg:$0xc];
	[sflag:s28] =	ssyncadd.s32 $0xFFFFC000  }
0xc8: {  	[hbm4b:s16+s3] =	stream.linear.scatter [tilespmem:s3], [sflag:$0x7], $0x4000, $0x38;
	[tilespmem:$0x1E900] =	vst v63  }
0xc9: {  	_ =	swait.ge [sflag:s28], $0x4000  }
0xca: {  	[sflag:s28] =	ssyncset.done $0x0  }
0xcb: {  	[sflag:s28] =	ssyncadd.s32 $0xFFFFC000  }
0xcc: {  	[tilespmem:s3], [sflag:$0x7] =	stream.linear.gather [spmem:s24], $0x4000, $0x38;
	[tilespmem:$0x1E900] =	vst v63  }
0xcd: {  	_ =	swait.ge [sflag:s28], $0x4000  }
0xce: {  	[sflag:s28] =	ssyncset.done $0x0  }
0xcf: {  	s17 =	rddreg [dreg:$0xd];
	[sflag:s28] =	ssyncadd.s32 $0xFFFFC000  }
0xd0: {  	[hbm4b:s17+s3] =	stream.linear.scatter [tilespmem:s3], [sflag:$0x7], $0x4000, $0x38;
	[tilespmem:$0x1E900] =	vst v63  }
0xd1: {  	_ =	swait.ge [sflag:s28], $0x4000  }
0xd2: {  	[sflag:s28] =	ssyncset.done $0x0  }
0xd3: {  	[sflag:s28] =	ssyncadd.s32 $0xFFFFC000  }
0xd4: {  	[tilespmem:s3], [sflag:$0x7] =	stream.linear.gather [spmem:s25], $0x4000, $0x38;
	[tilespmem:$0x1E900] =	vst v63  }
0xd5: {  	_ =	swait.ge [sflag:s28], $0x4000  }
0xd6: {  	[sflag:s28] =	ssyncset.done $0x0  }
0xd7: {  	s18 =	rddreg [dreg:$0xe];
	[sflag:s28] =	ssyncadd.s32 $0xFFFFC000  }
0xd8: {  	[hbm4b:s18+s3] =	stream.linear.scatter [tilespmem:s3], [sflag:$0x7], $0x4000, $0x38;
	[tilespmem:$0x1E900] =	vst v63  }
0xd9: {  	_ =	swait.ge [sflag:s28], $0x4000  }
0xda: {  	s14 =	sadd.s32 $0x1, s14;
	s19 =	rddreg [dreg:$0x5]  }
0xdb: {  	p0 =	sne.s32 s14, s19  }
.Ltmp2:
0xdc: {  	_ = 	snop;
	(pc) =	sbr.rel @p0 .LBB2_1-.Ltmp2, $3  }
0xdd: {  	_ =	sdelay $0x1  }
0xde: {  	[sflag:s28] =	ssyncset.done $0x0  }
0xdf: {  	[sflag:s28] =	ssyncadd.s32 $0xFFFFC000  }
0xe0: {  	_ =	sfence.sel $0x180000  }
0xe1: {  	[bflag:$0x0] =	sbarrier.arrive $0xFFFF  }
0xe2: {  	_ =	strace $0x9000004D  }
0xe3: {  	s0 =	stileid.u32;
	[bflag:$0x2] =	sbarrier.arrive $0xFFFF  }
0xe4: {  	p0 =	sne.s32 s0, $0x0;
	s0 =	rddreg [dreg:$0x3]  }
0xe5: {  	s0 =	sadd.s32 @!p0 $0x100000, s0  }
0xe6: {  	[sflag:s0] =	ssyncadd.tile.s32 @!p0 $0x1;
	_ =	shalt  }
.Lfunc_end2:
_tile_overlayer_lowered:
.L_overlay_start_2:
0xe7: {  	(tag) =	ssettag $0x2  }
0xe8: {  	s0 =	rddreg [dreg:$0x0];
	s2 =	stileid.u32  }
0xe9: {  	s1 =	rddreg [dreg:$0x1];
	p0 =	sne.s32 s2, $0x0  }
0xea: {  	s3 =	rddreg [dreg:$0x2];
	[bflag:$0x3] =	sbarrier.arrive $0xFFFF;
	s2 =	simm.s32 @!p0 $0x1C07  }
0xeb: {  	[timem:s3], [sflag:s2] =	dma.local @!p0 [hbm:s0], s1  }
0xec: {  	s0 =	simm.s32 @!p0 $0x7  }
0xed: {  	_ =	swait.ge @!p0 [sflag:s0], s1  }
0xee: {  	s1 =	ssub.s32 @!p0 $0x0, s1;
	[sflag:s0] =	ssyncset.done @!p0 $0x0  }
0xef: {  	[sflag:s0] =	ssyncadd.s32 @!p0 s1  }
0xf0: {  	[bflag:$0x3] =	sbarrier.arrive $0xFFFF  }
0xf1: {  	_ =	shalt  }

// kernel: kernel.19.cloned.1.call-start
scs
__scs_entry_jumppad:
0x0: {  	(pc) =	sbr.rel $0x88, $3  }
0x1: {  	(tag) =	ssettag $0x0;
	lr =	simm.s32 $0x1  }
0x2: {  	[smem:$0x3F99] =	sst lr;
	_ =	strace $0xD0000000  }
0x3: {  	_ = 	snop  }
0x4: {  	_ = 	snop  }
0x5: {  	_ = 	snop  }
0x6: {  	_ = 	snop  }
0x7: {  	_ = 	snop  }
__scs_overlays_trampoline_lowered:
0x8: {  	[smem:$0x3FA8] =	sst s0  }
0x9: {  	[smem:$0x3FA9] =	sst s1  }
0xa: {  	[smem:$0x3FAA] =	sst s2  }
0xb: {  	[smem:$0x3FAB] =	sst s3  }
0xc: {  	[smem:$0x3FAC] =	sst s4  }
0xd: {  	[smem:$0x3FAD] =	sst s5  }
0xe: {  	[smem:$0x3FAE] =	sst s6  }
0xf: {  	[smem:$0x3FAF] =	sst s7  }
0x10: {  	[smem:$0x3FB0] =	sst s8  }
0x11: {  	[smem:$0x3FB1] =	sst s9;
	s0 =	simm.s32 @!p0 $0x0  }
0x12: {  	s1 =	sld [smem:$0x3F97];
	s0 =	simm.s32 @p0 $0x1  }
0x13: {  	[smem:$0x3FB2] =	sst s0;
	s0 =	simm.s32 @!p1 $0x0  }
0x14: {  	s2 =	sld [smem:$0x3F96];
	s0 =	simm.s32 @p1 $0x1  }
0x15: {  	[smem:$0x3FB3] =	sst s0;
	s0 =	simm.s32 @!p2 $0x0  }
0x16: {  	s3 =	sld [smem:$0x3FDB];
	s0 =	simm.s32 @p2 $0x1  }
0x17: {  	s4 =	simm.s32 $0x1BF5;
	[smem:$0x3FB5] =	sst s0  }
0x18: {  	s0 =	sld [smem:$0x3F98];
	_ =	swait.ge [sflag:s4], $0x0  }
0x19: {  	s7 =	sld [smem:$0x3F99]  }
0x1a: {  	s8 =	sadd.s32 $0xFFFFE003, lr  }
0x1b: {  	s9 =	sadd.s32 $0xFFFFFEF7, lr;
	s5 =	simm.s32 $0xFFFFFFFF;
	p2 =	slt.u32 s8, $0xFFFFF086  }
0x1c: {  	p1 =	slt.u32 s9, $0xF7A;
	s5 =	simm.s32 @!p2 $0x0  }
0x1d: {  	s5 =	simm.s32 @p1 $0x1;
	p0 =	seq.s32 s7, s2  }
0x1e: {  	s7 =	smul.u32 @!p0 $0xF7A, s2;
	p2 =	seq.s32 @!p0 s5, $0x0  }
0x1f: {  	s9 =	smul.u32 $0xF7A, s1;
	s8 =	simm.s32 @!p0 $0x1BF5;
	p2 =	por !p2, p0  }
0x20: {  	[sflag:s8] =	ssyncset.s32 @!p0 $0xFFFFF086;
	s6 =	sadd.s32 @!p0 s3, s7;
	s7 =	simm.s32 @!p0 $0x108  }
0x21: {  	s3 =	sadd.s32 s3, s9;
	s6 =	sadd.s32 @!p0 $0x88, s6;
	s7 =	simm.s32 @p2 $0x1082  }
0x22: {  	[simem:s7], [sflag:s8] =	dma.local @!p0 [hbm:s6], $0xF7A  }
0x23: {  	s9 =	sor.u32 $0xD0000000, s2;
	s6 =	simm.s32 $0x108;
	_ =	swait.ge @!p0 [sflag:s8], $0x0  }
0x24: {  	s3 =	sadd.s32 $0x88, s3;
	s6 =	simm.s32 @!p1 $0x1082;
	[sflag:s4] =	ssyncset.s32 $0xFFFFF086  }
0x25: {  	[simem:s6], [sflag:s4] =	dma.local [hbm:s3], $0xF7A  }
0x26: {  	[smem:$0x3F99] =	sst s1;
	(tag) =	ssettag s2;
	_ =	strace s9  }
0x27: {  	s1 =	sld [smem:$0x3FA9]  }
0x28: {  	s2 =	sld [smem:$0x3FAA]  }
0x29: {  	s4 =	sld [smem:$0x3FAC]  }
0x2a: {  	p0 =	seq.s32 s5, $0x0;
	s5 =	sld [smem:$0x3FAD]  }
0x2b: {  	s6 =	sld [smem:$0x3FAE]  }
0x2c: {  	s7 =	sld [smem:$0x3FAF]  }
0x2d: {  	s3 =	simm.s32 $0x108;
	s8 =	sld [smem:$0x3FB0]  }
0x2e: {  	s3 =	simm.s32 @!p0 $0x1082;
	s9 =	sld [smem:$0x3FB1]  }
0x2f: {  	lr =	sadd.s32 s0, s3;
	s0 =	sld [smem:$0x3FA8]  }
0x30: {  	s3 =	sld [smem:$0x3FAB]  }
0x31: {  	[smem:$0x3FB4] =	sst s10  }
0x32: {  	s10 =	sld [smem:$0x3FB2];
	_ =	sdelay $0x3  }
0x33: {  	p0 =	seq.s32 s10, $0x1;
	s10 =	sld [smem:$0x3FB4];
	_ =	sdelay $0x3  }
0x34: {  	[smem:$0x3FB4] =	sst s10  }
0x35: {  	s10 =	sld [smem:$0x3FB3];
	_ =	sdelay $0x3  }
0x36: {  	p1 =	seq.s32 s10, $0x1;
	s10 =	sld [smem:$0x3FB4];
	_ =	sdelay $0x3  }
0x37: {  	[smem:$0x3FB4] =	sst s10  }
0x38: {  	s10 =	sld [smem:$0x3FB5]  }
0x39: {  	_ = 	snop;
	(pc) =	sbr.ind lr, $3  }
0x3a: {  	_ = 	snop  }
0x3b: {  	_ = 	snop  }
0x3c: {  	p2 =	seq.s32 s10, $0x1;
	s10 =	sld [smem:$0x3FB4]  }
0x3d: {  	_ =	shalt  }
0x3e: {  	_ =	shalt  }
0x3f: {  	_ =	shalt  }
0x40: {  	_ =	shalt  }
0x41: {  	_ =	shalt  }
0x42: {  	_ =	shalt  }
0x43: {  	_ =	shalt  }
0x44: {  	_ =	shalt  }
0x45: {  	_ =	shalt  }
0x46: {  	_ =	shalt  }
0x47: {  	_ =	shalt  }
0x48: {  	_ =	shalt  }
0x49: {  	_ =	shalt  }
0x4a: {  	_ =	shalt  }
0x4b: {  	_ =	shalt  }
0x4c: {  	_ =	shalt  }
0x4d: {  	_ =	shalt  }
0x4e: {  	_ =	shalt  }
0x4f: {  	_ =	shalt  }
0x50: {  	_ =	shalt  }
0x51: {  	_ =	shalt  }
0x52: {  	_ =	shalt  }
0x53: {  	_ =	shalt  }
0x54: {  	_ =	shalt  }
0x55: {  	_ =	shalt  }
0x56: {  	_ =	shalt  }
0x57: {  	_ =	shalt  }
0x58: {  	_ =	shalt  }
0x59: {  	_ =	shalt  }
0x5a: {  	_ =	shalt  }
0x5b: {  	_ =	shalt  }
0x5c: {  	_ =	shalt  }
0x5d: {  	_ =	shalt  }
0x5e: {  	_ =	shalt  }
0x5f: {  	_ =	shalt  }
0x60: {  	_ =	shalt  }
0x61: {  	_ =	shalt  }
0x62: {  	_ =	shalt  }
0x63: {  	_ =	shalt  }
0x64: {  	_ =	shalt  }
0x65: {  	_ =	shalt  }
0x66: {  	_ =	shalt  }
0x67: {  	_ =	shalt  }
0x68: {  	_ =	shalt  }
0x69: {  	_ =	shalt  }
0x6a: {  	_ =	shalt  }
0x6b: {  	_ =	shalt  }
0x6c: {  	_ =	shalt  }
0x6d: {  	_ =	shalt  }
0x6e: {  	_ =	shalt  }
0x6f: {  	_ =	shalt  }
0x70: {  	_ =	shalt  }
0x71: {  	_ =	shalt  }
0x72: {  	_ =	shalt  }
0x73: {  	_ =	shalt  }
0x74: {  	_ =	shalt  }
0x75: {  	_ =	shalt  }
0x76: {  	_ =	shalt  }
0x77: {  	_ =	shalt  }
0x78: {  	_ =	shalt  }
0x79: {  	_ =	shalt  }
0x7a: {  	_ =	shalt  }
0x7b: {  	_ =	shalt  }
0x7c: {  	_ =	shalt  }
0x7d: {  	_ =	shalt  }
0x7e: {  	_ =	shalt  }
0x7f: {  	_ =	shalt  }
0x80: {  	_ =	shalt  }
0x81: {  	_ =	shalt  }
0x82: {  	_ =	shalt  }
0x83: {  	_ =	shalt  }
0x84: {  	_ =	shalt  }
0x85: {  	_ =	shalt  }
0x86: {  	_ =	shalt  }
0x87: {  	_ =	shalt  }
.Lfunc_end0:
.L_simem_size_0:
called_computation.3_lowered:
.L_overlay_start_0:
0x88: {  	s2 =	sld [smem:$0x3FD9]  }
0x89: {  	s3 =	sld [smem:$0x3FFE];
	_ =	sdelay $0x1  }
0x8a: {  	s1 =	srdreg.scid  }
0x8b: {  	s0 =	sand.u32 $0x1, s1  }
0x8c: {  	s17 =	sshll.u32 s0, $0xA;
	s2 =	sadd.s32 s3, s2  }
0x8d: {  	s2 =	sadd.s32 s2, s17  }
0x8e: {  	[smem:$0x3FC0] =	sst s2  }
0x8f: {  	_ = 	snop  }
0x90: {  	s2 =	sld [smem:$0x3FD0];
	(tm) =	ssettm $0x1  }
0x91: {  	s18 =	sld [smem:$0x3FFB];
	_ =	sdelay $0x3  }
0x92: {  	_ =	strace s18  }
0x93: {  	s3 =	sld [smem:$0x3FFC];
	_ =	sdelay $0x3  }
0x94: {  	_ =	strace s3  }
0x95: {  	s3 =	sld [smem:$0x3FFD];
	_ =	sdelay $0x3  }
0x96: {  	_ =	strace s3  }
0x97: {  	_ =	strace $0x8FFFFFFF  }
0x98: {  	s19 =	sld [smem:$0x3FDB];
	_ =	sdelay $0x1  }
0x99: {  	s4 =	simm.s32 $_scs_section_size  }
0x9a: {  	s5 =	simm.s32 $_size__tile_overlayer_lowered;
	s6 =	simm.s32 $_tile_overlayer_lowered  }
0x9b: {  	s22 =	simm.s32 $0x1BFF;
	s21 =	sshll.u32 s6, $0x1;
	s3 =	sadd.s32 s4, s19  }
0x9c: {  	s7 =	simm.s32 $0x0;
	s20 =	sshll.u32 s5, $0x1;
	s5 =	sadd.s32 s21, s3  }
0x9d: {  	[timem:s7], [sflag:s22] =	dma.local [hbm:s5], s20  }
0x9e: {  	_ =	swait.ge [sflag:s22], s20  }
0x9f: {  	s4 =	ssub.s32 $0x0, s20;
	[sflag:s22] =	ssyncset.done $0x0  }
0xa0: {  	[sflag:s22] =	ssyncadd.s32 s4;
	_ =	sdelay $0x1  }
0xa1: {  	s23 =	simm.s32 $0x1B8B  }
0xa2: {  	_ =	swait.ge [sflag:s23], $0x1  }
0xa3: {  	[sflag:s23] =	ssyncset.done $0x0  }
0xa4: {  	s25 =	simm.s32 $0x1B8E;
	s24 =	sld [smem:$0x3FFE];
	[sflag:s23] =	ssyncadd.s32 $0xFFFFFFFF  }
0xa5: {  	s26 =	simm.s32 $execute0_lowered;
	[smem:$0x3FD2] =	sst s25  }
0xa6: {  	s5 =	sshll.u32 s26, $0x1;
	_ =	strace $0x8000004F;
	[dreg:$0x1] =	wrdreg $0xFFFFFFFF  }
0xa7: {  	s28 =	simm.s32 $_size_execute0_lowered;
	s3 =	sadd.s32 s3, s5;
	[dreg:$0x0] =	wrdreg $0x0  }
0xa8: {  	s5 =	sshll.u32 s28, $0x1;
	[dreg:$0x2] =	wrdreg s3  }
0xa9: {  	[dreg:$0x3] =	wrdreg s5  }
0xaa: {  	[dreg:$0x4] =	wrdreg $0xC0  }
0xab: {  	_ =	task [dreg:s7], $0x5FFFF  }
0xac: {  	[dreg:$0x1] =	wrdreg $0xFFFFFFFF  }
0xad: {  	[dreg:$0x0] =	wrdreg $0x60  }
0xae: {  	[dreg:$0x2] =	wrdreg s24  }
0xaf: {  	[dreg:$0x3] =	wrdreg s2  }
0xb0: {  	[dreg:$0x4] =	wrdreg $0x9  }
0xb1: {  	_ =	task.clear_ibuf [dreg:s7], $0x5FFFF;
	_ =	strace $0x9000004F  }
0xb2: {  	s29 =	simm.s32 $0x9;
	_ =	strace $0x80000051  }
0xb3: {  	_ =	swait.ge [sflag:s29], $0x1  }
0xb4: {  	[sflag:s29] =	ssyncadd.s32 $0xFFFFFFFF  }
0xb5: {  	_ =	strace $0x90000051  }
0xb6: {  	_ =	sfence  }
0xb7: {  	s30 =	sld [smem:$0x0];
	_ =	sdelay $0x2  }
0xb8: {  	s31 =	sshll.u32 s1, $0xD;
	s1 =	sshrl.u32 s1, $0x2  }
0xb9: {  	s3 =	sand.u32 $0x4000, s31;
	s1 =	sadd.s32 s1, s30  }
0xba: {  	s0 =	sor.u32 s3, s0;
	s1 =	sshll.u32 s1, $0x11  }
0xbb: {  	s0 =	sor.u32 s1, s0  }
0xbc: {  	s0 =	sadd.s32 $0x8F2B, s0  }
0xbd: {  	[sflag:s0] =	ssyncadd.remote.s32 $0x1  }
0xbe: {  	_ =	sfence.sel $0xFFFF  }
0xbf: {  	[dreg:$0x0] =	wrdreg $0xFFFFFFFF;
	(pc) =	sbr.abs _section_cstart, $3  }
0xc0: {  	[dreg:$0x1] =	wrdreg $0xFFFFFFFF  }
0xc1: {  	_ =	task.clear_ibuf [dreg:s7], $0x2FFFF;
	_ =	strace $0x9FFFFFFF  }
0xc2: {  	(tm) =	ssettm $0x7FFFFFFF  }
0xc3: {  	_ =	shalt  }
tec
execute0_lowered:
.L_overlay_start_1:
0x0: {  	(tag) =	ssettag $0x1  }
0x1: {  	s6 =	rddreg [dreg:$0x0];
	s1 =	srdreg.scid  }
0x2: {  	s0 =	stileid.u32;
	s2 =	rddreg [dreg:$0x1];
	s3 =	simm.s32 $0x0  }
0x3: {  	s13 =	simm.s32 $0x80;
	s14 =	simm.s32 $0x4F00;
	s15 =	simm.s32 $0xCF00  }
0x4: {  	s16 =	simm.s32 $0x8F00;
	s17 =	simm.s32 $0x10F00;
	s18 =	simm.s32 $0x1  }
0x5: {  	s19 =	simm.s32 $0x3;
	s20 =	simm.s32 $0x2;
	s21 =	simm.s32 $0x4  }
0x6: {  	s22 =	simm.s32 $0x14F00;
	s7 =	sand.u32 $0x1, s1;
	s4 =	sshll.u32 s0, $0x1  }
0x7: {  	s23 =	simm.s32 $0x0;
	s1 =	rddreg [dreg:$0x2];
	s8 =	sor.u32 s7, s4  }
0x8: {  	s30 =	simm.s32 $0x0;
	[smem:$0x7FF] =	sst s3;
	s4 =	smul.u32 $0x2710, s8  }
0x9: {  	s5 =	sadd.s32 $0x17600, s6;
	s7 =	ssub.s32 $0x2, s7;
	s9 =	smul.u32 $0x27100, s8  }
0xa: {  	_ =	strace $0x80000050;
	s31 =	sshrl.u32 s7, $0x1;
	s10 =	sshrl.u32 s4, $0x3  }
0xb: {  	s12 =	smul.u32 $0x4E20, s8;
	s9 =	sshrl.u32 s9, $0x3;
	s10 =	sadd.s32 s10, s6  }
0xc: {  	s11 =	ssub.s32 s7, s31;
	s9 =	sadd.s32 s2, s9;
	s6 =	sadd.s32 $0xD800, s10  }
0xd: {  	s7 =	sadd.s32 $0x3A00, s10;
	s8 =	sadd.s32 $0x4D20, s9;
	s9 =	smax.u32 s11, $0x1  }
0xe: {  	s10 =	sadd.s32 s2, s12;
	s11 =	simm.s32 $0x5;
	s12 =	simm.s32 $0x2780  }
.LBB2_1:
0xf: {  	[tilespmem:s3], [sflag:$0x5] =	stream.linear.gather [hbm4b:s6+s3], $0x2710, $0x38;
	[tilespmem:$0x15700] =	vst v63  }
0x10: {  	_ =	swait.ge [sflag:s11], $0x2710  }
0x11: {  	[sflag:s11] =	ssyncset.done $0x0  }
0x12: {  	[sflag:s11] =	ssyncadd.s32 $0xFFFFD8F0  }
0x13: {  	[tilespmem:s12], [sflag:$0x5] =	stream.linear.gather [hbm4b:s7+s3], $0x2710, $0x38;
	[tilespmem:$0x15700] =	vst v63  }
0x14: {  	_ =	swait.ge [sflag:s11], $0x2710  }
0x15: {  	[sflag:s11] =	ssyncset.done $0x0  }
0x16: {  	[sflag:s11] =	ssyncadd.s32 $0xFFFFD8F0  }
0x17: {  	[tilespmem:s14], [sflag:$0x1] =	stream.indirect.gather [hbm4b:s5+s13], $0x80, s3, s13, $0xb8;
	[tilespmem:$0x15700] =	vst v63  }
0x18: {  	s24 =	simm.s32 $0x0  }
0x19: {  	[tilespmem:s15], [sflag:$0x3] =	stream.indirect.gather [hbm4b:s5+s13], $0x80, s12, s13, $0xb8;
	[tilespmem:$0x15700] =	vst v63  }
.LBB2_2:
0x1a: {  	s25 =	sshllo.u32 s24, $0x1  }
0x1b: {  	s26 =	sshll.u32 s25, $0x7  }
0x1c: {  	[tilespmem:s16], [sflag:$0x2] =	stream.indirect.gather [hbm4b:s5+s13], $0x80, s26, s13, $0xb8;
	[tilespmem:$0x15700] =	vst v63  }
0x1d: {  	s26 =	sadd.s32 $0x2780, s26  }
0x1e: {  	[tilespmem:s17], [sflag:$0x4] =	stream.indirect.gather [hbm4b:s5+s13], $0x80, s26, s13, $0xb8;
	[tilespmem:$0x15700] =	vst v63  }
0x1f: {  	_ =	swait.ge [sflag:s18], $0x4000  }
0x20: {  	[sflag:s18] =	ssyncset.done $0x0  }
0x21: {  	[sflag:s18] =	ssyncadd.s32 $0xFFFFC000  }
0x22: {  	_ =	swait.ge [sflag:s19], $0x4000  }
0x23: {  	[sflag:s19] =	ssyncset.done $0x0  }
0x24: {  	s31 =	simm.s32 $0x0;
	[sflag:s19] =	ssyncadd.s32 $0xFFFFC000  }
0x25: {  	v0 =	vld [tilespmem:s31+$0xCF10]  }
0x26: {  	v1 =	vld [tilespmem:s31+$0x4F00];
	_ =	sdelay $0x4  }
0x27: {  	v0 =	vadd.f32 v0, v1  }
0x28: {  	s26 =	simm.s32 $0x14F00  }
0x29: {  	s29 =	simm.s32 $0x80;
	[tilespmem:s26+$0x0] =	vst v0  }
0x2a: {  	s28 =	simm.s32 $0x400;
	v0 =	vld [tilespmem:s29+$0xCF10]  }
.LBB2_3:
0x2b: {  	p0 =	sne.s32 s28, $0xFE00;
	v1 =	vld [tilespmem:s29+$0x4F00];
	_ =	sdelay $0x3  }
.Ltmp0:
0x2c: {  	(pc) =	sbr.rel @p0 .LBB2_3-.Ltmp0, $4  }
0x2d: {  	v0 =	vadd.f32 v0, v1  }
0x2e: {  	s26 =	sadd.s32 $0x10, s26  }
0x2f: {  	s29 =	sshra.s32 s28, $0x2;
	[tilespmem:s26+$0x0] =	vst v0  }
0x30: {  	s28 =	sadd.s32 $0x200, s28;
	v0 =	vld [tilespmem:s29+$0xCF10]  }
0x31: {  	v1 =	vld [tilespmem:s29+$0x4F00];
	_ =	sdelay $0x3  }
0x32: {  	s28 =	sshll.u32 s24, $0x8  }
0x33: {  	s29 =	sadd.s32 s4, s28;
	v0 =	vadd.f32 v0, v1  }
0x34: {  	s26 =	sadd.s32 $0x10, s26;
	s29 =	sshll.u32 s29, $0x1  }
0x35: {  	s29 =	sadd.s32 s2, s29;
	[tilespmem:s26+$0x0] =	vst v0;
	s26 =	simm.s32 $0x14F00  }
0x36: {  	[hbm4b:s29+s30] =	stream.linear.scatter [tilespmem:s26], [sflag:$0x5], $0x800, $0x38;
	[tilespmem:$0x15700] =	vst v63  }
0x37: {  	_ =	swait.ge [sflag:s11], $0x800  }
0x38: {  	s28 =	smin.u32 s28, $0x2590;
	[sflag:s11] =	ssyncset.done $0x0  }
0x39: {  	s29 =	sadd.s32 $0x100, s28;
	[sflag:s11] =	ssyncadd.s32 $0xFFFFF800  }
0x3a: {  	[tilespmem:s14], [sflag:$0x1] =	stream.indirect.gather [hbm4b:s5+s13], $0x80, s29, s13, $0xb8;
	[tilespmem:$0x15700] =	vst v63  }
0x3b: {  	s28 =	sadd.s32 $0x2880, s28  }
0x3c: {  	[tilespmem:s15], [sflag:$0x3] =	stream.indirect.gather [hbm4b:s5+s13], $0x80, s28, s13, $0xb8;
	[tilespmem:$0x15700] =	vst v63  }
0x3d: {  	_ =	swait.ge [sflag:s20], $0x4000  }
0x3e: {  	[sflag:s20] =	ssyncset.done $0x0  }
0x3f: {  	[sflag:s20] =	ssyncadd.s32 $0xFFFFC000  }
0x40: {  	_ =	swait.ge [sflag:s21], $0x4000  }
0x41: {  	[sflag:s21] =	ssyncset.done $0x0  }
0x42: {  	s28 =	simm.s32 $0x0;
	[sflag:s21] =	ssyncadd.s32 $0xFFFFC000  }
0x43: {  	v0 =	vld [tilespmem:s28+$0x10F10]  }
0x44: {  	v1 =	vld [tilespmem:s28+$0x8F00];
	_ =	sdelay $0x4  }
0x45: {  	v0 =	vadd.f32 v0, v1;
	_ =	sdelay $0x1  }
0x46: {  	s29 =	simm.s32 $0x80;
	[tilespmem:s26+$0x0] =	vst v0  }
0x47: {  	s28 =	simm.s32 $0x400;
	v0 =	vld [tilespmem:s29+$0x10F10]  }
.LBB2_5:
0x48: {  	p0 =	sne.s32 s28, $0xFE00;
	v1 =	vld [tilespmem:s29+$0x8F00];
	_ =	sdelay $0x3  }
.Ltmp1:
0x49: {  	(pc) =	sbr.rel @p0 .LBB2_5-.Ltmp1, $4  }
0x4a: {  	v0 =	vadd.f32 v0, v1  }
0x4b: {  	s26 =	sadd.s32 $0x10, s26  }
0x4c: {  	s29 =	sshra.s32 s28, $0x2;
	[tilespmem:s26+$0x0] =	vst v0  }
0x4d: {  	s28 =	sadd.s32 $0x200, s28;
	v0 =	vld [tilespmem:s29+$0x10F10]  }
0x4e: {  	v1 =	vld [tilespmem:s29+$0x8F00];
	_ =	sdelay $0x4  }
0x4f: {  	s24 =	sadd.s32 $0x1, s24;
	v0 =	vadd.f32 v0, v1  }
0x50: {  	s26 =	sadd.s32 $0x10, s26;
	s25 =	sshll.u32 s25, $0x8;
	p0 =	sne.s32 s24, $0x27  }
.Ltmp2:
0x51: {  	s25 =	sadd.s32 s10, s25;
	[tilespmem:s26+$0x0] =	vst v0;
	(pc) =	sbr.rel @p0 .LBB2_2-.Ltmp2, $4  }
0x52: {  	[hbm4b:s25+s3] =	stream.linear.scatter [tilespmem:s22], [sflag:$0x5], $0x800, $0x38;
	[tilespmem:$0x15700] =	vst v63  }
0x53: {  	_ =	swait.ge [sflag:s11], $0x800  }
0x54: {  	[sflag:s11] =	ssyncset.done $0x0  }
0x55: {  	[sflag:s11] =	ssyncadd.s32 $0xFFFFF800  }
0x56: {  	_ =	swait.ge [sflag:s18], $0x4000  }
0x57: {  	[sflag:s18] =	ssyncset.done $0x0  }
0x58: {  	[sflag:s18] =	ssyncadd.s32 $0xFFFFC000  }
0x59: {  	_ =	swait.ge [sflag:s19], $0x4000  }
0x5a: {  	[sflag:s19] =	ssyncset.done $0x0  }
0x5b: {  	s24 =	simm.s32 $0x0;
	[sflag:s19] =	ssyncadd.s32 $0xFFFFC000  }
0x5c: {  	v0 =	vld [tilespmem:s24+$0xCF10]  }
0x5d: {  	v1 =	vld [tilespmem:s24+$0x4F00];
	_ =	sdelay $0x4  }
0x5e: {  	v0 =	vadd.f32 v0, v1  }
0x5f: {  	s24 =	simm.s32 $0x14F00  }
0x60: {  	s26 =	simm.s32 $0x80;
	[tilespmem:s24+$0x0] =	vst v0  }
0x61: {  	s25 =	simm.s32 $0x400;
	v0 =	vld [tilespmem:s26+$0xCF10]  }
.LBB2_8:
0x62: {  	p0 =	sne.s32 s25, $0xFE00;
	v1 =	vld [tilespmem:s26+$0x4F00];
	_ =	sdelay $0x3  }
.Ltmp3:
0x63: {  	(pc) =	sbr.rel @p0 .LBB2_8-.Ltmp3, $4  }
0x64: {  	v0 =	vadd.f32 v0, v1  }
0x65: {  	s24 =	sadd.s32 $0x10, s24  }
0x66: {  	s26 =	sshra.s32 s25, $0x2;
	[tilespmem:s24+$0x0] =	vst v0  }
0x67: {  	s25 =	sadd.s32 $0x200, s25;
	v0 =	vld [tilespmem:s26+$0xCF10]  }
0x68: {  	v1 =	vld [tilespmem:s26+$0x4F00];
	_ =	sdelay $0x4  }
0x69: {  	s23 =	sadd.s32 $0x1, s23;
	v0 =	vadd.f32 v0, v1  }
0x6a: {  	s24 =	sadd.s32 $0x10, s24;
	p0 =	sne.s32 s23, s9  }
.Ltmp4:
0x6b: {  	[tilespmem:s24+$0x0] =	vst v0;
	(pc) =	sbr.rel @p0 .LBB2_1-.Ltmp4, $4  }
0x6c: {  	[hbm4b:s8+s3] =	stream.linear.scatter [tilespmem:s22], [sflag:$0x5], $0x800, $0x38;
	[tilespmem:$0x15700] =	vst v63  }
0x6d: {  	_ =	swait.ge [sflag:s11], $0x800  }
0x6e: {  	[sflag:s11] =	ssyncset.done $0x0  }
0x6f: {  	[sflag:s11] =	ssyncadd.s32 $0xFFFFF800  }
0x70: {  	_ =	sfence.sel $0x180000  }
0x71: {  	[bflag:$0x0] =	sbarrier.arrive $0xFFFF  }
0x72: {  	p0 =	sne.s32 s0, $0x0;
	_ =	strace $0x90000050  }
0x73: {  	s0 =	sadd.s32 @!p0 $0x100000, s1;
	[bflag:$0x2] =	sbarrier.arrive $0xFFFF  }
0x74: {  	[sflag:s0] =	ssyncadd.tile.s32 @!p0 $0x1;
	_ =	shalt  }
.Lfunc_end2:
_tile_overlayer_lowered:
.L_overlay_start_2:
0x75: {  	(tag) =	ssettag $0x2  }
0x76: {  	s0 =	rddreg [dreg:$0x0];
	s2 =	stileid.u32  }
0x77: {  	s1 =	rddreg [dreg:$0x1];
	p0 =	sne.s32 s2, $0x0  }
0x78: {  	s3 =	rddreg [dreg:$0x2];
	[bflag:$0x3] =	sbarrier.arrive $0xFFFF;
	s2 =	simm.s32 @!p0 $0x1C05  }
0x79: {  	[timem:s3], [sflag:s2] =	dma.local @!p0 [hbm:s0], s1  }
0x7a: {  	s0 =	simm.s32 @!p0 $0x5  }
0x7b: {  	_ =	swait.ge @!p0 [sflag:s0], s1  }
0x7c: {  	s1 =	ssub.s32 @!p0 $0x0, s1;
	[sflag:s0] =	ssyncset.done @!p0 $0x0  }
0x7d: {  	[sflag:s0] =	ssyncadd.s32 @!p0 s1  }
0x7e: {  	[bflag:$0x3] =	sbarrier.arrive $0xFFFF  }
0x7f: {  	_ =	shalt  }

</sc_bundles>
